<compile_context>
chip_gen: v7x
topology: tpu7x:2x2x1
jax: 0.10.2.dev20260603
libtpu: 0.0.44.dev20260713+nightly
codegen_flags: <defaults>
</compile_context>

<pallas_src>
import functools

import jax
import jax.numpy as jnp
from jax import lax
from jax.experimental import pallas as pl
from jax.experimental.pallas import tpu as pltpu
from jax.experimental.pallas import tpu_sc as plsc

NE = 10000
NU = 4096
D = 64
NR = 16
NEDGE = 640000
NNZ = 131072
TOPK = 10
NH = 2
LAM = 0.5

NC = 2
NS = 16
NW = NC * NS
LANES = 16

PKW = 80
EPT = NEDGE // NW
EC = 80
ENCH = EPT // EC
ZPT = NNZ // NW
UC = 64
UNCH = ZPT // UC
NEP = 10240
ESTRIPE = NEP // NS
USTRIPE = NU // NS



_PRE_R = 1000


def _pre_body(e_ref, rel_ref, q_ref, sc_ref):
    e = e_ref[...]
    rel = rel_ref[...]
    q_ref[...] = lax.dot_general(e * e, rel * rel, (((1,), (1,)), ((), ())),
                                 precision=lax.Precision.HIGHEST,
                                 preferred_element_type=jnp.float32)
    sc_ref[...] = rel[:, None, :] * e[None, :, :]


def _pre(e, rel):
    nblk = NE // _PRE_R
    q, scaled = pl.pallas_call(
        _pre_body,
        grid=(nblk,),
        in_specs=[
            pl.BlockSpec((_PRE_R, D), lambda i: (i, 0)),
            pl.BlockSpec((NR, D), lambda i: (0, 0)),
        ],
        out_specs=[
            pl.BlockSpec((_PRE_R, NR), lambda i: (i, 0)),
            pl.BlockSpec((NR, _PRE_R, D), lambda i: (0, i, 0)),
        ],
        out_shape=[
            jax.ShapeDtypeStruct((NE, NR), jnp.float32),
            jax.ShapeDtypeStruct((NR, NE, D), jnp.float32),
        ],
    )(e, rel)
    return q, scaled.reshape(NR * NE, D)



def _sc_edge_body(head, tail, et, qflat, scaled, etab, irows, icols, ivals,
                  zpk, zu,
                  acc_out, accu_out,
                  hv, tv, etv, hqi, tqi, sidx, qhv, qtv, rows, pk,
                  urow, ucol, uval, urows,
                  acc, acc_u, semA, semB, semC):
    c = lax.axis_index("c")
    s = lax.axis_index("s")
    wid = s * NC + c
    lane = lax.iota(jnp.int32, LANES)
    onehot0 = jnp.where(lane == 0, 1.0, 0.0).astype(jnp.float32)
    onehot1 = jnp.where(lane == 1, 1.0, 0.0).astype(jnp.float32)

    pltpu.sync_copy(zpk.at[pl.ds(s * ESTRIPE, ESTRIPE)],
                    acc.at[pl.ds(s * ESTRIPE, ESTRIPE)])
    pltpu.sync_copy(zu.at[pl.ds(s * USTRIPE, USTRIPE)],
                    acc_u.at[pl.ds(s * USTRIPE, USTRIPE)])
    plsc.subcore_barrier()

    ebase = wid * EPT

    def edge_chunk(j, carry):
        off = ebase + j * EC
        pltpu.sync_copy(head.at[pl.ds(off, EC)], hv)
        pltpu.sync_copy(tail.at[pl.ds(off, EC)], tv)
        pltpu.sync_copy(et.at[pl.ds(off, EC)], etv)

        def mkidx(g, carry):
            hh = hv[pl.ds(g * LANES, LANES)]
            tt = tv[pl.ds(g * LANES, LANES)]
            ee = etv[pl.ds(g * LANES, LANES)]
            sidx[pl.ds(g * LANES, LANES)] = ee * NE + tt
            hqi[pl.ds(g * LANES, LANES)] = hh * NR + ee
            tqi[pl.ds(g * LANES, LANES)] = tt * NR + ee
            return carry

        lax.fori_loop(0, EC // LANES, mkidx, 0)

        cp1 = pltpu.async_copy(qflat.at[hqi], qhv, semA)
        cp2 = pltpu.async_copy(qflat.at[tqi], qtv, semB)
        cp3 = pltpu.async_copy(scaled.at[sidx], rows, semC)
        cp1.wait()
        cp2.wait()
        cp3.wait()

        def grp(g, carry):
            qa = qhv[pl.ds(g * LANES, LANES)]
            qb = qtv[pl.ds(g * LANES, LANES)]
            exg = jnp.exp(qa * qb)
            for lc in range(LANES):
                bc = lax.broadcast(exg[lc], (LANES,))
                cc = g * LANES + lc
                pk[cc, pl.ds(D, LANES)] = bc * onehot0 + onehot1
                for k in range(D // LANES):
                    v = rows[cc, pl.ds(k * LANES, LANES)]
                    pk[cc, pl.ds(k * LANES, LANES)] = v * bc
            return carry

        lax.fori_loop(0, EC // LANES, grp, 0)
        pltpu.sync_copy(pk, acc.at[hv], add=True)
        return carry

    lax.fori_loop(0, ENCH, edge_chunk, 0)

    ubase = wid * ZPT

    def spmm_chunk(j, carry):
        off = ubase + j * UC
        pltpu.sync_copy(irows.at[pl.ds(off, UC)], urow)
        pltpu.sync_copy(icols.at[pl.ds(off, UC)], ucol)
        pltpu.sync_copy(ivals.at[pl.ds(off, UC)], uval)
        cp = pltpu.async_copy(etab.at[ucol], urows, semA)
        cp.wait()

        def grp(g, carry):
            vg = uval[pl.ds(g * LANES, LANES)]
            for lc in range(LANES):
                bc = lax.broadcast(vg[lc], (LANES,))
                cc = g * LANES + lc
                for k in range(D // LANES):
                    v = urows[cc, pl.ds(k * LANES, LANES)]
                    urows[cc, pl.ds(k * LANES, LANES)] = v * bc
            return carry

        lax.fori_loop(0, UC // LANES, grp, 0)
        pltpu.sync_copy(urows, acc_u.at[urow], add=True)
        return carry

    lax.fori_loop(0, UNCH, spmm_chunk, 0)

    plsc.subcore_barrier()
    pltpu.sync_copy(acc.at[pl.ds(s * ESTRIPE, ESTRIPE)],
                    acc_out.at[c, pl.ds(s * ESTRIPE, ESTRIPE)])
    pltpu.sync_copy(acc_u.at[pl.ds(s * USTRIPE, USTRIPE)],
                    accu_out.at[c, pl.ds(s * USTRIPE, USTRIPE)])


@functools.partial(jax.jit, static_argnums=())
def _sc_edge(head, tail, et, q, scaled, etab, irows, icols, ivals):
    zpk = jnp.zeros((NEP, PKW), jnp.float32)
    zu = jnp.zeros((NU, D), jnp.float32)
    mesh = plsc.VectorSubcoreMesh(core_axis_name="c", subcore_axis_name="s",
                                  num_cores=NC, num_subcores=NS)
    f = pl.kernel(
        _sc_edge_body,
        compiler_params=pltpu.CompilerParams(use_tc_tiling_on_sc=False),
        out_type=[
            jax.ShapeDtypeStruct((NC, NEP, PKW), jnp.float32),
            jax.ShapeDtypeStruct((NC, NU, D), jnp.float32),
        ],
        mesh=mesh,
        scratch_types=[
            pltpu.VMEM((EC,), jnp.int32),
            pltpu.VMEM((EC,), jnp.int32),
            pltpu.VMEM((EC,), jnp.int32),
            pltpu.VMEM((EC,), jnp.int32),
            pltpu.VMEM((EC,), jnp.int32),
            pltpu.VMEM((EC,), jnp.int32),
            pltpu.VMEM((EC,), jnp.float32),
            pltpu.VMEM((EC,), jnp.float32),
            pltpu.VMEM((EC, D), jnp.float32),
            pltpu.VMEM((EC, PKW), jnp.float32),
            pltpu.VMEM((UC,), jnp.int32),
            pltpu.VMEM((UC,), jnp.int32),
            pltpu.VMEM((UC,), jnp.float32),
            pltpu.VMEM((UC, D), jnp.float32),
            pltpu.VMEM_SHARED((NEP, PKW), jnp.float32),
            pltpu.VMEM_SHARED((NU, D), jnp.float32),
            pltpu.SemaphoreType.DMA,
            pltpu.SemaphoreType.DMA,
            pltpu.SemaphoreType.DMA,
        ],
    )
    return f(head, tail, et, q, scaled, etab, irows, icols, ivals, zpk, zu)



def _post_body(final, acc_ref, accu_ref, u_ref, rel_ref, esum_ref, usum_ref,
               e_o, u_o, es_o, us_o):
    accA = acc_ref[0, :NE]
    accB = acc_ref[1, :NE]
    num = accA[:, :D] + accB[:, :D]
    den = accA[:, D] + accB[:, D]
    cnt = accA[:, D + 1] + accB[:, D + 1]
    scale = jnp.where(den > 0.0, 1.0 / (den * jnp.maximum(cnt, 1.0)), 0.0)
    eagg = num * scale[:, None]
    en = jnp.sqrt(jnp.sum(eagg * eagg, axis=1, keepdims=True))
    e_next = eagg / jnp.maximum(en, 1e-12)

    uagg = accu_ref[0] + accu_ref[1]
    u = u_ref[...]
    rel = rel_ref[...]
    logits = lax.dot_general(u, rel, (((1,), (1,)), ((), ())),
                             preferred_element_type=jnp.float32)
    m = jnp.max(logits, axis=1, keepdims=True)
    p = jnp.exp(logits - m)
    score = p / jnp.sum(p, axis=1, keepdims=True)
    uagg = uagg + jnp.dot(score, rel,
                          preferred_element_type=jnp.float32) * uagg
    un = jnp.sqrt(jnp.sum(uagg * uagg, axis=1, keepdims=True))
    u_next = uagg / jnp.maximum(un, 1e-12)

    es = esum_ref[...] + e_next
    us = usum_ref[...] + u_next
    e_o[...] = e_next
    u_o[...] = u_next
    if final:
        es_o[...] = es / jnp.float32(NH + 1)
        us_o[...] = us / jnp.float32(NH + 1)
    else:
        es_o[...] = es
        us_o[...] = us


def _post(acc, accu, u, rel, esum, usum, final):
    return pl.pallas_call(
        functools.partial(_post_body, final),
        out_shape=[
            jax.ShapeDtypeStruct((NE, D), jnp.float32),
            jax.ShapeDtypeStruct((NU, D), jnp.float32),
            jax.ShapeDtypeStruct((NE, D), jnp.float32),
            jax.ShapeDtypeStruct((NU, D), jnp.float32),
        ],
    )(acc, accu, u, rel, esum, usum)



_SIMTOPK_R = 200


def _simtopk_body(a_ref, b_ref, val_ref, idx_ref, d_ref):
    a = a_ref[...]
    a = a / jnp.sqrt(jnp.sum(a * a, axis=1, keepdims=True))
    b = b_ref[...]
    b = b / jnp.sqrt(jnp.sum(b * b, axis=1, keepdims=True))
    sim = lax.dot_general(a, b, (((1,), (1,)), ((), ())),
                          preferred_element_type=jnp.float32)
    colid = lax.broadcasted_iota(jnp.int32, (_SIMTOPK_R, NE), 1)
    total = jnp.zeros((_SIMTOPK_R,), jnp.float32)
    neg_inf = jnp.float32(-jnp.inf)
    for k in range(TOPK):
        m = jnp.max(sim, axis=1)
        am = jnp.min(jnp.where(sim == m[:, None], colid, NE), axis=1)
        val_ref[:, k:k + 1] = m[:, None]
        idx_ref[:, k:k + 1] = am[:, None]
        total = total + m
        sim = jnp.where(colid == am[:, None], neg_inf, sim)
    d_ref[:, 0:1] = lax.rsqrt(total)[:, None]


def _sim_topk(context):
    nblk = NE // _SIMTOPK_R
    return pl.pallas_call(
        _simtopk_body,
        grid=(nblk,),
        in_specs=[
            pl.BlockSpec((_SIMTOPK_R, D), lambda i: (i, 0)),
            pl.BlockSpec((NE, D), lambda i: (0, 0)),
        ],
        out_specs=[
            pl.BlockSpec((_SIMTOPK_R, TOPK), lambda i: (i, 0)),
            pl.BlockSpec((_SIMTOPK_R, TOPK), lambda i: (i, 0)),
            pl.BlockSpec((_SIMTOPK_R, 1), lambda i: (i, 0)),
        ],
        out_shape=[
            jax.ShapeDtypeStruct((NE, TOPK), jnp.float32),
            jax.ShapeDtypeStruct((NE, TOPK), jnp.int32),
            jax.ShapeDtypeStruct((NE, 1), jnp.float32),
        ],
    )(context, context)


def _build_adj(context):
    knn_val, knn_index, d_col = _sim_topk(context)
    rows = jnp.repeat(jnp.arange(NE, dtype=jnp.int32), TOPK)
    cols = knn_index.reshape(-1)
    vals = knn_val.reshape(-1)
    d_inv_sqrt = d_col[:, 0]
    norm_vals = d_inv_sqrt[rows] * vals * d_inv_sqrt[cols]
    return norm_vals, jnp.stack([rows, cols], axis=0)


def kernel(user_emb, entity_emb, relation_emb, edge_index, edge_type,
           inter_rows, inter_cols, inter_vals):
    head = edge_index[0]
    tail = edge_index[1]
    v0, i0 = _build_adj(entity_emb)
    e, u = entity_emb, user_emb
    esum, usum = entity_emb, user_emb
    for hop in range(NH):
        q, scaled = _pre(e, relation_emb)
        acc, accu = _sc_edge(head, tail, edge_type, q.reshape(-1), scaled, e,
                             inter_rows, inter_cols, inter_vals)
        e, u, esum, usum = _post(acc, accu, u, relation_emb, esum, usum,
                                 final=(hop == NH - 1))
    entity_res_emb, user_res_emb = esum, usum
    v1, i1 = _build_adj(entity_res_emb)
    adj_vals = jnp.concatenate([(1.0 - LAM) * v1, LAM * v0])
    adj_idx = jnp.concatenate([i1, i0], axis=1)
    return entity_res_emb, user_res_emb, adj_vals, adj_idx

# --- scband reference (transcript-rebuilt; emitter-appended) ---
"""Pipeline reference for scband-graph-conv-46093589020994 (READ-ONLY COPY).

The authoritative reference and input builder live on the scoring server;
editing this copy changes nothing except your own understanding.
"""

import jax, jax.numpy as jnp
import numpy as np

N_ENT = 10000
N_USR = 4096
D = 64
N_REL = 16
N_EDGE = 640000
NNZ = 131072
TOPK = 10
N_HOPS = 2
LAM = 0.5


def setup_inputs():
    ks = jax.random.split(jax.random.key(0), 8)
    return dict(
        user_emb=jax.random.normal(ks[0], (N_USR, D), jnp.float32),
        entity_emb=jax.random.normal(ks[1], (N_ENT, D), jnp.float32),
        relation_emb=0.1 * jax.random.normal(ks[2], (N_REL, D), jnp.float32),
        edge_index=jax.random.randint(ks[3], (2, N_EDGE), 0, N_ENT, jnp.int32),
        edge_type=jax.random.randint(ks[4], (N_EDGE,), 0, N_REL, jnp.int32),
        inter_rows=jax.random.randint(ks[5], (NNZ,), 0, N_USR, jnp.int32),
        inter_cols=jax.random.randint(ks[6], (NNZ,), 0, N_ENT, jnp.int32),
        inter_vals=jax.random.uniform(ks[7], (NNZ,), jnp.float32),
    )


def _l2normalize(x, eps=1e-12):
    n = jnp.linalg.norm(x, axis=-1, keepdims=True)
    return x / jnp.maximum(n, eps)


def _aggregate(entity_emb, user_emb, relation_emb, head, tail, edge_type,
               inter_rows, inter_cols, inter_vals):
    # Aggregator.forward with attention=True, item_only=False
    edge_rel = relation_emb[edge_type]                       # [E, D] gather
    neigh = entity_emb[tail] * edge_rel                      # [E, D] gather
    # calculate_sim_hrt
    t_norm = jnp.linalg.norm(entity_emb[tail] * edge_rel, axis=1)   # [E]
    h_norm = jnp.linalg.norm(entity_emb[head] * edge_rel, axis=1)   # [E]
    att = (h_norm * t_norm) ** 2                             # [E]
    # scatter_softmax over head segments
    seg_max = jax.ops.segment_max(att, head, num_segments=N_ENT)
    seg_max = jnp.where(jnp.isfinite(seg_max), seg_max, 0.0)
    ex = jnp.exp(att - seg_max[head])
    denom = jax.ops.segment_sum(ex, head, num_segments=N_ENT)
    w = (ex / denom[head])[:, None]                          # [E, 1] broadcast == expand
    neigh = w * neigh
    # scatter_mean(src=neigh, index=head, dim_size=N_ENT)
    summ = jax.ops.segment_sum(neigh, head, num_segments=N_ENT)
    cnt = jax.ops.segment_sum(jnp.ones((head.shape[0],), jnp.float32), head, num_segments=N_ENT)
    entity_agg = summ / jnp.maximum(cnt, 1.0)[:, None]
    # user_agg = torch.sparse.mm(inter_matrix, entity_emb)  (COO spmm via scatter-add)
    user_agg = jnp.zeros((N_USR, D), jnp.float32).at[inter_rows].add(
        inter_vals[:, None] * entity_emb[inter_cols])
    score = jax.nn.softmax(user_emb @ relation_emb.T, axis=-1)
    user_agg = user_agg + (score @ relation_emb) * user_agg
    return entity_agg, user_agg


def _build_adj(context):
    # kNN item-item semantic graph, D^-1/2 A D^-1/2 normalized, returned as COO
    ctx = context / jnp.linalg.norm(context, axis=-1, keepdims=True)
    sim = ctx @ ctx.T                                        # [N, N]
    knn_val, knn_index = jax.lax.top_k(sim, TOPK)
    rows = jnp.repeat(jnp.arange(N_ENT, dtype=jnp.int32), TOPK)
    cols = knn_index.reshape(-1).astype(jnp.int32)
    vals = knn_val.reshape(-1)
    rowsum = jnp.sum(knn_val, axis=-1)
    d_inv_sqrt = rowsum ** -0.5
    norm_vals = d_inv_sqrt[rows] * vals * d_inv_sqrt[cols]
    return norm_vals, jnp.stack([rows, cols], axis=0)


def _forward(user_emb, entity_emb, relation_emb, edge_index, edge_type,
             inter_rows, inter_cols, inter_vals):
    head = edge_index[0]
    tail = edge_index[1]
    origin_entity_emb = entity_emb
    e_res = [entity_emb]
    u_res = [user_emb]
    e, u = entity_emb, user_emb
    for _ in range(N_HOPS):
        e, u = _aggregate(e, u, relation_emb, head, tail, edge_type,
                          inter_rows, inter_cols, inter_vals)
        e = _l2normalize(e)
        u = _l2normalize(u)
        e_res.append(e)
        u_res.append(u)
    entity_res_emb = jnp.mean(jnp.stack(e_res, axis=1), axis=1)
    user_res_emb = jnp.mean(jnp.stack(u_res, axis=1), axis=1)
    v1, i1 = _build_adj(entity_res_emb)
    v0, i0 = _build_adj(origin_entity_emb)
    # item_adj = (1-lambda)*adj(res) + lambda*adj(origin)  (sparse add == COO concat)
    adj_vals = jnp.concatenate([(1.0 - LAM) * v1, LAM * v0])
    adj_idx = jnp.concatenate([i1, i0], axis=1)
    return entity_res_emb, user_res_emb, adj_vals, adj_idx


def reference(user_emb, entity_emb, relation_emb, edge_index, edge_type,
              inter_rows, inter_cols, inter_vals):
    return _forward(user_emb, entity_emb, relation_emb, edge_index, edge_type,
                    inter_rows, inter_cols, inter_vals)

if __name__ == "__main__":
    import jax
    _d = setup_inputs()
    print(jax.jit(kernel)(*tuple(_d.values())))

</pallas_src>

<mosaic_0001>
#map = affine_map<(d0, d1) -> (0)>
#map1 = affine_map<(d0, d1) -> (0, 0)>
#map2 = affine_map<(d0, d1) -> (0, 0, 0)>
module attributes {stable_mosaic.version = 14 : i64} {
  func.func @_sc_edge_body(%arg0: i32, %arg1: i32, %arg2: memref<640000xi32, #tpu.memory_space<hbm>>, %arg3: memref<640000xi32, #tpu.memory_space<hbm>>, %arg4: memref<640000xi32, #tpu.memory_space<hbm>>, %arg5: memref<160000xf32, #tpu.memory_space<hbm>>, %arg6: memref<160000x64xf32, #tpu.memory_space<hbm>>, %arg7: memref<10000x64xf32, #tpu.memory_space<hbm>>, %arg8: memref<131072xi32, #tpu.memory_space<hbm>>, %arg9: memref<131072xi32, #tpu.memory_space<hbm>>, %arg10: memref<131072xf32, #tpu.memory_space<hbm>>, %arg11: memref<10240x80xf32, #tpu.memory_space<hbm>>, %arg12: memref<4096x64xf32, #tpu.memory_space<hbm>>, %arg13: memref<2x10240x80xf32, #tpu.memory_space<hbm>>, %arg14: memref<2x4096x64xf32, #tpu.memory_space<hbm>>, %arg15: memref<80xi32, #tpu.memory_space<vmem>>, %arg16: memref<80xi32, #tpu.memory_space<vmem>>, %arg17: memref<80xi32, #tpu.memory_space<vmem>>, %arg18: memref<80xi32, #tpu.memory_space<vmem>>, %arg19: memref<80xi32, #tpu.memory_space<vmem>>, %arg20: memref<80xi32, #tpu.memory_space<vmem>>, %arg21: memref<80xf32, #tpu.memory_space<vmem>>, %arg22: memref<80xf32, #tpu.memory_space<vmem>>, %arg23: memref<80x64xf32, #tpu.memory_space<vmem>>, %arg24: memref<80x80xf32, #tpu.memory_space<vmem>>, %arg25: memref<64xi32, #tpu.memory_space<vmem>>, %arg26: memref<64xi32, #tpu.memory_space<vmem>>, %arg27: memref<64xf32, #tpu.memory_space<vmem>>, %arg28: memref<64x64xf32, #tpu.memory_space<vmem>>, %arg29: memref<10240x80xf32, #tpu.memory_space<vmem_shared>>, %arg30: memref<4096x64xf32, #tpu.memory_space<vmem_shared>>, %arg31: memref<!tpu.dma_semaphore, #tpu.memory_space<semaphore_mem>>, %arg32: memref<!tpu.dma_semaphore, #tpu.memory_space<semaphore_mem>>, %arg33: memref<!tpu.dma_semaphore, #tpu.memory_space<semaphore_mem>>) attributes {dimension_semantics = [#tpu.dimension_semantics<core_parallel>, #tpu.dimension_semantics<subcore_parallel>], iteration_bounds = array<i64: 2, 16>, scalar_prefetch = 0 : i64, scratch_operands = 19 : i64, tpu.core_type = #tpu.core_type<sc_vector_subcore>, window_params = [{transform_indices = #map}, {transform_indices = #map}, {transform_indices = #map}, {transform_indices = #map}, {transform_indices = #map1}, {transform_indices = #map1}, {transform_indices = #map}, {transform_indices = #map}, {transform_indices = #map}, {transform_indices = #map1}, {transform_indices = #map1}, {transform_indices = #map2}, {transform_indices = #map2}]} {
    %mul3A = arith.constant 2 : i32
    %mul3A_0 = arith.muli %arg1, %mul3A : i32
    %add3A = arith.addi %mul3A_0, %arg0 : i32
    %iota3A = tpu.iota {dimensions = array<i32: 0>} : vector<16xi32>
    %eq3A = arith.constant 0 : i32
    %eq3A_1 = vector.broadcast %eq3A : i32 to vector<16xi32>
    %eq3A_2 = arith.cmpi eq, %iota3A, %eq3A_1 : vector<16xi32>
    %jit3A = arith.constant 1.000000e+00 : f32
    %jit3A_3 = arith.constant 0.000000e+00 : f32
    %broadcast_in_dim3A = vector.broadcast %jit3A : f32 to vector<16xf32>
    %broadcast_in_dim3A_4 = vector.broadcast %jit3A_3 : f32 to vector<16xf32>
    %select_n3A = arith.select %eq3A_2, %broadcast_in_dim3A, %broadcast_in_dim3A_4 : vector<16xi1>, vector<16xf32>
    %eq3A_5 = arith.constant 1 : i32
    %eq3A_6 = vector.broadcast %eq3A_5 : i32 to vector<16xi32>
    %eq3A_7 = arith.cmpi eq, %iota3A, %eq3A_6 : vector<16xi32>
    %jit3A_8 = arith.constant 1.000000e+00 : f32
    %jit3A_9 = arith.constant 0.000000e+00 : f32
    %broadcast_in_dim3A_10 = vector.broadcast %jit3A_8 : f32 to vector<16xf32>
    %broadcast_in_dim3A_11 = vector.broadcast %jit3A_9 : f32 to vector<16xf32>
    %select_n3A_12 = arith.select %eq3A_7, %broadcast_in_dim3A_10, %broadcast_in_dim3A_11 : vector<16xi1>, vector<16xf32>
    %mul3A_13 = arith.constant 640 : i32
    %mul3A_14 = arith.muli %arg1, %mul3A_13 : i32
    %mul3A_15 = arith.constant 640 : i32
    %mul3A_16 = arith.muli %arg1, %mul3A_15 : i32
    "tpu.region"() ({
      %run_scoped3A = tpu.sem_alloc : memref<!tpu.dma_semaphore, #tpu.memory_space<semaphore_mem>>
      %dma_start3A = arith.constant 0 : i32
      %dma_start3A_45 = tpu.memref_slice %arg29[%mul3A_16, %dma_start3A] : memref<10240x80xf32, #tpu.memory_space<vmem_shared>> -> memref<640x80xf32, #tpu.memory_space<vmem_shared>>
      %dma_start3A_46 = arith.constant 0 : i32
      %dma_start3A_47 = tpu.memref_slice %arg11[%mul3A_14, %dma_start3A_46] : memref<10240x80xf32, #tpu.memory_space<hbm>> -> memref<640x80xf32, #tpu.memory_space<hbm>>
      tpu.enqueue_dma source(%dma_start3A_47 : memref<640x80xf32, #tpu.memory_space<hbm>>) target(%dma_start3A_45 : memref<640x80xf32, #tpu.memory_space<vmem_shared>>) target_semaphore(%run_scoped3A : memref<!tpu.dma_semaphore, #tpu.memory_space<semaphore_mem>>)
      %dma_wait3A = arith.constant 0 : i32
      %dma_wait3A_48 = tpu.memref_slice %arg29[%mul3A_16, %dma_wait3A] : memref<10240x80xf32, #tpu.memory_space<vmem_shared>> -> memref<640x80xf32, #tpu.memory_space<vmem_shared>>
      %dma_wait3A_49 = arith.constant 0 : i32
      %dma_wait3A_50 = tpu.memref_slice %arg11[%mul3A_14, %dma_wait3A_49] : memref<10240x80xf32, #tpu.memory_space<hbm>> -> memref<640x80xf32, #tpu.memory_space<hbm>>
      tpu.wait_dma2 semaphore(%run_scoped3A : memref<!tpu.dma_semaphore, #tpu.memory_space<semaphore_mem>>) src(%dma_wait3A_50 : memref<640x80xf32, #tpu.memory_space<hbm>>) dst(%dma_wait3A_48 : memref<640x80xf32, #tpu.memory_space<vmem_shared>>)
      tpu.yield
    }) : () -> ()
    %mul3A_17 = arith.constant 256 : i32
    %mul3A_18 = arith.muli %arg1, %mul3A_17 : i32
    %mul3A_19 = arith.constant 256 : i32
    %mul3A_20 = arith.muli %arg1, %mul3A_19 : i32
    "tpu.region"() ({
      %run_scoped3A = tpu.sem_alloc : memref<!tpu.dma_semaphore, #tpu.memory_space<semaphore_mem>>
      %dma_start3A = arith.constant 0 : i32
      %dma_start3A_45 = tpu.memref_slice %arg30[%mul3A_20, %dma_start3A] : memref<4096x64xf32, #tpu.memory_space<vmem_shared>> -> memref<256x64xf32, #tpu.memory_space<vmem_shared>>
      %dma_start3A_46 = arith.constant 0 : i32
      %dma_start3A_47 = tpu.memref_slice %arg12[%mul3A_18, %dma_start3A_46] : memref<4096x64xf32, #tpu.memory_space<hbm>> -> memref<256x64xf32, #tpu.memory_space<hbm>>
      tpu.enqueue_dma source(%dma_start3A_47 : memref<256x64xf32, #tpu.memory_space<hbm>>) target(%dma_start3A_45 : memref<256x64xf32, #tpu.memory_space<vmem_shared>>) target_semaphore(%run_scoped3A : memref<!tpu.dma_semaphore, #tpu.memory_space<semaphore_mem>>)
      %dma_wait3A = arith.constant 0 : i32
      %dma_wait3A_48 = tpu.memref_slice %arg30[%mul3A_20, %dma_wait3A] : memref<4096x64xf32, #tpu.memory_space<vmem_shared>> -> memref<256x64xf32, #tpu.memory_space<vmem_shared>>
      %dma_wait3A_49 = arith.constant 0 : i32
      %dma_wait3A_50 = tpu.memref_slice %arg12[%mul3A_18, %dma_wait3A_49] : memref<4096x64xf32, #tpu.memory_space<hbm>> -> memref<256x64xf32, #tpu.memory_space<hbm>>
      tpu.wait_dma2 semaphore(%run_scoped3A : memref<!tpu.dma_semaphore, #tpu.memory_space<semaphore_mem>>) src(%dma_wait3A_50 : memref<256x64xf32, #tpu.memory_space<hbm>>) dst(%dma_wait3A_48 : memref<256x64xf32, #tpu.memory_space<vmem_shared>>)
      tpu.yield
    }) : () -> ()
    %barrier3A = arith.constant 0 : index
    tpu.barrier barrier_id(%barrier3A)
    %mul3A_21 = arith.constant 20000 : i32
    %mul3A_22 = arith.muli %add3A, %mul3A_21 : i32
    %scan3A = arith.constant 0 : i32
    %scan3A_23 = arith.constant 0 : i32
    %scan3A_24 = arith.constant 250 : i32
    %scan3A_25 = arith.addi %scan3A_23, %scan3A_24 : i32
    %scan3A_26 = arith.constant 1 : i32
    scf.for %scan3A_45 = %scan3A_23 to %scan3A_25 step %scan3A_26  : i32 {
      %mul3A_46 = arith.constant 80 : i32
      %mul3A_47 = arith.muli %scan3A_45, %mul3A_46 : i32
      %add3A_48 = arith.addi %mul3A_22, %mul3A_47 : i32
      "tpu.region"() ({
        %run_scoped3A = tpu.sem_alloc : memref<!tpu.dma_semaphore, #tpu.memory_space<semaphore_mem>>
        %dma_start3A_73 = tpu.memref_slice %arg2[%add3A_48] : memref<640000xi32, #tpu.memory_space<hbm>> -> memref<80xi32, #tpu.memory_space<hbm>>
        %dma_start3A_74 = tpu.memref_slice %arg2[%add3A_48] : memref<640000xi32, #tpu.memory_space<hbm>> -> memref<80xi32, #tpu.memory_space<hbm>>
        tpu.enqueue_dma source(%dma_start3A_74 : memref<80xi32, #tpu.memory_space<hbm>>) target(%arg15 : memref<80xi32, #tpu.memory_space<vmem>>) target_semaphore(%run_scoped3A : memref<!tpu.dma_semaphore, #tpu.memory_space<semaphore_mem>>)
        %dma_wait3A_75 = tpu.memref_slice %arg2[%add3A_48] : memref<640000xi32, #tpu.memory_space<hbm>> -> memref<80xi32, #tpu.memory_space<hbm>>
        %dma_wait3A_76 = tpu.memref_slice %arg2[%add3A_48] : memref<640000xi32, #tpu.memory_space<hbm>> -> memref<80xi32, #tpu.memory_space<hbm>>
        tpu.wait_dma2 semaphore(%run_scoped3A : memref<!tpu.dma_semaphore, #tpu.memory_space<semaphore_mem>>) src(%dma_wait3A_76 : memref<80xi32, #tpu.memory_space<hbm>>) dst(%arg15 : memref<80xi32, #tpu.memory_space<vmem>>)
        tpu.yield
      }) : () -> ()
      "tpu.region"() ({
        %run_scoped3A = tpu.sem_alloc : memref<!tpu.dma_semaphore, #tpu.memory_space<semaphore_mem>>
        %dma_start3A_73 = tpu.memref_slice %arg3[%add3A_48] : memref<640000xi32, #tpu.memory_space<hbm>> -> memref<80xi32, #tpu.memory_space<hbm>>
        %dma_start3A_74 = tpu.memref_slice %arg3[%add3A_48] : memref<640000xi32, #tpu.memory_space<hbm>> -> memref<80xi32, #tpu.memory_space<hbm>>
        tpu.enqueue_dma source(%dma_start3A_74 : memref<80xi32, #tpu.memory_space<hbm>>) target(%arg16 : memref<80xi32, #tpu.memory_space<vmem>>) target_semaphore(%run_scoped3A : memref<!tpu.dma_semaphore, #tpu.memory_space<semaphore_mem>>)
        %dma_wait3A_75 = tpu.memref_slice %arg3[%add3A_48] : memref<640000xi32, #tpu.memory_space<hbm>> -> memref<80xi32, #tpu.memory_space<hbm>>
        %dma_wait3A_76 = tpu.memref_slice %arg3[%add3A_48] : memref<640000xi32, #tpu.memory_space<hbm>> -> memref<80xi32, #tpu.memory_space<hbm>>
        tpu.wait_dma2 semaphore(%run_scoped3A : memref<!tpu.dma_semaphore, #tpu.memory_space<semaphore_mem>>) src(%dma_wait3A_76 : memref<80xi32, #tpu.memory_space<hbm>>) dst(%arg16 : memref<80xi32, #tpu.memory_space<vmem>>)
        tpu.yield
      }) : () -> ()
      "tpu.region"() ({
        %run_scoped3A = tpu.sem_alloc : memref<!tpu.dma_semaphore, #tpu.memory_space<semaphore_mem>>
        %dma_start3A_73 = tpu.memref_slice %arg4[%add3A_48] : memref<640000xi32, #tpu.memory_space<hbm>> -> memref<80xi32, #tpu.memory_space<hbm>>
        %dma_start3A_74 = tpu.memref_slice %arg4[%add3A_48] : memref<640000xi32, #tpu.memory_space<hbm>> -> memref<80xi32, #tpu.memory_space<hbm>>
        tpu.enqueue_dma source(%dma_start3A_74 : memref<80xi32, #tpu.memory_space<hbm>>) target(%arg17 : memref<80xi32, #tpu.memory_space<vmem>>) target_semaphore(%run_scoped3A : memref<!tpu.dma_semaphore, #tpu.memory_space<semaphore_mem>>)
        %dma_wait3A_75 = tpu.memref_slice %arg4[%add3A_48] : memref<640000xi32, #tpu.memory_space<hbm>> -> memref<80xi32, #tpu.memory_space<hbm>>
        %dma_wait3A_76 = tpu.memref_slice %arg4[%add3A_48] : memref<640000xi32, #tpu.memory_space<hbm>> -> memref<80xi32, #tpu.memory_space<hbm>>
        tpu.wait_dma2 semaphore(%run_scoped3A : memref<!tpu.dma_semaphore, #tpu.memory_space<semaphore_mem>>) src(%dma_wait3A_76 : memref<80xi32, #tpu.memory_space<hbm>>) dst(%arg17 : memref<80xi32, #tpu.memory_space<vmem>>)
        tpu.yield
      }) : () -> ()
      %scan3A_49 = arith.constant 0 : i32
      %scan3A_50 = arith.constant 0 : i32
      %scan3A_51 = arith.constant 5 : i32
      %scan3A_52 = arith.addi %scan3A_50, %scan3A_51 : i32
      %scan3A_53 = arith.constant 1 : i32
      scf.for %scan3A_73 = %scan3A_50 to %scan3A_52 step %scan3A_53  : i32 {
        %mul3A_74 = arith.constant 16 : i32
        %mul3A_75 = arith.muli %scan3A_73, %mul3A_74 : i32
        %get3A = arith.index_cast %mul3A_75 : i32 to index
        %get3A_76 = tpu.vector_load %arg15[%get3A] {strides = array<i32>} : memref<80xi32, #tpu.memory_space<vmem>>, vector<16xi32>,
        %get3A_77 = vector.shape_cast %get3A_76 : vector<16xi32> to vector<16xi32>
        %mul3A_78 = arith.constant 16 : i32
        %mul3A_79 = arith.muli %scan3A_73, %mul3A_78 : i32
        %get3A_80 = arith.index_cast %mul3A_79 : i32 to index
        %get3A_81 = tpu.vector_load %arg16[%get3A_80] {strides = array<i32>} : memref<80xi32, #tpu.memory_space<vmem>>, vector<16xi32>,
        %get3A_82 = vector.shape_cast %get3A_81 : vector<16xi32> to vector<16xi32>
        %mul3A_83 = arith.constant 16 : i32
        %mul3A_84 = arith.muli %scan3A_73, %mul3A_83 : i32
        %get3A_85 = arith.index_cast %mul3A_84 : i32 to index
        %get3A_86 = tpu.vector_load %arg17[%get3A_85] {strides = array<i32>} : memref<80xi32, #tpu.memory_space<vmem>>, vector<16xi32>,
        %get3A_87 = vector.shape_cast %get3A_86 : vector<16xi32> to vector<16xi32>
        %mul3A_88 = arith.constant 10000 : i32
        %mul3A_89 = vector.broadcast %mul3A_88 : i32 to vector<16xi32>
        %mul3A_90 = arith.muli %get3A_87, %mul3A_89 : vector<16xi32>
        %add3A_91 = arith.addi %mul3A_90, %get3A_82 : vector<16xi32>
        %mul3A_92 = arith.constant 16 : i32
        %mul3A_93 = arith.muli %scan3A_73, %mul3A_92 : i32
        %swap3A = arith.index_cast %mul3A_93 : i32 to index
        %swap3A_94 = tpu.vector_load %arg20[%swap3A] {strides = array<i32>} : memref<80xi32, #tpu.memory_space<vmem>>, vector<16xi32>,
        %swap3A_95 = vector.shape_cast %swap3A_94 : vector<16xi32> to vector<16xi32>
        %swap3A_96 = vector.shape_cast %add3A_91 : vector<16xi32> to vector<16xi32>
        tpu.vector_store %arg20[%swap3A], %swap3A_96 {strides = array<i32>} : memref<80xi32, #tpu.memory_space<vmem>>, vector<16xi32>,
        %mul3A_97 = arith.constant 16 : i32
        %mul3A_98 = vector.broadcast %mul3A_97 : i32 to vector<16xi32>
        %mul3A_99 = arith.muli %get3A_77, %mul3A_98 : vector<16xi32>
        %add3A_100 = arith.addi %mul3A_99, %get3A_87 : vector<16xi32>
        %mul3A_101 = arith.constant 16 : i32
        %mul3A_102 = arith.muli %scan3A_73, %mul3A_101 : i32
        %swap3A_103 = arith.index_cast %mul3A_102 : i32 to index
        %swap3A_104 = tpu.vector_load %arg18[%swap3A_103] {strides = array<i32>} : memref<80xi32, #tpu.memory_space<vmem>>, vector<16xi32>,
        %swap3A_105 = vector.shape_cast %swap3A_104 : vector<16xi32> to vector<16xi32>
        %swap3A_106 = vector.shape_cast %add3A_100 : vector<16xi32> to vector<16xi32>
        tpu.vector_store %arg18[%swap3A_103], %swap3A_106 {strides = array<i32>} : memref<80xi32, #tpu.memory_space<vmem>>, vector<16xi32>,
        %mul3A_107 = arith.constant 16 : i32
        %mul3A_108 = vector.broadcast %mul3A_107 : i32 to vector<16xi32>
        %mul3A_109 = arith.muli %get3A_82, %mul3A_108 : vector<16xi32>
        %add3A_110 = arith.addi %mul3A_109, %get3A_87 : vector<16xi32>
        %mul3A_111 = arith.constant 16 : i32
        %mul3A_112 = arith.muli %scan3A_73, %mul3A_111 : i32
        %swap3A_113 = arith.index_cast %mul3A_112 : i32 to index
        %swap3A_114 = tpu.vector_load %arg19[%swap3A_113] {strides = array<i32>} : memref<80xi32, #tpu.memory_space<vmem>>, vector<16xi32>,
        %swap3A_115 = vector.shape_cast %swap3A_114 : vector<16xi32> to vector<16xi32>
        %swap3A_116 = vector.shape_cast %add3A_110 : vector<16xi32> to vector<16xi32>
        tpu.vector_store %arg19[%swap3A_113], %swap3A_116 {strides = array<i32>} : memref<80xi32, #tpu.memory_space<vmem>>, vector<16xi32>,
      }
      %scan3A_54 = arith.constant 5 : i32
      %dma_start3A = arith.constant 0 : i32
      %dma_start3A_55 = tpu.memref_slice %arg5[%dma_start3A] : memref<160000xf32, #tpu.memory_space<hbm>> -> memref<160000xf32, #tpu.memory_space<hbm>>
      tpu.enqueue_indirect_dma source(%dma_start3A_55 : memref<160000xf32, #tpu.memory_space<hbm>>) target(%arg21 : memref<80xf32, #tpu.memory_space<vmem>>) offsets(%arg18 : memref<80xi32, #tpu.memory_space<vmem>>) semaphore(%arg31 : memref<!tpu.dma_semaphore, #tpu.memory_space<semaphore_mem>>)
      %dma_start3A_56 = arith.constant 0 : i32
      %dma_start3A_57 = tpu.memref_slice %arg5[%dma_start3A_56] : memref<160000xf32, #tpu.memory_space<hbm>> -> memref<160000xf32, #tpu.memory_space<hbm>>
      tpu.enqueue_indirect_dma source(%dma_start3A_57 : memref<160000xf32, #tpu.memory_space<hbm>>) target(%arg22 : memref<80xf32, #tpu.memory_space<vmem>>) offsets(%arg19 : memref<80xi32, #tpu.memory_space<vmem>>) semaphore(%arg32 : memref<!tpu.dma_semaphore, #tpu.memory_space<semaphore_mem>>)
      %dma_start3A_58 = arith.constant 0 : i32
      %dma_start3A_59 = arith.constant 0 : i32
      %dma_start3A_60 = tpu.memref_slice %arg6[%dma_start3A_58, %dma_start3A_59] : memref<160000x64xf32, #tpu.memory_space<hbm>> -> memref<160000x64xf32, #tpu.memory_space<hbm>>
      tpu.enqueue_indirect_dma source(%dma_start3A_60 : memref<160000x64xf32, #tpu.memory_space<hbm>>) target(%arg23 : memref<80x64xf32, #tpu.memory_space<vmem>>) offsets(%arg20 : memref<80xi32, #tpu.memory_space<vmem>>) semaphore(%arg33 : memref<!tpu.dma_semaphore, #tpu.memory_space<semaphore_mem>>)
      %dma_wait3A = arith.constant 0 : i32
      %dma_wait3A_61 = tpu.memref_slice %arg5[%dma_wait3A] : memref<160000xf32, #tpu.memory_space<hbm>> -> memref<160000xf32, #tpu.memory_space<hbm>>
      tpu.wait_indirect_dma semaphore(%arg31 : memref<!tpu.dma_semaphore, #tpu.memory_space<semaphore_mem>>) src(%dma_wait3A_61 : memref<160000xf32, #tpu.memory_space<hbm>>) dst(%arg21 : memref<80xf32, #tpu.memory_space<vmem>>)
      %dma_wait3A_62 = arith.constant 0 : i32
      %dma_wait3A_63 = tpu.memref_slice %arg5[%dma_wait3A_62] : memref<160000xf32, #tpu.memory_space<hbm>> -> memref<160000xf32, #tpu.memory_space<hbm>>
      tpu.wait_indirect_dma semaphore(%arg32 : memref<!tpu.dma_semaphore, #tpu.memory_space<semaphore_mem>>) src(%dma_wait3A_63 : memref<160000xf32, #tpu.memory_space<hbm>>) dst(%arg22 : memref<80xf32, #tpu.memory_space<vmem>>)
      %dma_wait3A_64 = arith.constant 0 : i32
      %dma_wait3A_65 = arith.constant 0 : i32
      %dma_wait3A_66 = tpu.memref_slice %arg6[%dma_wait3A_64, %dma_wait3A_65] : memref<160000x64xf32, #tpu.memory_space<hbm>> -> memref<160000x64xf32, #tpu.memory_space<hbm>>
      tpu.wait_indirect_dma semaphore(%arg33 : memref<!tpu.dma_semaphore, #tpu.memory_space<semaphore_mem>>) src(%dma_wait3A_66 : memref<160000x64xf32, #tpu.memory_space<hbm>>) dst(%arg23 : memref<80x64xf32, #tpu.memory_space<vmem>>)
      %scan3A_67 = arith.constant 0 : i32
      %scan3A_68 = arith.constant 0 : i32
      %scan3A_69 = arith.constant 5 : i32
      %scan3A_70 = arith.addi %scan3A_68, %scan3A_69 : i32
      %scan3A_71 = arith.constant 1 : i32
      scf.for %scan3A_73 = %scan3A_68 to %scan3A_70 step %scan3A_71  : i32 {
        %mul3A_74 = arith.constant 16 : i32
        %mul3A_75 = arith.muli %scan3A_73, %mul3A_74 : i32
        %get3A = arith.index_cast %mul3A_75 : i32 to index
        %get3A_76 = tpu.vector_load %arg21[%get3A] {strides = array<i32>} : memref<80xf32, #tpu.memory_space<vmem>>, vector<16xf32>,
        %get3A_77 = vector.shape_cast %get3A_76 : vector<16xf32> to vector<16xf32>
        %mul3A_78 = arith.constant 16 : i32
        %mul3A_79 = arith.muli %scan3A_73, %mul3A_78 : i32
        %get3A_80 = arith.index_cast %mul3A_79 : i32 to index
        %get3A_81 = tpu.vector_load %arg22[%get3A_80] {strides = array<i32>} : memref<80xf32, #tpu.memory_space<vmem>>, vector<16xf32>,
        %get3A_82 = vector.shape_cast %get3A_81 : vector<16xf32> to vector<16xf32>
        %mul3A_83 = arith.mulf %get3A_77, %get3A_82 : vector<16xf32>
        %exp3A = math.exp %mul3A_83 : vector<16xf32>
        %slice3A = vector.extract_strided_slice %exp3A {offsets = [0], sizes = [1], strides = [1]} : vector<16xf32> to vector<1xf32>
        %squeeze3A = vector.extract %slice3A[0] : f32 from vector<1xf32>
        %broadcast_in_dim3A_84 = vector.broadcast %squeeze3A : f32 to vector<16xf32>
        %mul3A_85 = arith.constant 16 : i32
        %mul3A_86 = arith.muli %scan3A_73, %mul3A_85 : i32
        %add3A_87 = arith.constant 0 : i32
        %add3A_88 = arith.addi %mul3A_86, %add3A_87 : i32
        %mul3A_89 = arith.mulf %broadcast_in_dim3A_84, %select_n3A : vector<16xf32>
        %add3A_90 = arith.addf %mul3A_89, %select_n3A_12 : vector<16xf32>
        %swap3A = arith.index_cast %add3A_88 : i32 to index
        %swap3A_91 = arith.constant 64 : index
        %swap3A_92 = tpu.vector_load %arg24[%swap3A, %swap3A_91] {strides = array<i32>} : memref<80x80xf32, #tpu.memory_space<vmem>>, vector<1x16xf32>,
        %swap3A_93 = vector.shape_cast %swap3A_92 : vector<1x16xf32> to vector<16xf32>
        %swap3A_94 = vector.shape_cast %add3A_90 : vector<16xf32> to vector<1x16xf32>
        tpu.vector_store %arg24[%swap3A, %swap3A_91], %swap3A_94 {strides = array<i32>} : memref<80x80xf32, #tpu.memory_space<vmem>>, vector<1x16xf32>,
        %get3A_95 = arith.index_cast %add3A_88 : i32 to index
        %get3A_96 = arith.constant 0 : index
        %get3A_97 = tpu.vector_load %arg23[%get3A_95, %get3A_96] {strides = array<i32>} : memref<80x64xf32, #tpu.memory_space<vmem>>, vector<1x16xf32>,
        %get3A_98 = vector.shape_cast %get3A_97 : vector<1x16xf32> to vector<16xf32>
        %mul3A_99 = arith.mulf %get3A_98, %broadcast_in_dim3A_84 : vector<16xf32>
        %swap3A_100 = arith.index_cast %add3A_88 : i32 to index
        %swap3A_101 = arith.constant 0 : index
        %swap3A_102 = tpu.vector_load %arg24[%swap3A_100, %swap3A_101] {strides = array<i32>} : memref<80x80xf32, #tpu.memory_space<vmem>>, vector<1x16xf32>,
        %swap3A_103 = vector.shape_cast %swap3A_102 : vector<1x16xf32> to vector<16xf32>
        %swap3A_104 = vector.shape_cast %mul3A_99 : vector<16xf32> to vector<1x16xf32>
        tpu.vector_store %arg24[%swap3A_100, %swap3A_101], %swap3A_104 {strides = array<i32>} : memref<80x80xf32, #tpu.memory_space<vmem>>, vector<1x16xf32>,
        %get3A_105 = arith.index_cast %add3A_88 : i32 to index
        %get3A_106 = arith.constant 16 : index
        %get3A_107 = tpu.vector_load %arg23[%get3A_105, %get3A_106] {strides = array<i32>} : memref<80x64xf32, #tpu.memory_space<vmem>>, vector<1x16xf32>,
        %get3A_108 = vector.shape_cast %get3A_107 : vector<1x16xf32> to vector<16xf32>
        %mul3A_109 = arith.mulf %get3A_108, %broadcast_in_dim3A_84 : vector<16xf32>
        %swap3A_110 = arith.index_cast %add3A_88 : i32 to index
        %swap3A_111 = arith.constant 16 : index
        %swap3A_112 = tpu.vector_load %arg24[%swap3A_110, %swap3A_111] {strides = array<i32>} : memref<80x80xf32, #tpu.memory_space<vmem>>, vector<1x16xf32>,
        %swap3A_113 = vector.shape_cast %swap3A_112 : vector<1x16xf32> to vector<16xf32>
        %swap3A_114 = vector.shape_cast %mul3A_109 : vector<16xf32> to vector<1x16xf32>
        tpu.vector_store %arg24[%swap3A_110, %swap3A_111], %swap3A_114 {strides = array<i32>} : memref<80x80xf32, #tpu.memory_space<vmem>>, vector<1x16xf32>,
        %get3A_115 = arith.index_cast %add3A_88 : i32 to index
        %get3A_116 = arith.constant 32 : index
        %get3A_117 = tpu.vector_load %arg23[%get3A_115, %get3A_116] {strides = array<i32>} : memref<80x64xf32, #tpu.memory_space<vmem>>, vector<1x16xf32>,
        %get3A_118 = vector.shape_cast %get3A_117 : vector<1x16xf32> to vector<16xf32>
        %mul3A_119 = arith.mulf %get3A_118, %broadcast_in_dim3A_84 : vector<16xf32>
        %swap3A_120 = arith.index_cast %add3A_88 : i32 to index
        %swap3A_121 = arith.constant 32 : index
        %swap3A_122 = tpu.vector_load %arg24[%swap3A_120, %swap3A_121] {strides = array<i32>} : memref<80x80xf32, #tpu.memory_space<vmem>>, vector<1x16xf32>,
        %swap3A_123 = vector.shape_cast %swap3A_122 : vector<1x16xf32> to vector<16xf32>
        %swap3A_124 = vector.shape_cast %mul3A_119 : vector<16xf32> to vector<1x16xf32>
        tpu.vector_store %arg24[%swap3A_120, %swap3A_121], %swap3A_124 {strides = array<i32>} : memref<80x80xf32, #tpu.memory_space<vmem>>, vector<1x16xf32>,
        %get3A_125 = arith.index_cast %add3A_88 : i32 to index
        %get3A_126 = arith.constant 48 : index
        %get3A_127 = tpu.vector_load %arg23[%get3A_125, %get3A_126] {strides = array<i32>} : memref<80x64xf32, #tpu.memory_space<vmem>>, vector<1x16xf32>,
        %get3A_128 = vector.shape_cast %get3A_127 : vector<1x16xf32> to vector<16xf32>
        %mul3A_129 = arith.mulf %get3A_128, %broadcast_in_dim3A_84 : vector<16xf32>
        %swap3A_130 = arith.index_cast %add3A_88 : i32 to index
        %swap3A_131 = arith.constant 48 : index
        %swap3A_132 = tpu.vector_load %arg24[%swap3A_130, %swap3A_131] {strides = array<i32>} : memref<80x80xf32, #tpu.memory_space<vmem>>, vector<1x16xf32>,
        %swap3A_133 = vector.shape_cast %swap3A_132 : vector<1x16xf32> to vector<16xf32>
        %swap3A_134 = vector.shape_cast %mul3A_129 : vector<16xf32> to vector<1x16xf32>
        tpu.vector_store %arg24[%swap3A_130, %swap3A_131], %swap3A_134 {strides = array<i32>} : memref<80x80xf32, #tpu.memory_space<vmem>>, vector<1x16xf32>,
        %slice3A_135 = vector.extract_strided_slice %exp3A {offsets = [1], sizes = [1], strides = [1]} : vector<16xf32> to vector<1xf32>
        %squeeze3A_136 = vector.extract %slice3A_135[0] : f32 from vector<1xf32>
        %broadcast_in_dim3A_137 = vector.broadcast %squeeze3A_136 : f32 to vector<16xf32>
        %mul3A_138 = arith.constant 16 : i32
        %mul3A_139 = arith.muli %scan3A_73, %mul3A_138 : i32
        %add3A_140 = arith.constant 1 : i32
        %add3A_141 = arith.addi %mul3A_139, %add3A_140 : i32
        %mul3A_142 = arith.mulf %broadcast_in_dim3A_137, %select_n3A : vector<16xf32>
        %add3A_143 = arith.addf %mul3A_142, %select_n3A_12 : vector<16xf32>
        %swap3A_144 = arith.index_cast %add3A_141 : i32 to index
        %swap3A_145 = arith.constant 64 : index
        %swap3A_146 = tpu.vector_load %arg24[%swap3A_144, %swap3A_145] {strides = array<i32>} : memref<80x80xf32, #tpu.memory_space<vmem>>, vector<1x16xf32>,
        %swap3A_147 = vector.shape_cast %swap3A_146 : vector<1x16xf32> to vector<16xf32>
        %swap3A_148 = vector.shape_cast %add3A_143 : vector<16xf32> to vector<1x16xf32>
        tpu.vector_store %arg24[%swap3A_144, %swap3A_145], %swap3A_148 {strides = array<i32>} : memref<80x80xf32, #tpu.memory_space<vmem>>, vector<1x16xf32>,
        %get3A_149 = arith.index_cast %add3A_141 : i32 to index
        %get3A_150 = arith.constant 0 : index
        %get3A_151 = tpu.vector_load %arg23[%get3A_149, %get3A_150] {strides = array<i32>} : memref<80x64xf32, #tpu.memory_space<vmem>>, vector<1x16xf32>,
        %get3A_152 = vector.shape_cast %get3A_151 : vector<1x16xf32> to vector<16xf32>
        %mul3A_153 = arith.mulf %get3A_152, %broadcast_in_dim3A_137 : vector<16xf32>
        %swap3A_154 = arith.index_cast %add3A_141 : i32 to index
        %swap3A_155 = arith.constant 0 : index
        %swap3A_156 = tpu.vector_load %arg24[%swap3A_154, %swap3A_155] {strides = array<i32>} : memref<80x80xf32, #tpu.memory_space<vmem>>, vector<1x16xf32>,
        %swap3A_157 = vector.shape_cast %swap3A_156 : vector<1x16xf32> to vector<16xf32>
        %swap3A_158 = vector.shape_cast %mul3A_153 : vector<16xf32> to vector<1x16xf32>
        tpu.vector_store %arg24[%swap3A_154, %swap3A_155], %swap3A_158 {strides = array<i32>} : memref<80x80xf32, #tpu.memory_space<vmem>>, vector<1x16xf32>,
        %get3A_159 = arith.index_cast %add3A_141 : i32 to index
        %get3A_160 = arith.constant 16 : index
        %get3A_161 = tpu.vector_load %arg23[%get3A_159, %get3A_160] {strides = array<i32>} : memref<80x64xf32, #tpu.memory_space<vmem>>, vector<1x16xf32>,
        %get3A_162 = vector.shape_cast %get3A_161 : vector<1x16xf32> to vector<16xf32>
        %mul3A_163 = arith.mulf %get3A_162, %broadcast_in_dim3A_137 : vector<16xf32>
        %swap3A_164 = arith.index_cast %add3A_141 : i32 to index
        %swap3A_165 = arith.constant 16 : index
        %swap3A_166 = tpu.vector_load %arg24[%swap3A_164, %swap3A_165] {strides = array<i32>} : memref<80x80xf32, #tpu.memory_space<vmem>>, vector<1x16xf32>,
        %swap3A_167 = vector.shape_cast %swap3A_166 : vector<1x16xf32> to vector<16xf32>
        %swap3A_168 = vector.shape_cast %mul3A_163 : vector<16xf32> to vector<1x16xf32>
        tpu.vector_store %arg24[%swap3A_164, %swap3A_165], %swap3A_168 {strides = array<i32>} : memref<80x80xf32, #tpu.memory_space<vmem>>, vector<1x16xf32>,
        %get3A_169 = arith.index_cast %add3A_141 : i32 to index
        %get3A_170 = arith.constant 32 : index
        %get3A_171 = tpu.vector_load %arg23[%get3A_169, %get3A_170] {strides = array<i32>} : memref<80x64xf32, #tpu.memory_space<vmem>>, vector<1x16xf32>,
        %get3A_172 = vector.shape_cast %get3A_171 : vector<1x16xf32> to vector<16xf32>
        %mul3A_173 = arith.mulf %get3A_172, %broadcast_in_dim3A_137 : vector<16xf32>
        %swap3A_174 = arith.index_cast %add3A_141 : i32 to index
        %swap3A_175 = arith.constant 32 : index
        %swap3A_176 = tpu.vector_load %arg24[%swap3A_174, %swap3A_175] {strides = array<i32>} : memref<80x80xf32, #tpu.memory_space<vmem>>, vector<1x16xf32>,
        %swap3A_177 = vector.shape_cast %swap3A_176 : vector<1x16xf32> to vector<16xf32>
        %swap3A_178 = vector.shape_cast %mul3A_173 : vector<16xf32> to vector<1x16xf32>
        tpu.vector_store %arg24[%swap3A_174, %swap3A_175], %swap3A_178 {strides = array<i32>} : memref<80x80xf32, #tpu.memory_space<vmem>>, vector<1x16xf32>,
        %get3A_179 = arith.index_cast %add3A_141 : i32 to index
        %get3A_180 = arith.constant 48 : index
        %get3A_181 = tpu.vector_load %arg23[%get3A_179, %get3A_180] {strides = array<i32>} : memref<80x64xf32, #tpu.memory_space<vmem>>, vector<1x16xf32>,
        %get3A_182 = vector.shape_cast %get3A_181 : vector<1x16xf32> to vector<16xf32>
        %mul3A_183 = arith.mulf %get3A_182, %broadcast_in_dim3A_137 : vector<16xf32>
        %swap3A_184 = arith.index_cast %add3A_141 : i32 to index
        %swap3A_185 = arith.constant 48 : index
        %swap3A_186 = tpu.vector_load %arg24[%swap3A_184, %swap3A_185] {strides = array<i32>} : memref<80x80xf32, #tpu.memory_space<vmem>>, vector<1x16xf32>,
        %swap3A_187 = vector.shape_cast %swap3A_186 : vector<1x16xf32> to vector<16xf32>
        %swap3A_188 = vector.shape_cast %mul3A_183 : vector<16xf32> to vector<1x16xf32>
        tpu.vector_store %arg24[%swap3A_184, %swap3A_185], %swap3A_188 {strides = array<i32>} : memref<80x80xf32, #tpu.memory_space<vmem>>, vector<1x16xf32>,
        %slice3A_189 = vector.extract_strided_slice %exp3A {offsets = [2], sizes = [1], strides = [1]} : vector<16xf32> to vector<1xf32>
        %squeeze3A_190 = vector.extract %slice3A_189[0] : f32 from vector<1xf32>
        %broadcast_in_dim3A_191 = vector.broadcast %squeeze3A_190 : f32 to vector<16xf32>
        %mul3A_192 = arith.constant 16 : i32
        %mul3A_193 = arith.muli %scan3A_73, %mul3A_192 : i32
        %add3A_194 = arith.constant 2 : i32
        %add3A_195 = arith.addi %mul3A_193, %add3A_194 : i32
        %mul3A_196 = arith.mulf %broadcast_in_dim3A_191, %select_n3A : vector<16xf32>
        %add3A_197 = arith.addf %mul3A_196, %select_n3A_12 : vector<16xf32>
        %swap3A_198 = arith.index_cast %add3A_195 : i32 to index
        %swap3A_199 = arith.constant 64 : index
        %swap3A_200 = tpu.vector_load %arg24[%swap3A_198, %swap3A_199] {strides = array<i32>} : memref<80x80xf32, #tpu.memory_space<vmem>>, vector<1x16xf32>,
        %swap3A_201 = vector.shape_cast %swap3A_200 : vector<1x16xf32> to vector<16xf32>
        %swap3A_202 = vector.shape_cast %add3A_197 : vector<16xf32> to vector<1x16xf32>
        tpu.vector_store %arg24[%swap3A_198, %swap3A_199], %swap3A_202 {strides = array<i32>} : memref<80x80xf32, #tpu.memory_space<vmem>>, vector<1x16xf32>,
        %get3A_203 = arith.index_cast %add3A_195 : i32 to index
        %get3A_204 = arith.constant 0 : index
        %get3A_205 = tpu.vector_load %arg23[%get3A_203, %get3A_204] {strides = array<i32>} : memref<80x64xf32, #tpu.memory_space<vmem>>, vector<1x16xf32>,
        %get3A_206 = vector.shape_cast %get3A_205 : vector<1x16xf32> to vector<16xf32>
        %mul3A_207 = arith.mulf %get3A_206, %broadcast_in_dim3A_191 : vector<16xf32>
        %swap3A_208 = arith.index_cast %add3A_195 : i32 to index
        %swap3A_209 = arith.constant 0 : index
        %swap3A_210 = tpu.vector_load %arg24[%swap3A_208, %swap3A_209] {strides = array<i32>} : memref<80x80xf32, #tpu.memory_space<vmem>>, vector<1x16xf32>,
        %swap3A_211 = vector.shape_cast %swap3A_210 : vector<1x16xf32> to vector<16xf32>
        %swap3A_212 = vector.shape_cast %mul3A_207 : vector<16xf32> to vector<1x16xf32>
        tpu.vector_store %arg24[%swap3A_208, %swap3A_209], %swap3A_212 {strides = array<i32>} : memref<80x80xf32, #tpu.memory_space<vmem>>, vector<1x16xf32>,
        %get3A_213 = arith.index_cast %add3A_195 : i32 to index
        %get3A_214 = arith.constant 16 : index
        %get3A_215 = tpu.vector_load %arg23[%get3A_213, %get3A_214] {strides = array<i32>} : memref<80x64xf32, #tpu.memory_space<vmem>>, vector<1x16xf32>,
        %get3A_216 = vector.shape_cast %get3A_215 : vector<1x16xf32> to vector<16xf32>
        %mul3A_217 = arith.mulf %get3A_216, %broadcast_in_dim3A_191 : vector<16xf32>
        %swap3A_218 = arith.index_cast %add3A_195 : i32 to index
        %swap3A_219 = arith.constant 16 : index
        %swap3A_220 = tpu.vector_load %arg24[%swap3A_218, %swap3A_219] {strides = array<i32>} : memref<80x80xf32, #tpu.memory_space<vmem>>, vector<1x16xf32>,
        %swap3A_221 = vector.shape_cast %swap3A_220 : vector<1x16xf32> to vector<16xf32>
        %swap3A_222 = vector.shape_cast %mul3A_217 : vector<16xf32> to vector<1x16xf32>
        tpu.vector_store %arg24[%swap3A_218, %swap3A_219], %swap3A_222 {strides = array<i32>} : memref<80x80xf32, #tpu.memory_space<vmem>>, vector<1x16xf32>,
        %get3A_223 = arith.index_cast %add3A_195 : i32 to index
        %get3A_224 = arith.constant 32 : index
        %get3A_225 = tpu.vector_load %arg23[%get3A_223, %get3A_224] {strides = array<i32>} : memref<80x64xf32, #tpu.memory_space<vmem>>, vector<1x16xf32>,
        %get3A_226 = vector.shape_cast %get3A_225 : vector<1x16xf32> to vector<16xf32>
        %mul3A_227 = arith.mulf %get3A_226, %broadcast_in_dim3A_191 : vector<16xf32>
        %swap3A_228 = arith.index_cast %add3A_195 : i32 to index
        %swap3A_229 = arith.constant 32 : index
        %swap3A_230 = tpu.vector_load %arg24[%swap3A_228, %swap3A_229] {strides = array<i32>} : memref<80x80xf32, #tpu.memory_space<vmem>>, vector<1x16xf32>,
        %swap3A_231 = vector.shape_cast %swap3A_230 : vector<1x16xf32> to vector<16xf32>
        %swap3A_232 = vector.shape_cast %mul3A_227 : vector<16xf32> to vector<1x16xf32>
        tpu.vector_store %arg24[%swap3A_228, %swap3A_229], %swap3A_232 {strides = array<i32>} : memref<80x80xf32, #tpu.memory_space<vmem>>, vector<1x16xf32>,
        %get3A_233 = arith.index_cast %add3A_195 : i32 to index
        %get3A_234 = arith.constant 48 : index
        %get3A_235 = tpu.vector_load %arg23[%get3A_233, %get3A_234] {strides = array<i32>} : memref<80x64xf32, #tpu.memory_space<vmem>>, vector<1x16xf32>,
        %get3A_236 = vector.shape_cast %get3A_235 : vector<1x16xf32> to vector<16xf32>
        %mul3A_237 = arith.mulf %get3A_236, %broadcast_in_dim3A_191 : vector<16xf32>
        %swap3A_238 = arith.index_cast %add3A_195 : i32 to index
        %swap3A_239 = arith.constant 48 : index
        %swap3A_240 = tpu.vector_load %arg24[%swap3A_238, %swap3A_239] {strides = array<i32>} : memref<80x80xf32, #tpu.memory_space<vmem>>, vector<1x16xf32>,
        %swap3A_241 = vector.shape_cast %swap3A_240 : vector<1x16xf32> to vector<16xf32>
        %swap3A_242 = vector.shape_cast %mul3A_237 : vector<16xf32> to vector<1x16xf32>
        tpu.vector_store %arg24[%swap3A_238, %swap3A_239], %swap3A_242 {strides = array<i32>} : memref<80x80xf32, #tpu.memory_space<vmem>>, vector<1x16xf32>,
        %slice3A_243 = vector.extract_strided_slice %exp3A {offsets = [3], sizes = [1], strides = [1]} : vector<16xf32> to vector<1xf32>
        %squeeze3A_244 = vector.extract %slice3A_243[0] : f32 from vector<1xf32>
        %broadcast_in_dim3A_245 = vector.broadcast %squeeze3A_244 : f32 to vector<16xf32>
        %mul3A_246 = arith.constant 16 : i32
        %mul3A_247 = arith.muli %scan3A_73, %mul3A_246 : i32
        %add3A_248 = arith.constant 3 : i32
        %add3A_249 = arith.addi %mul3A_247, %add3A_248 : i32
        %mul3A_250 = arith.mulf %broadcast_in_dim3A_245, %select_n3A : vector<16xf32>
        %add3A_251 = arith.addf %mul3A_250, %select_n3A_12 : vector<16xf32>
        %swap3A_252 = arith.index_cast %add3A_249 : i32 to index
        %swap3A_253 = arith.constant 64 : index
        %swap3A_254 = tpu.vector_load %arg24[%swap3A_252, %swap3A_253] {strides = array<i32>} : memref<80x80xf32, #tpu.memory_space<vmem>>, vector<1x16xf32>,
        %swap3A_255 = vector.shape_cast %swap3A_254 : vector<1x16xf32> to vector<16xf32>
        %swap3A_256 = vector.shape_cast %add3A_251 : vector<16xf32> to vector<1x16xf32>
        tpu.vector_store %arg24[%swap3A_252, %swap3A_253], %swap3A_256 {strides = array<i32>} : memref<80x80xf32, #tpu.memory_space<vmem>>, vector<1x16xf32>,
        %get3A_257 = arith.index_cast %add3A_249 : i32 to index
        %get3A_258 = arith.constant 0 : index
        %get3A_259 = tpu.vector_load %arg23[%get3A_257, %get3A_258] {strides = array<i32>} : memref<80x64xf32, #tpu.memory_space<vmem>>, vector<1x16xf32>,
        %get3A_260 = vector.shape_cast %get3A_259 : vector<1x16xf32> to vector<16xf32>
        %mul3A_261 = arith.mulf %get3A_260, %broadcast_in_dim3A_245 : vector<16xf32>
        %swap3A_262 = arith.index_cast %add3A_249 : i32 to index
        %swap3A_263 = arith.constant 0 : index
        %swap3A_264 = tpu.vector_load %arg24[%swap3A_262, %swap3A_263] {strides = array<i32>} : memref<80x80xf32, #tpu.memory_space<vmem>>, vector<1x16xf32>,
        %swap3A_265 = vector.shape_cast %swap3A_264 : vector<1x16xf32> to vector<16xf32>
        %swap3A_266 = vector.shape_cast %mul3A_261 : vector<16xf32> to vector<1x16xf32>
        tpu.vector_store %arg24[%swap3A_262, %swap3A_263], %swap3A_266 {strides = array<i32>} : memref<80x80xf32, #tpu.memory_space<vmem>>, vector<1x16xf32>,
        %get3A_267 = arith.index_cast %add3A_249 : i32 to index
        %get3A_268 = arith.constant 16 : index
        %get3A_269 = tpu.vector_load %arg23[%get3A_267, %get3A_268] {strides = array<i32>} : memref<80x64xf32, #tpu.memory_space<vmem>>, vector<1x16xf32>,
        %get3A_270 = vector.shape_cast %get3A_269 : vector<1x16xf32> to vector<16xf32>
        %mul3A_271 = arith.mulf %get3A_270, %broadcast_in_dim3A_245 : vector<16xf32>
        %swap3A_272 = arith.index_cast %add3A_249 : i32 to index
        %swap3A_273 = arith.constant 16 : index
        %swap3A_274 = tpu.vector_load %arg24[%swap3A_272, %swap3A_273] {strides = array<i32>} : memref<80x80xf32, #tpu.memory_space<vmem>>, vector<1x16xf32>,
        %swap3A_275 = vector.shape_cast %swap3A_274 : vector<1x16xf32> to vector<16xf32>
        %swap3A_276 = vector.shape_cast %mul3A_271 : vector<16xf32> to vector<1x16xf32>
        tpu.vector_store %arg24[%swap3A_272, %swap3A_273], %swap3A_276 {strides = array<i32>} : memref<80x80xf32, #tpu.memory_space<vmem>>, vector<1x16xf32>,
        %get3A_277 = arith.index_cast %add3A_249 : i32 to index
        %get3A_278 = arith.constant 32 : index
        %get3A_279 = tpu.vector_load %arg23[%get3A_277, %get3A_278] {strides = array<i32>} : memref<80x64xf32, #tpu.memory_space<vmem>>, vector<1x16xf32>,
        %get3A_280 = vector.shape_cast %get3A_279 : vector<1x16xf32> to vector<16xf32>
        %mul3A_281 = arith.mulf %get3A_280, %broadcast_in_dim3A_245 : vector<16xf32>
        %swap3A_282 = arith.index_cast %add3A_249 : i32 to index
        %swap3A_283 = arith.constant 32 : index
        %swap3A_284 = tpu.vector_load %arg24[%swap3A_282, %swap3A_283] {strides = array<i32>} : memref<80x80xf32, #tpu.memory_space<vmem>>, vector<1x16xf32>,
        %swap3A_285 = vector.shape_cast %swap3A_284 : vector<1x16xf32> to vector<16xf32>
        %swap3A_286 = vector.shape_cast %mul3A_281 : vector<16xf32> to vector<1x16xf32>
        tpu.vector_store %arg24[%swap3A_282, %swap3A_283], %swap3A_286 {strides = array<i32>} : memref<80x80xf32, #tpu.memory_space<vmem>>, vector<1x16xf32>,
        %get3A_287 = arith.index_cast %add3A_249 : i32 to index
        %get3A_288 = arith.constant 48 : index
        %get3A_289 = tpu.vector_load %arg23[%get3A_287, %get3A_288] {strides = array<i32>} : memref<80x64xf32, #tpu.memory_space<vmem>>, vector<1x16xf32>,
        %get3A_290 = vector.shape_cast %get3A_289 : vector<1x16xf32> to vector<16xf32>
        %mul3A_291 = arith.mulf %get3A_290, %broadcast_in_dim3A_245 : vector<16xf32>
        %swap3A_292 = arith.index_cast %add3A_249 : i32 to index
        %swap3A_293 = arith.constant 48 : index
        %swap3A_294 = tpu.vector_load %arg24[%swap3A_292, %swap3A_293] {strides = array<i32>} : memref<80x80xf32, #tpu.memory_space<vmem>>, vector<1x16xf32>,
        %swap3A_295 = vector.shape_cast %swap3A_294 : vector<1x16xf32> to vector<16xf32>
        %swap3A_296 = vector.shape_cast %mul3A_291 : vector<16xf32> to vector<1x16xf32>
        tpu.vector_store %arg24[%swap3A_292, %swap3A_293], %swap3A_296 {strides = array<i32>} : memref<80x80xf32, #tpu.memory_space<vmem>>, vector<1x16xf32>,
        %slice3A_297 = vector.extract_strided_slice %exp3A {offsets = [4], sizes = [1], strides = [1]} : vector<16xf32> to vector<1xf32>
        %squeeze3A_298 = vector.extract %slice3A_297[0] : f32 from vector<1xf32>
        %broadcast_in_dim3A_299 = vector.broadcast %squeeze3A_298 : f32 to vector<16xf32>
        %mul3A_300 = arith.constant 16 : i32
        %mul3A_301 = arith.muli %scan3A_73, %mul3A_300 : i32
        %add3A_302 = arith.constant 4 : i32
        %add3A_303 = arith.addi %mul3A_301, %add3A_302 : i32
        %mul3A_304 = arith.mulf %broadcast_in_dim3A_299, %select_n3A : vector<16xf32>
        %add3A_305 = arith.addf %mul3A_304, %select_n3A_12 : vector<16xf32>
        %swap3A_306 = arith.index_cast %add3A_303 : i32 to index
        %swap3A_307 = arith.constant 64 : index
        %swap3A_308 = tpu.vector_load %arg24[%swap3A_306, %swap3A_307] {strides = array<i32>} : memref<80x80xf32, #tpu.memory_space<vmem>>, vector<1x16xf32>,
        %swap3A_309 = vector.shape_cast %swap3A_308 : vector<1x16xf32> to vector<16xf32>
        %swap3A_310 = vector.shape_cast %add3A_305 : vector<16xf32> to vector<1x16xf32>
        tpu.vector_store %arg24[%swap3A_306, %swap3A_307], %swap3A_310 {strides = array<i32>} : memref<80x80xf32, #tpu.memory_space<vmem>>, vector<1x16xf32>,
        %get3A_311 = arith.index_cast %add3A_303 : i32 to index
        %get3A_312 = arith.constant 0 : index
        %get3A_313 = tpu.vector_load %arg23[%get3A_311, %get3A_312] {strides = array<i32>} : memref<80x64xf32, #tpu.memory_space<vmem>>, vector<1x16xf32>,
        %get3A_314 = vector.shape_cast %get3A_313 : vector<1x16xf32> to vector<16xf32>
        %mul3A_315 = arith.mulf %get3A_314, %broadcast_in_dim3A_299 : vector<16xf32>
        %swap3A_316 = arith.index_cast %add3A_303 : i32 to index
        %swap3A_317 = arith.constant 0 : index
        %swap3A_318 = tpu.vector_load %arg24[%swap3A_316, %swap3A_317] {strides = array<i32>} : memref<80x80xf32, #tpu.memory_space<vmem>>, vector<1x16xf32>,
        %swap3A_319 = vector.shape_cast %swap3A_318 : vector<1x16xf32> to vector<16xf32>
        %swap3A_320 = vector.shape_cast %mul3A_315 : vector<16xf32> to vector<1x16xf32>
        tpu.vector_store %arg24[%swap3A_316, %swap3A_317], %swap3A_320 {strides = array<i32>} : memref<80x80xf32, #tpu.memory_space<vmem>>, vector<1x16xf32>,
        %get3A_321 = arith.index_cast %add3A_303 : i32 to index
        %get3A_322 = arith.constant 16 : index
        %get3A_323 = tpu.vector_load %arg23[%get3A_321, %get3A_322] {strides = array<i32>} : memref<80x64xf32, #tpu.memory_space<vmem>>, vector<1x16xf32>,
        %get3A_324 = vector.shape_cast %get3A_323 : vector<1x16xf32> to vector<16xf32>
        %mul3A_325 = arith.mulf %get3A_324, %broadcast_in_dim3A_299 : vector<16xf32>
        %swap3A_326 = arith.index_cast %add3A_303 : i32 to index
        %swap3A_327 = arith.constant 16 : index
        %swap3A_328 = tpu.vector_load %arg24[%swap3A_326, %swap3A_327] {strides = array<i32>} : memref<80x80xf32, #tpu.memory_space<vmem>>, vector<1x16xf32>,
        %swap3A_329 = vector.shape_cast %swap3A_328 : vector<1x16xf32> to vector<16xf32>
        %swap3A_330 = vector.shape_cast %mul3A_325 : vector<16xf32> to vector<1x16xf32>
        tpu.vector_store %arg24[%swap3A_326, %swap3A_327], %swap3A_330 {strides = array<i32>} : memref<80x80xf32, #tpu.memory_space<vmem>>, vector<1x16xf32>,
        %get3A_331 = arith.index_cast %add3A_303 : i32 to index
        %get3A_332 = arith.constant 32 : index
        %get3A_333 = tpu.vector_load %arg23[%get3A_331, %get3A_332] {strides = array<i32>} : memref<80x64xf32, #tpu.memory_space<vmem>>, vector<1x16xf32>,
        %get3A_334 = vector.shape_cast %get3A_333 : vector<1x16xf32> to vector<16xf32>
        %mul3A_335 = arith.mulf %get3A_334, %broadcast_in_dim3A_299 : vector<16xf32>
        %swap3A_336 = arith.index_cast %add3A_303 : i32 to index
        %swap3A_337 = arith.constant 32 : index
        %swap3A_338 = tpu.vector_load %arg24[%swap3A_336, %swap3A_337] {strides = array<i32>} : memref<80x80xf32, #tpu.memory_space<vmem>>, vector<1x16xf32>,
        %swap3A_339 = vector.shape_cast %swap3A_338 : vector<1x16xf32> to vector<16xf32>
        %swap3A_340 = vector.shape_cast %mul3A_335 : vector<16xf32> to vector<1x16xf32>
        tpu.vector_store %arg24[%swap3A_336, %swap3A_337], %swap3A_340 {strides = array<i32>} : memref<80x80xf32, #tpu.memory_space<vmem>>, vector<1x16xf32>,
        %get3A_341 = arith.index_cast %add3A_303 : i32 to index
        %get3A_342 = arith.constant 48 : index
        %get3A_343 = tpu.vector_load %arg23[%get3A_341, %get3A_342] {strides = array<i32>} : memref<80x64xf32, #tpu.memory_space<vmem>>, vector<1x16xf32>,
        %get3A_344 = vector.shape_cast %get3A_343 : vector<1x16xf32> to vector<16xf32>
        %mul3A_345 = arith.mulf %get3A_344, %broadcast_in_dim3A_299 : vector<16xf32>
        %swap3A_346 = arith.index_cast %add3A_303 : i32 to index
        %swap3A_347 = arith.constant 48 : index
        %swap3A_348 = tpu.vector_load %arg24[%swap3A_346, %swap3A_347] {strides = array<i32>} : memref<80x80xf32, #tpu.memory_space<vmem>>, vector<1x16xf32>,
        %swap3A_349 = vector.shape_cast %swap3A_348 : vector<1x16xf32> to vector<16xf32>
        %swap3A_350 = vector.shape_cast %mul3A_345 : vector<16xf32> to vector<1x16xf32>
        tpu.vector_store %arg24[%swap3A_346, %swap3A_347], %swap3A_350 {strides = array<i32>} : memref<80x80xf32, #tpu.memory_space<vmem>>, vector<1x16xf32>,
        %slice3A_351 = vector.extract_strided_slice %exp3A {offsets = [5], sizes = [1], strides = [1]} : vector<16xf32> to vector<1xf32>
        %squeeze3A_352 = vector.extract %slice3A_351[0] : f32 from vector<1xf32>
        %broadcast_in_dim3A_353 = vector.broadcast %squeeze3A_352 : f32 to vector<16xf32>
        %mul3A_354 = arith.constant 16 : i32
        %mul3A_355 = arith.muli %scan3A_73, %mul3A_354 : i32
        %add3A_356 = arith.constant 5 : i32
        %add3A_357 = arith.addi %mul3A_355, %add3A_356 : i32
        %mul3A_358 = arith.mulf %broadcast_in_dim3A_353, %select_n3A : vector<16xf32>
        %add3A_359 = arith.addf %mul3A_358, %select_n3A_12 : vector<16xf32>
        %swap3A_360 = arith.index_cast %add3A_357 : i32 to index
        %swap3A_361 = arith.constant 64 : index
        %swap3A_362 = tpu.vector_load %arg24[%swap3A_360, %swap3A_361] {strides = array<i32>} : memref<80x80xf32, #tpu.memory_space<vmem>>, vector<1x16xf32>,
        %swap3A_363 = vector.shape_cast %swap3A_362 : vector<1x16xf32> to vector<16xf32>
        %swap3A_364 = vector.shape_cast %add3A_359 : vector<16xf32> to vector<1x16xf32>
        tpu.vector_store %arg24[%swap3A_360, %swap3A_361], %swap3A_364 {strides = array<i32>} : memref<80x80xf32, #tpu.memory_space<vmem>>, vector<1x16xf32>,
        %get3A_365 = arith.index_cast %add3A_357 : i32 to index
        %get3A_366 = arith.constant 0 : index
        %get3A_367 = tpu.vector_load %arg23[%get3A_365, %get3A_366] {strides = array<i32>} : memref<80x64xf32, #tpu.memory_space<vmem>>, vector<1x16xf32>,
        %get3A_368 = vector.shape_cast %get3A_367 : vector<1x16xf32> to vector<16xf32>
        %mul3A_369 = arith.mulf %get3A_368, %broadcast_in_dim3A_353 : vector<16xf32>
        %swap3A_370 = arith.index_cast %add3A_357 : i32 to index
        %swap3A_371 = arith.constant 0 : index
        %swap3A_372 = tpu.vector_load %arg24[%swap3A_370, %swap3A_371] {strides = array<i32>} : memref<80x80xf32, #tpu.memory_space<vmem>>, vector<1x16xf32>,
        %swap3A_373 = vector.shape_cast %swap3A_372 : vector<1x16xf32> to vector<16xf32>
        %swap3A_374 = vector.shape_cast %mul3A_369 : vector<16xf32> to vector<1x16xf32>
        tpu.vector_store %arg24[%swap3A_370, %swap3A_371], %swap3A_374 {strides = array<i32>} : memref<80x80xf32, #tpu.memory_space<vmem>>, vector<1x16xf32>,
        %get3A_375 = arith.index_cast %add3A_357 : i32 to index
        %get3A_376 = arith.constant 16 : index
        %get3A_377 = tpu.vector_load %arg23[%get3A_375, %get3A_376] {strides = array<i32>} : memref<80x64xf32, #tpu.memory_space<vmem>>, vector<1x16xf32>,
        %get3A_378 = vector.shape_cast %get3A_377 : vector<1x16xf32> to vector<16xf32>
        %mul3A_379 = arith.mulf %get3A_378, %broadcast_in_dim3A_353 : vector<16xf32>
        %swap3A_380 = arith.index_cast %add3A_357 : i32 to index
        %swap3A_381 = arith.constant 16 : index
        %swap3A_382 = tpu.vector_load %arg24[%swap3A_380, %swap3A_381] {strides = array<i32>} : memref<80x80xf32, #tpu.memory_space<vmem>>, vector<1x16xf32>,
        %swap3A_383 = vector.shape_cast %swap3A_382 : vector<1x16xf32> to vector<16xf32>
        %swap3A_384 = vector.shape_cast %mul3A_379 : vector<16xf32> to vector<1x16xf32>
        tpu.vector_store %arg24[%swap3A_380, %swap3A_381], %swap3A_384 {strides = array<i32>} : memref<80x80xf32, #tpu.memory_space<vmem>>, vector<1x16xf32>,
        %get3A_385 = arith.index_cast %add3A_357 : i32 to index
        %get3A_386 = arith.constant 32 : index
        %get3A_387 = tpu.vector_load %arg23[%get3A_385, %get3A_386] {strides = array<i32>} : memref<80x64xf32, #tpu.memory_space<vmem>>, vector<1x16xf32>,
        %get3A_388 = vector.shape_cast %get3A_387 : vector<1x16xf32> to vector<16xf32>
        %mul3A_389 = arith.mulf %get3A_388, %broadcast_in_dim3A_353 : vector<16xf32>
        %swap3A_390 = arith.index_cast %add3A_357 : i32 to index
        %swap3A_391 = arith.constant 32 : index
        %swap3A_392 = tpu.vector_load %arg24[%swap3A_390, %swap3A_391] {strides = array<i32>} : memref<80x80xf32, #tpu.memory_space<vmem>>, vector<1x16xf32>,
        %swap3A_393 = vector.shape_cast %swap3A_392 : vector<1x16xf32> to vector<16xf32>
        %swap3A_394 = vector.shape_cast %mul3A_389 : vector<16xf32> to vector<1x16xf32>
        tpu.vector_store %arg24[%swap3A_390, %swap3A_391], %swap3A_394 {strides = array<i32>} : memref<80x80xf32, #tpu.memory_space<vmem>>, vector<1x16xf32>,
        %get3A_395 = arith.index_cast %add3A_357 : i32 to index
        %get3A_396 = arith.constant 48 : index
        %get3A_397 = tpu.vector_load %arg23[%get3A_395, %get3A_396] {strides = array<i32>} : memref<80x64xf32, #tpu.memory_space<vmem>>, vector<1x16xf32>,
        %get3A_398 = vector.shape_cast %get3A_397 : vector<1x16xf32> to vector<16xf32>
        %mul3A_399 = arith.mulf %get3A_398, %broadcast_in_dim3A_353 : vector<16xf32>
        %swap3A_400 = arith.index_cast %add3A_357 : i32 to index
        %swap3A_401 = arith.constant 48 : index
        %swap3A_402 = tpu.vector_load %arg24[%swap3A_400, %swap3A_401] {strides = array<i32>} : memref<80x80xf32, #tpu.memory_space<vmem>>, vector<1x16xf32>,
        %swap3A_403 = vector.shape_cast %swap3A_402 : vector<1x16xf32> to vector<16xf32>
        %swap3A_404 = vector.shape_cast %mul3A_399 : vector<16xf32> to vector<1x16xf32>
        tpu.vector_store %arg24[%swap3A_400, %swap3A_401], %swap3A_404 {strides = array<i32>} : memref<80x80xf32, #tpu.memory_space<vmem>>, vector<1x16xf32>,
        %slice3A_405 = vector.extract_strided_slice %exp3A {offsets = [6], sizes = [1], strides = [1]} : vector<16xf32> to vector<1xf32>
        %squeeze3A_406 = vector.extract %slice3A_405[0] : f32 from vector<1xf32>
        %broadcast_in_dim3A_407 = vector.broadcast %squeeze3A_406 : f32 to vector<16xf32>
        %mul3A_408 = arith.constant 16 : i32
        %mul3A_409 = arith.muli %scan3A_73, %mul3A_408 : i32
        %add3A_410 = arith.constant 6 : i32
        %add3A_411 = arith.addi %mul3A_409, %add3A_410 : i32
        %mul3A_412 = arith.mulf %broadcast_in_dim3A_407, %select_n3A : vector<16xf32>
        %add3A_413 = arith.addf %mul3A_412, %select_n3A_12 : vector<16xf32>
        %swap3A_414 = arith.index_cast %add3A_411 : i32 to index
        %swap3A_415 = arith.constant 64 : index
        %swap3A_416 = tpu.vector_load %arg24[%swap3A_414, %swap3A_415] {strides = array<i32>} : memref<80x80xf32, #tpu.memory_space<vmem>>, vector<1x16xf32>,
        %swap3A_417 = vector.shape_cast %swap3A_416 : vector<1x16xf32> to vector<16xf32>
        %swap3A_418 = vector.shape_cast %add3A_413 : vector<16xf32> to vector<1x16xf32>
        tpu.vector_store %arg24[%swap3A_414, %swap3A_415], %swap3A_418 {strides = array<i32>} : memref<80x80xf32, #tpu.memory_space<vmem>>, vector<1x16xf32>,
        %get3A_419 = arith.index_cast %add3A_411 : i32 to index
        %get3A_420 = arith.constant 0 : index
        %get3A_421 = tpu.vector_load %arg23[%get3A_419, %get3A_420] {strides = array<i32>} : memref<80x64xf32, #tpu.memory_space<vmem>>, vector<1x16xf32>,
        %get3A_422 = vector.shape_cast %get3A_421 : vector<1x16xf32> to vector<16xf32>
        %mul3A_423 = arith.mulf %get3A_422, %broadcast_in_dim3A_407 : vector<16xf32>
        %swap3A_424 = arith.index_cast %add3A_411 : i32 to index
        %swap3A_425 = arith.constant 0 : index
        %swap3A_426 = tpu.vector_load %arg24[%swap3A_424, %swap3A_425] {strides = array<i32>} : memref<80x80xf32, #tpu.memory_space<vmem>>, vector<1x16xf32>,
        %swap3A_427 = vector.shape_cast %swap3A_426 : vector<1x16xf32> to vector<16xf32>
        %swap3A_428 = vector.shape_cast %mul3A_423 : vector<16xf32> to vector<1x16xf32>
        tpu.vector_store %arg24[%swap3A_424, %swap3A_425], %swap3A_428 {strides = array<i32>} : memref<80x80xf32, #tpu.memory_space<vmem>>, vector<1x16xf32>,
        %get3A_429 = arith.index_cast %add3A_411 : i32 to index
        %get3A_430 = arith.constant 16 : index
        %get3A_431 = tpu.vector_load %arg23[%get3A_429, %get3A_430] {strides = array<i32>} : memref<80x64xf32, #tpu.memory_space<vmem>>, vector<1x16xf32>,
        %get3A_432 = vector.shape_cast %get3A_431 : vector<1x16xf32> to vector<16xf32>
        %mul3A_433 = arith.mulf %get3A_432, %broadcast_in_dim3A_407 : vector<16xf32>
        %swap3A_434 = arith.index_cast %add3A_411 : i32 to index
        %swap3A_435 = arith.constant 16 : index
        %swap3A_436 = tpu.vector_load %arg24[%swap3A_434, %swap3A_435] {strides = array<i32>} : memref<80x80xf32, #tpu.memory_space<vmem>>, vector<1x16xf32>,
        %swap3A_437 = vector.shape_cast %swap3A_436 : vector<1x16xf32> to vector<16xf32>
        %swap3A_438 = vector.shape_cast %mul3A_433 : vector<16xf32> to vector<1x16xf32>
        tpu.vector_store %arg24[%swap3A_434, %swap3A_435], %swap3A_438 {strides = array<i32>} : memref<80x80xf32, #tpu.memory_space<vmem>>, vector<1x16xf32>,
        %get3A_439 = arith.index_cast %add3A_411 : i32 to index
        %get3A_440 = arith.constant 32 : index
        %get3A_441 = tpu.vector_load %arg23[%get3A_439, %get3A_440] {strides = array<i32>} : memref<80x64xf32, #tpu.memory_space<vmem>>, vector<1x16xf32>,
        %get3A_442 = vector.shape_cast %get3A_441 : vector<1x16xf32> to vector<16xf32>
        %mul3A_443 = arith.mulf %get3A_442, %broadcast_in_dim3A_407 : vector<16xf32>
        %swap3A_444 = arith.index_cast %add3A_411 : i32 to index
        %swap3A_445 = arith.constant 32 : index
        %swap3A_446 = tpu.vector_load %arg24[%swap3A_444, %swap3A_445] {strides = array<i32>} : memref<80x80xf32, #tpu.memory_space<vmem>>, vector<1x16xf32>,
        %swap3A_447 = vector.shape_cast %swap3A_446 : vector<1x16xf32> to vector<16xf32>
        %swap3A_448 = vector.shape_cast %mul3A_443 : vector<16xf32> to vector<1x16xf32>
        tpu.vector_store %arg24[%swap3A_444, %swap3A_445], %swap3A_448 {strides = array<i32>} : memref<80x80xf32, #tpu.memory_space<vmem>>, vector<1x16xf32>,
        %get3A_449 = arith.index_cast %add3A_411 : i32 to index
        %get3A_450 = arith.constant 48 : index
        %get3A_451 = tpu.vector_load %arg23[%get3A_449, %get3A_450] {strides = array<i32>} : memref<80x64xf32, #tpu.memory_space<vmem>>, vector<1x16xf32>,
        %get3A_452 = vector.shape_cast %get3A_451 : vector<1x16xf32> to vector<16xf32>
        %mul3A_453 = arith.mulf %get3A_452, %broadcast_in_dim3A_407 : vector<16xf32>
        %swap3A_454 = arith.index_cast %add3A_411 : i32 to index
        %swap3A_455 = arith.constant 48 : index
        %swap3A_456 = tpu.vector_load %arg24[%swap3A_454, %swap3A_455] {strides = array<i32>} : memref<80x80xf32, #tpu.memory_space<vmem>>, vector<1x16xf32>,
        %swap3A_457 = vector.shape_cast %swap3A_456 : vector<1x16xf32> to vector<16xf32>
        %swap3A_458 = vector.shape_cast %mul3A_453 : vector<16xf32> to vector<1x16xf32>
        tpu.vector_store %arg24[%swap3A_454, %swap3A_455], %swap3A_458 {strides = array<i32>} : memref<80x80xf32, #tpu.memory_space<vmem>>, vector<1x16xf32>,
        %slice3A_459 = vector.extract_strided_slice %exp3A {offsets = [7], sizes = [1], strides = [1]} : vector<16xf32> to vector<1xf32>
        %squeeze3A_460 = vector.extract %slice3A_459[0] : f32 from vector<1xf32>
        %broadcast_in_dim3A_461 = vector.broadcast %squeeze3A_460 : f32 to vector<16xf32>
        %mul3A_462 = arith.constant 16 : i32
        %mul3A_463 = arith.muli %scan3A_73, %mul3A_462 : i32
        %add3A_464 = arith.constant 7 : i32
        %add3A_465 = arith.addi %mul3A_463, %add3A_464 : i32
        %mul3A_466 = arith.mulf %broadcast_in_dim3A_461, %select_n3A : vector<16xf32>
        %add3A_467 = arith.addf %mul3A_466, %select_n3A_12 : vector<16xf32>
        %swap3A_468 = arith.index_cast %add3A_465 : i32 to index
        %swap3A_469 = arith.constant 64 : index
        %swap3A_470 = tpu.vector_load %arg24[%swap3A_468, %swap3A_469] {strides = array<i32>} : memref<80x80xf32, #tpu.memory_space<vmem>>, vector<1x16xf32>,
        %swap3A_471 = vector.shape_cast %swap3A_470 : vector<1x16xf32> to vector<16xf32>
        %swap3A_472 = vector.shape_cast %add3A_467 : vector<16xf32> to vector<1x16xf32>
        tpu.vector_store %arg24[%swap3A_468, %swap3A_469], %swap3A_472 {strides = array<i32>} : memref<80x80xf32, #tpu.memory_space<vmem>>, vector<1x16xf32>,
        %get3A_473 = arith.index_cast %add3A_465 : i32 to index
        %get3A_474 = arith.constant 0 : index
        %get3A_475 = tpu.vector_load %arg23[%get3A_473, %get3A_474] {strides = array<i32>} : memref<80x64xf32, #tpu.memory_space<vmem>>, vector<1x16xf32>,
        %get3A_476 = vector.shape_cast %get3A_475 : vector<1x16xf32> to vector<16xf32>
        %mul3A_477 = arith.mulf %get3A_476, %broadcast_in_dim3A_461 : vector<16xf32>
        %swap3A_478 = arith.index_cast %add3A_465 : i32 to index
        %swap3A_479 = arith.constant 0 : index
        %swap3A_480 = tpu.vector_load %arg24[%swap3A_478, %swap3A_479] {strides = array<i32>} : memref<80x80xf32, #tpu.memory_space<vmem>>, vector<1x16xf32>,
        %swap3A_481 = vector.shape_cast %swap3A_480 : vector<1x16xf32> to vector<16xf32>
        %swap3A_482 = vector.shape_cast %mul3A_477 : vector<16xf32> to vector<1x16xf32>
        tpu.vector_store %arg24[%swap3A_478, %swap3A_479], %swap3A_482 {strides = array<i32>} : memref<80x80xf32, #tpu.memory_space<vmem>>, vector<1x16xf32>,
        %get3A_483 = arith.index_cast %add3A_465 : i32 to index
        %get3A_484 = arith.constant 16 : index
        %get3A_485 = tpu.vector_load %arg23[%get3A_483, %get3A_484] {strides = array<i32>} : memref<80x64xf32, #tpu.memory_space<vmem>>, vector<1x16xf32>,
        %get3A_486 = vector.shape_cast %get3A_485 : vector<1x16xf32> to vector<16xf32>
        %mul3A_487 = arith.mulf %get3A_486, %broadcast_in_dim3A_461 : vector<16xf32>
        %swap3A_488 = arith.index_cast %add3A_465 : i32 to index
        %swap3A_489 = arith.constant 16 : index
        %swap3A_490 = tpu.vector_load %arg24[%swap3A_488, %swap3A_489] {strides = array<i32>} : memref<80x80xf32, #tpu.memory_space<vmem>>, vector<1x16xf32>,
        %swap3A_491 = vector.shape_cast %swap3A_490 : vector<1x16xf32> to vector<16xf32>
        %swap3A_492 = vector.shape_cast %mul3A_487 : vector<16xf32> to vector<1x16xf32>
        tpu.vector_store %arg24[%swap3A_488, %swap3A_489], %swap3A_492 {strides = array<i32>} : memref<80x80xf32, #tpu.memory_space<vmem>>, vector<1x16xf32>,
        %get3A_493 = arith.index_cast %add3A_465 : i32 to index
        %get3A_494 = arith.constant 32 : index
        %get3A_495 = tpu.vector_load %arg23[%get3A_493, %get3A_494] {strides = array<i32>} : memref<80x64xf32, #tpu.memory_space<vmem>>, vector<1x16xf32>,
        %get3A_496 = vector.shape_cast %get3A_495 : vector<1x16xf32> to vector<16xf32>
        %mul3A_497 = arith.mulf %get3A_496, %broadcast_in_dim3A_461 : vector<16xf32>
        %swap3A_498 = arith.index_cast %add3A_465 : i32 to index
        %swap3A_499 = arith.constant 32 : index
        %swap3A_500 = tpu.vector_load %arg24[%swap3A_498, %swap3A_499] {strides = array<i32>} : memref<80x80xf32, #tpu.memory_space<vmem>>, vector<1x16xf32>,
        %swap3A_501 = vector.shape_cast %swap3A_500 : vector<1x16xf32> to vector<16xf32>
        %swap3A_502 = vector.shape_cast %mul3A_497 : vector<16xf32> to vector<1x16xf32>
        tpu.vector_store %arg24[%swap3A_498, %swap3A_499], %swap3A_502 {strides = array<i32>} : memref<80x80xf32, #tpu.memory_space<vmem>>, vector<1x16xf32>,
        %get3A_503 = arith.index_cast %add3A_465 : i32 to index
        %get3A_504 = arith.constant 48 : index
        %get3A_505 = tpu.vector_load %arg23[%get3A_503, %get3A_504] {strides = array<i32>} : memref<80x64xf32, #tpu.memory_space<vmem>>, vector<1x16xf32>,
        %get3A_506 = vector.shape_cast %get3A_505 : vector<1x16xf32> to vector<16xf32>
        %mul3A_507 = arith.mulf %get3A_506, %broadcast_in_dim3A_461 : vector<16xf32>
        %swap3A_508 = arith.index_cast %add3A_465 : i32 to index
        %swap3A_509 = arith.constant 48 : index
        %swap3A_510 = tpu.vector_load %arg24[%swap3A_508, %swap3A_509] {strides = array<i32>} : memref<80x80xf32, #tpu.memory_space<vmem>>, vector<1x16xf32>,
        %swap3A_511 = vector.shape_cast %swap3A_510 : vector<1x16xf32> to vector<16xf32>
        %swap3A_512 = vector.shape_cast %mul3A_507 : vector<16xf32> to vector<1x16xf32>
        tpu.vector_store %arg24[%swap3A_508, %swap3A_509], %swap3A_512 {strides = array<i32>} : memref<80x80xf32, #tpu.memory_space<vmem>>, vector<1x16xf32>,
        %slice3A_513 = vector.extract_strided_slice %exp3A {offsets = [8], sizes = [1], strides = [1]} : vector<16xf32> to vector<1xf32>
        %squeeze3A_514 = vector.extract %slice3A_513[0] : f32 from vector<1xf32>
        %broadcast_in_dim3A_515 = vector.broadcast %squeeze3A_514 : f32 to vector<16xf32>
        %mul3A_516 = arith.constant 16 : i32
        %mul3A_517 = arith.muli %scan3A_73, %mul3A_516 : i32
        %add3A_518 = arith.constant 8 : i32
        %add3A_519 = arith.addi %mul3A_517, %add3A_518 : i32
        %mul3A_520 = arith.mulf %broadcast_in_dim3A_515, %select_n3A : vector<16xf32>
        %add3A_521 = arith.addf %mul3A_520, %select_n3A_12 : vector<16xf32>
        %swap3A_522 = arith.index_cast %add3A_519 : i32 to index
        %swap3A_523 = arith.constant 64 : index
        %swap3A_524 = tpu.vector_load %arg24[%swap3A_522, %swap3A_523] {strides = array<i32>} : memref<80x80xf32, #tpu.memory_space<vmem>>, vector<1x16xf32>,
        %swap3A_525 = vector.shape_cast %swap3A_524 : vector<1x16xf32> to vector<16xf32>
        %swap3A_526 = vector.shape_cast %add3A_521 : vector<16xf32> to vector<1x16xf32>
        tpu.vector_store %arg24[%swap3A_522, %swap3A_523], %swap3A_526 {strides = array<i32>} : memref<80x80xf32, #tpu.memory_space<vmem>>, vector<1x16xf32>,
        %get3A_527 = arith.index_cast %add3A_519 : i32 to index
        %get3A_528 = arith.constant 0 : index
        %get3A_529 = tpu.vector_load %arg23[%get3A_527, %get3A_528] {strides = array<i32>} : memref<80x64xf32, #tpu.memory_space<vmem>>, vector<1x16xf32>,
        %get3A_530 = vector.shape_cast %get3A_529 : vector<1x16xf32> to vector<16xf32>
        %mul3A_531 = arith.mulf %get3A_530, %broadcast_in_dim3A_515 : vector<16xf32>
        %swap3A_532 = arith.index_cast %add3A_519 : i32 to index
        %swap3A_533 = arith.constant 0 : index
        %swap3A_534 = tpu.vector_load %arg24[%swap3A_532, %swap3A_533] {strides = array<i32>} : memref<80x80xf32, #tpu.memory_space<vmem>>, vector<1x16xf32>,
        %swap3A_535 = vector.shape_cast %swap3A_534 : vector<1x16xf32> to vector<16xf32>
        %swap3A_536 = vector.shape_cast %mul3A_531 : vector<16xf32> to vector<1x16xf32>
        tpu.vector_store %arg24[%swap3A_532, %swap3A_533], %swap3A_536 {strides = array<i32>} : memref<80x80xf32, #tpu.memory_space<vmem>>, vector<1x16xf32>,
        %get3A_537 = arith.index_cast %add3A_519 : i32 to index
        %get3A_538 = arith.constant 16 : index
        %get3A_539 = tpu.vector_load %arg23[%get3A_537, %get3A_538] {strides = array<i32>} : memref<80x64xf32, #tpu.memory_space<vmem>>, vector<1x16xf32>,
        %get3A_540 = vector.shape_cast %get3A_539 : vector<1x16xf32> to vector<16xf32>
        %mul3A_541 = arith.mulf %get3A_540, %broadcast_in_dim3A_515 : vector<16xf32>
        %swap3A_542 = arith.index_cast %add3A_519 : i32 to index
        %swap3A_543 = arith.constant 16 : index
        %swap3A_544 = tpu.vector_load %arg24[%swap3A_542, %swap3A_543] {strides = array<i32>} : memref<80x80xf32, #tpu.memory_space<vmem>>, vector<1x16xf32>,
        %swap3A_545 = vector.shape_cast %swap3A_544 : vector<1x16xf32> to vector<16xf32>
        %swap3A_546 = vector.shape_cast %mul3A_541 : vector<16xf32> to vector<1x16xf32>
        tpu.vector_store %arg24[%swap3A_542, %swap3A_543], %swap3A_546 {strides = array<i32>} : memref<80x80xf32, #tpu.memory_space<vmem>>, vector<1x16xf32>,
        %get3A_547 = arith.index_cast %add3A_519 : i32 to index
        %get3A_548 = arith.constant 32 : index
        %get3A_549 = tpu.vector_load %arg23[%get3A_547, %get3A_548] {strides = array<i32>} : memref<80x64xf32, #tpu.memory_space<vmem>>, vector<1x16xf32>,
        %get3A_550 = vector.shape_cast %get3A_549 : vector<1x16xf32> to vector<16xf32>
        %mul3A_551 = arith.mulf %get3A_550, %broadcast_in_dim3A_515 : vector<16xf32>
        %swap3A_552 = arith.index_cast %add3A_519 : i32 to index
        %swap3A_553 = arith.constant 32 : index
        %swap3A_554 = tpu.vector_load %arg24[%swap3A_552, %swap3A_553] {strides = array<i32>} : memref<80x80xf32, #tpu.memory_space<vmem>>, vector<1x16xf32>,
        %swap3A_555 = vector.shape_cast %swap3A_554 : vector<1x16xf32> to vector<16xf32>
        %swap3A_556 = vector.shape_cast %mul3A_551 : vector<16xf32> to vector<1x16xf32>
        tpu.vector_store %arg24[%swap3A_552, %swap3A_553], %swap3A_556 {strides = array<i32>} : memref<80x80xf32, #tpu.memory_space<vmem>>, vector<1x16xf32>,
        %get3A_557 = arith.index_cast %add3A_519 : i32 to index
        %get3A_558 = arith.constant 48 : index
        %get3A_559 = tpu.vector_load %arg23[%get3A_557, %get3A_558] {strides = array<i32>} : memref<80x64xf32, #tpu.memory_space<vmem>>, vector<1x16xf32>,
        %get3A_560 = vector.shape_cast %get3A_559 : vector<1x16xf32> to vector<16xf32>
        %mul3A_561 = arith.mulf %get3A_560, %broadcast_in_dim3A_515 : vector<16xf32>
        %swap3A_562 = arith.index_cast %add3A_519 : i32 to index
        %swap3A_563 = arith.constant 48 : index
        %swap3A_564 = tpu.vector_load %arg24[%swap3A_562, %swap3A_563] {strides = array<i32>} : memref<80x80xf32, #tpu.memory_space<vmem>>, vector<1x16xf32>,
        %swap3A_565 = vector.shape_cast %swap3A_564 : vector<1x16xf32> to vector<16xf32>
        %swap3A_566 = vector.shape_cast %mul3A_561 : vector<16xf32> to vector<1x16xf32>
        tpu.vector_store %arg24[%swap3A_562, %swap3A_563], %swap3A_566 {strides = array<i32>} : memref<80x80xf32, #tpu.memory_space<vmem>>, vector<1x16xf32>,
        %slice3A_567 = vector.extract_strided_slice %exp3A {offsets = [9], sizes = [1], strides = [1]} : vector<16xf32> to vector<1xf32>
        %squeeze3A_568 = vector.extract %slice3A_567[0] : f32 from vector<1xf32>
        %broadcast_in_dim3A_569 = vector.broadcast %squeeze3A_568 : f32 to vector<16xf32>
        %mul3A_570 = arith.constant 16 : i32
        %mul3A_571 = arith.muli %scan3A_73, %mul3A_570 : i32
        %add3A_572 = arith.constant 9 : i32
        %add3A_573 = arith.addi %mul3A_571, %add3A_572 : i32
        %mul3A_574 = arith.mulf %broadcast_in_dim3A_569, %select_n3A : vector<16xf32>
        %add3A_575 = arith.addf %mul3A_574, %select_n3A_12 : vector<16xf32>
        %swap3A_576 = arith.index_cast %add3A_573 : i32 to index
        %swap3A_577 = arith.constant 64 : index
        %swap3A_578 = tpu.vector_load %arg24[%swap3A_576, %swap3A_577] {strides = array<i32>} : memref<80x80xf32, #tpu.memory_space<vmem>>, vector<1x16xf32>,
        %swap3A_579 = vector.shape_cast %swap3A_578 : vector<1x16xf32> to vector<16xf32>
        %swap3A_580 = vector.shape_cast %add3A_575 : vector<16xf32> to vector<1x16xf32>
        tpu.vector_store %arg24[%swap3A_576, %swap3A_577], %swap3A_580 {strides = array<i32>} : memref<80x80xf32, #tpu.memory_space<vmem>>, vector<1x16xf32>,
        %get3A_581 = arith.index_cast %add3A_573 : i32 to index
        %get3A_582 = arith.constant 0 : index
        %get3A_583 = tpu.vector_load %arg23[%get3A_581, %get3A_582] {strides = array<i32>} : memref<80x64xf32, #tpu.memory_space<vmem>>, vector<1x16xf32>,
        %get3A_584 = vector.shape_cast %get3A_583 : vector<1x16xf32> to vector<16xf32>
        %mul3A_585 = arith.mulf %get3A_584, %broadcast_in_dim3A_569 : vector<16xf32>
        %swap3A_586 = arith.index_cast %add3A_573 : i32 to index
        %swap3A_587 = arith.constant 0 : index
        %swap3A_588 = tpu.vector_load %arg24[%swap3A_586, %swap3A_587] {strides = array<i32>} : memref<80x80xf32, #tpu.memory_space<vmem>>, vector<1x16xf32>,
        %swap3A_589 = vector.shape_cast %swap3A_588 : vector<1x16xf32> to vector<16xf32>
        %swap3A_590 = vector.shape_cast %mul3A_585 : vector<16xf32> to vector<1x16xf32>
        tpu.vector_store %arg24[%swap3A_586, %swap3A_587], %swap3A_590 {strides = array<i32>} : memref<80x80xf32, #tpu.memory_space<vmem>>, vector<1x16xf32>,
        %get3A_591 = arith.index_cast %add3A_573 : i32 to index
        %get3A_592 = arith.constant 16 : index
        %get3A_593 = tpu.vector_load %arg23[%get3A_591, %get3A_592] {strides = array<i32>} : memref<80x64xf32, #tpu.memory_space<vmem>>, vector<1x16xf32>,
        %get3A_594 = vector.shape_cast %get3A_593 : vector<1x16xf32> to vector<16xf32>
        %mul3A_595 = arith.mulf %get3A_594, %broadcast_in_dim3A_569 : vector<16xf32>
        %swap3A_596 = arith.index_cast %add3A_573 : i32 to index
        %swap3A_597 = arith.constant 16 : index
        %swap3A_598 = tpu.vector_load %arg24[%swap3A_596, %swap3A_597] {strides = array<i32>} : memref<80x80xf32, #tpu.memory_space<vmem>>, vector<1x16xf32>,
        %swap3A_599 = vector.shape_cast %swap3A_598 : vector<1x16xf32> to vector<16xf32>
        %swap3A_600 = vector.shape_cast %mul3A_595 : vector<16xf32> to vector<1x16xf32>
        tpu.vector_store %arg24[%swap3A_596, %swap3A_597], %swap3A_600 {strides = array<i32>} : memref<80x80xf32, #tpu.memory_space<vmem>>, vector<1x16xf32>,
        %get3A_601 = arith.index_cast %add3A_573 : i32 to index
        %get3A_602 = arith.constant 32 : index
        %get3A_603 = tpu.vector_load %arg23[%get3A_601, %get3A_602] {strides = array<i32>} : memref<80x64xf32, #tpu.memory_space<vmem>>, vector<1x16xf32>,
        %get3A_604 = vector.shape_cast %get3A_603 : vector<1x16xf32> to vector<16xf32>
        %mul3A_605 = arith.mulf %get3A_604, %broadcast_in_dim3A_569 : vector<16xf32>
        %swap3A_606 = arith.index_cast %add3A_573 : i32 to index
        %swap3A_607 = arith.constant 32 : index
        %swap3A_608 = tpu.vector_load %arg24[%swap3A_606, %swap3A_607] {strides = array<i32>} : memref<80x80xf32, #tpu.memory_space<vmem>>, vector<1x16xf32>,
        %swap3A_609 = vector.shape_cast %swap3A_608 : vector<1x16xf32> to vector<16xf32>
        %swap3A_610 = vector.shape_cast %mul3A_605 : vector<16xf32> to vector<1x16xf32>
        tpu.vector_store %arg24[%swap3A_606, %swap3A_607], %swap3A_610 {strides = array<i32>} : memref<80x80xf32, #tpu.memory_space<vmem>>, vector<1x16xf32>,
        %get3A_611 = arith.index_cast %add3A_573 : i32 to index
        %get3A_612 = arith.constant 48 : index
        %get3A_613 = tpu.vector_load %arg23[%get3A_611, %get3A_612] {strides = array<i32>} : memref<80x64xf32, #tpu.memory_space<vmem>>, vector<1x16xf32>,
        %get3A_614 = vector.shape_cast %get3A_613 : vector<1x16xf32> to vector<16xf32>
        %mul3A_615 = arith.mulf %get3A_614, %broadcast_in_dim3A_569 : vector<16xf32>
        %swap3A_616 = arith.index_cast %add3A_573 : i32 to index
        %swap3A_617 = arith.constant 48 : index
        %swap3A_618 = tpu.vector_load %arg24[%swap3A_616, %swap3A_617] {strides = array<i32>} : memref<80x80xf32, #tpu.memory_space<vmem>>, vector<1x16xf32>,
        %swap3A_619 = vector.shape_cast %swap3A_618 : vector<1x16xf32> to vector<16xf32>
        %swap3A_620 = vector.shape_cast %mul3A_615 : vector<16xf32> to vector<1x16xf32>
        tpu.vector_store %arg24[%swap3A_616, %swap3A_617], %swap3A_620 {strides = array<i32>} : memref<80x80xf32, #tpu.memory_space<vmem>>, vector<1x16xf32>,
        %slice3A_621 = vector.extract_strided_slice %exp3A {offsets = [10], sizes = [1], strides = [1]} : vector<16xf32> to vector<1xf32>
        %squeeze3A_622 = vector.extract %slice3A_621[0] : f32 from vector<1xf32>
        %broadcast_in_dim3A_623 = vector.broadcast %squeeze3A_622 : f32 to vector<16xf32>
        %mul3A_624 = arith.constant 16 : i32
        %mul3A_625 = arith.muli %scan3A_73, %mul3A_624 : i32
        %add3A_626 = arith.constant 10 : i32
        %add3A_627 = arith.addi %mul3A_625, %add3A_626 : i32
        %mul3A_628 = arith.mulf %broadcast_in_dim3A_623, %select_n3A : vector<16xf32>
        %add3A_629 = arith.addf %mul3A_628, %select_n3A_12 : vector<16xf32>
        %swap3A_630 = arith.index_cast %add3A_627 : i32 to index
        %swap3A_631 = arith.constant 64 : index
        %swap3A_632 = tpu.vector_load %arg24[%swap3A_630, %swap3A_631] {strides = array<i32>} : memref<80x80xf32, #tpu.memory_space<vmem>>, vector<1x16xf32>,
        %swap3A_633 = vector.shape_cast %swap3A_632 : vector<1x16xf32> to vector<16xf32>
        %swap3A_634 = vector.shape_cast %add3A_629 : vector<16xf32> to vector<1x16xf32>
        tpu.vector_store %arg24[%swap3A_630, %swap3A_631], %swap3A_634 {strides = array<i32>} : memref<80x80xf32, #tpu.memory_space<vmem>>, vector<1x16xf32>,
        %get3A_635 = arith.index_cast %add3A_627 : i32 to index
        %get3A_636 = arith.constant 0 : index
        %get3A_637 = tpu.vector_load %arg23[%get3A_635, %get3A_636] {strides = array<i32>} : memref<80x64xf32, #tpu.memory_space<vmem>>, vector<1x16xf32>,
        %get3A_638 = vector.shape_cast %get3A_637 : vector<1x16xf32> to vector<16xf32>
        %mul3A_639 = arith.mulf %get3A_638, %broadcast_in_dim3A_623 : vector<16xf32>
        %swap3A_640 = arith.index_cast %add3A_627 : i32 to index
        %swap3A_641 = arith.constant 0 : index
        %swap3A_642 = tpu.vector_load %arg24[%swap3A_640, %swap3A_641] {strides = array<i32>} : memref<80x80xf32, #tpu.memory_space<vmem>>, vector<1x16xf32>,
        %swap3A_643 = vector.shape_cast %swap3A_642 : vector<1x16xf32> to vector<16xf32>
        %swap3A_644 = vector.shape_cast %mul3A_639 : vector<16xf32> to vector<1x16xf32>
        tpu.vector_store %arg24[%swap3A_640, %swap3A_641], %swap3A_644 {strides = array<i32>} : memref<80x80xf32, #tpu.memory_space<vmem>>, vector<1x16xf32>,
        %get3A_645 = arith.index_cast %add3A_627 : i32 to index
        %get3A_646 = arith.constant 16 : index
        %get3A_647 = tpu.vector_load %arg23[%get3A_645, %get3A_646] {strides = array<i32>} : memref<80x64xf32, #tpu.memory_space<vmem>>, vector<1x16xf32>,
        %get3A_648 = vector.shape_cast %get3A_647 : vector<1x16xf32> to vector<16xf32>
        %mul3A_649 = arith.mulf %get3A_648, %broadcast_in_dim3A_623 : vector<16xf32>
        %swap3A_650 = arith.index_cast %add3A_627 : i32 to index
        %swap3A_651 = arith.constant 16 : index
        %swap3A_652 = tpu.vector_load %arg24[%swap3A_650, %swap3A_651] {strides = array<i32>} : memref<80x80xf32, #tpu.memory_space<vmem>>, vector<1x16xf32>,
        %swap3A_653 = vector.shape_cast %swap3A_652 : vector<1x16xf32> to vector<16xf32>
        %swap3A_654 = vector.shape_cast %mul3A_649 : vector<16xf32> to vector<1x16xf32>
        tpu.vector_store %arg24[%swap3A_650, %swap3A_651], %swap3A_654 {strides = array<i32>} : memref<80x80xf32, #tpu.memory_space<vmem>>, vector<1x16xf32>,
        %get3A_655 = arith.index_cast %add3A_627 : i32 to index
        %get3A_656 = arith.constant 32 : index
        %get3A_657 = tpu.vector_load %arg23[%get3A_655, %get3A_656] {strides = array<i32>} : memref<80x64xf32, #tpu.memory_space<vmem>>, vector<1x16xf32>,
        %get3A_658 = vector.shape_cast %get3A_657 : vector<1x16xf32> to vector<16xf32>
        %mul3A_659 = arith.mulf %get3A_658, %broadcast_in_dim3A_623 : vector<16xf32>
        %swap3A_660 = arith.index_cast %add3A_627 : i32 to index
        %swap3A_661 = arith.constant 32 : index
        %swap3A_662 = tpu.vector_load %arg24[%swap3A_660, %swap3A_661] {strides = array<i32>} : memref<80x80xf32, #tpu.memory_space<vmem>>, vector<1x16xf32>,
        %swap3A_663 = vector.shape_cast %swap3A_662 : vector<1x16xf32> to vector<16xf32>
        %swap3A_664 = vector.shape_cast %mul3A_659 : vector<16xf32> to vector<1x16xf32>
        tpu.vector_store %arg24[%swap3A_660, %swap3A_661], %swap3A_664 {strides = array<i32>} : memref<80x80xf32, #tpu.memory_space<vmem>>, vector<1x16xf32>,
        %get3A_665 = arith.index_cast %add3A_627 : i32 to index
        %get3A_666 = arith.constant 48 : index
        %get3A_667 = tpu.vector_load %arg23[%get3A_665, %get3A_666] {strides = array<i32>} : memref<80x64xf32, #tpu.memory_space<vmem>>, vector<1x16xf32>,
        %get3A_668 = vector.shape_cast %get3A_667 : vector<1x16xf32> to vector<16xf32>
        %mul3A_669 = arith.mulf %get3A_668, %broadcast_in_dim3A_623 : vector<16xf32>
        %swap3A_670 = arith.index_cast %add3A_627 : i32 to index
        %swap3A_671 = arith.constant 48 : index
        %swap3A_672 = tpu.vector_load %arg24[%swap3A_670, %swap3A_671] {strides = array<i32>} : memref<80x80xf32, #tpu.memory_space<vmem>>, vector<1x16xf32>,
        %swap3A_673 = vector.shape_cast %swap3A_672 : vector<1x16xf32> to vector<16xf32>
        %swap3A_674 = vector.shape_cast %mul3A_669 : vector<16xf32> to vector<1x16xf32>
        tpu.vector_store %arg24[%swap3A_670, %swap3A_671], %swap3A_674 {strides = array<i32>} : memref<80x80xf32, #tpu.memory_space<vmem>>, vector<1x16xf32>,
        %slice3A_675 = vector.extract_strided_slice %exp3A {offsets = [11], sizes = [1], strides = [1]} : vector<16xf32> to vector<1xf32>
        %squeeze3A_676 = vector.extract %slice3A_675[0] : f32 from vector<1xf32>
        %broadcast_in_dim3A_677 = vector.broadcast %squeeze3A_676 : f32 to vector<16xf32>
        %mul3A_678 = arith.constant 16 : i32
        %mul3A_679 = arith.muli %scan3A_73, %mul3A_678 : i32
        %add3A_680 = arith.constant 11 : i32
        %add3A_681 = arith.addi %mul3A_679, %add3A_680 : i32
        %mul3A_682 = arith.mulf %broadcast_in_dim3A_677, %select_n3A : vector<16xf32>
        %add3A_683 = arith.addf %mul3A_682, %select_n3A_12 : vector<16xf32>
        %swap3A_684 = arith.index_cast %add3A_681 : i32 to index
        %swap3A_685 = arith.constant 64 : index
        %swap3A_686 = tpu.vector_load %arg24[%swap3A_684, %swap3A_685] {strides = array<i32>} : memref<80x80xf32, #tpu.memory_space<vmem>>, vector<1x16xf32>,
        %swap3A_687 = vector.shape_cast %swap3A_686 : vector<1x16xf32> to vector<16xf32>
        %swap3A_688 = vector.shape_cast %add3A_683 : vector<16xf32> to vector<1x16xf32>
        tpu.vector_store %arg24[%swap3A_684, %swap3A_685], %swap3A_688 {strides = array<i32>} : memref<80x80xf32, #tpu.memory_space<vmem>>, vector<1x16xf32>,
        %get3A_689 = arith.index_cast %add3A_681 : i32 to index
        %get3A_690 = arith.constant 0 : index
        %get3A_691 = tpu.vector_load %arg23[%get3A_689, %get3A_690] {strides = array<i32>} : memref<80x64xf32, #tpu.memory_space<vmem>>, vector<1x16xf32>,
        %get3A_692 = vector.shape_cast %get3A_691 : vector<1x16xf32> to vector<16xf32>
        %mul3A_693 = arith.mulf %get3A_692, %broadcast_in_dim3A_677 : vector<16xf32>
        %swap3A_694 = arith.index_cast %add3A_681 : i32 to index
        %swap3A_695 = arith.constant 0 : index
        %swap3A_696 = tpu.vector_load %arg24[%swap3A_694, %swap3A_695] {strides = array<i32>} : memref<80x80xf32, #tpu.memory_space<vmem>>, vector<1x16xf32>,
        %swap3A_697 = vector.shape_cast %swap3A_696 : vector<1x16xf32> to vector<16xf32>
        %swap3A_698 = vector.shape_cast %mul3A_693 : vector<16xf32> to vector<1x16xf32>
        tpu.vector_store %arg24[%swap3A_694, %swap3A_695], %swap3A_698 {strides = array<i32>} : memref<80x80xf32, #tpu.memory_space<vmem>>, vector<1x16xf32>,
        %get3A_699 = arith.index_cast %add3A_681 : i32 to index
        %get3A_700 = arith.constant 16 : index
        %get3A_701 = tpu.vector_load %arg23[%get3A_699, %get3A_700] {strides = array<i32>} : memref<80x64xf32, #tpu.memory_space<vmem>>, vector<1x16xf32>,
        %get3A_702 = vector.shape_cast %get3A_701 : vector<1x16xf32> to vector<16xf32>
        %mul3A_703 = arith.mulf %get3A_702, %broadcast_in_dim3A_677 : vector<16xf32>
        %swap3A_704 = arith.index_cast %add3A_681 : i32 to index
        %swap3A_705 = arith.constant 16 : index
        %swap3A_706 = tpu.vector_load %arg24[%swap3A_704, %swap3A_705] {strides = array<i32>} : memref<80x80xf32, #tpu.memory_space<vmem>>, vector<1x16xf32>,
        %swap3A_707 = vector.shape_cast %swap3A_706 : vector<1x16xf32> to vector<16xf32>
        %swap3A_708 = vector.shape_cast %mul3A_703 : vector<16xf32> to vector<1x16xf32>
        tpu.vector_store %arg24[%swap3A_704, %swap3A_705], %swap3A_708 {strides = array<i32>} : memref<80x80xf32, #tpu.memory_space<vmem>>, vector<1x16xf32>,
        %get3A_709 = arith.index_cast %add3A_681 : i32 to index
        %get3A_710 = arith.constant 32 : index
        %get3A_711 = tpu.vector_load %arg23[%get3A_709, %get3A_710] {strides = array<i32>} : memref<80x64xf32, #tpu.memory_space<vmem>>, vector<1x16xf32>,
        %get3A_712 = vector.shape_cast %get3A_711 : vector<1x16xf32> to vector<16xf32>
        %mul3A_713 = arith.mulf %get3A_712, %broadcast_in_dim3A_677 : vector<16xf32>
        %swap3A_714 = arith.index_cast %add3A_681 : i32 to index
        %swap3A_715 = arith.constant 32 : index
        %swap3A_716 = tpu.vector_load %arg24[%swap3A_714, %swap3A_715] {strides = array<i32>} : memref<80x80xf32, #tpu.memory_space<vmem>>, vector<1x16xf32>,
        %swap3A_717 = vector.shape_cast %swap3A_716 : vector<1x16xf32> to vector<16xf32>
        %swap3A_718 = vector.shape_cast %mul3A_713 : vector<16xf32> to vector<1x16xf32>
        tpu.vector_store %arg24[%swap3A_714, %swap3A_715], %swap3A_718 {strides = array<i32>} : memref<80x80xf32, #tpu.memory_space<vmem>>, vector<1x16xf32>,
        %get3A_719 = arith.index_cast %add3A_681 : i32 to index
        %get3A_720 = arith.constant 48 : index
        %get3A_721 = tpu.vector_load %arg23[%get3A_719, %get3A_720] {strides = array<i32>} : memref<80x64xf32, #tpu.memory_space<vmem>>, vector<1x16xf32>,
        %get3A_722 = vector.shape_cast %get3A_721 : vector<1x16xf32> to vector<16xf32>
        %mul3A_723 = arith.mulf %get3A_722, %broadcast_in_dim3A_677 : vector<16xf32>
        %swap3A_724 = arith.index_cast %add3A_681 : i32 to index
        %swap3A_725 = arith.constant 48 : index
        %swap3A_726 = tpu.vector_load %arg24[%swap3A_724, %swap3A_725] {strides = array<i32>} : memref<80x80xf32, #tpu.memory_space<vmem>>, vector<1x16xf32>,
        %swap3A_727 = vector.shape_cast %swap3A_726 : vector<1x16xf32> to vector<16xf32>
        %swap3A_728 = vector.shape_cast %mul3A_723 : vector<16xf32> to vector<1x16xf32>
        tpu.vector_store %arg24[%swap3A_724, %swap3A_725], %swap3A_728 {strides = array<i32>} : memref<80x80xf32, #tpu.memory_space<vmem>>, vector<1x16xf32>,
        %slice3A_729 = vector.extract_strided_slice %exp3A {offsets = [12], sizes = [1], strides = [1]} : vector<16xf32> to vector<1xf32>
        %squeeze3A_730 = vector.extract %slice3A_729[0] : f32 from vector<1xf32>
        %broadcast_in_dim3A_731 = vector.broadcast %squeeze3A_730 : f32 to vector<16xf32>
        %mul3A_732 = arith.constant 16 : i32
        %mul3A_733 = arith.muli %scan3A_73, %mul3A_732 : i32
        %add3A_734 = arith.constant 12 : i32
        %add3A_735 = arith.addi %mul3A_733, %add3A_734 : i32
        %mul3A_736 = arith.mulf %broadcast_in_dim3A_731, %select_n3A : vector<16xf32>
        %add3A_737 = arith.addf %mul3A_736, %select_n3A_12 : vector<16xf32>
        %swap3A_738 = arith.index_cast %add3A_735 : i32 to index
        %swap3A_739 = arith.constant 64 : index
        %swap3A_740 = tpu.vector_load %arg24[%swap3A_738, %swap3A_739] {strides = array<i32>} : memref<80x80xf32, #tpu.memory_space<vmem>>, vector<1x16xf32>,
        %swap3A_741 = vector.shape_cast %swap3A_740 : vector<1x16xf32> to vector<16xf32>
        %swap3A_742 = vector.shape_cast %add3A_737 : vector<16xf32> to vector<1x16xf32>
        tpu.vector_store %arg24[%swap3A_738, %swap3A_739], %swap3A_742 {strides = array<i32>} : memref<80x80xf32, #tpu.memory_space<vmem>>, vector<1x16xf32>,
        %get3A_743 = arith.index_cast %add3A_735 : i32 to index
        %get3A_744 = arith.constant 0 : index
        %get3A_745 = tpu.vector_load %arg23[%get3A_743, %get3A_744] {strides = array<i32>} : memref<80x64xf32, #tpu.memory_space<vmem>>, vector<1x16xf32>,
        %get3A_746 = vector.shape_cast %get3A_745 : vector<1x16xf32> to vector<16xf32>
        %mul3A_747 = arith.mulf %get3A_746, %broadcast_in_dim3A_731 : vector<16xf32>
        %swap3A_748 = arith.index_cast %add3A_735 : i32 to index
        %swap3A_749 = arith.constant 0 : index
        %swap3A_750 = tpu.vector_load %arg24[%swap3A_748, %swap3A_749] {strides = array<i32>} : memref<80x80xf32, #tpu.memory_space<vmem>>, vector<1x16xf32>,
        %swap3A_751 = vector.shape_cast %swap3A_750 : vector<1x16xf32> to vector<16xf32>
        %swap3A_752 = vector.shape_cast %mul3A_747 : vector<16xf32> to vector<1x16xf32>
        tpu.vector_store %arg24[%swap3A_748, %swap3A_749], %swap3A_752 {strides = array<i32>} : memref<80x80xf32, #tpu.memory_space<vmem>>, vector<1x16xf32>,
        %get3A_753 = arith.index_cast %add3A_735 : i32 to index
        %get3A_754 = arith.constant 16 : index
        %get3A_755 = tpu.vector_load %arg23[%get3A_753, %get3A_754] {strides = array<i32>} : memref<80x64xf32, #tpu.memory_space<vmem>>, vector<1x16xf32>,
        %get3A_756 = vector.shape_cast %get3A_755 : vector<1x16xf32> to vector<16xf32>
        %mul3A_757 = arith.mulf %get3A_756, %broadcast_in_dim3A_731 : vector<16xf32>
        %swap3A_758 = arith.index_cast %add3A_735 : i32 to index
        %swap3A_759 = arith.constant 16 : index
        %swap3A_760 = tpu.vector_load %arg24[%swap3A_758, %swap3A_759] {strides = array<i32>} : memref<80x80xf32, #tpu.memory_space<vmem>>, vector<1x16xf32>,
        %swap3A_761 = vector.shape_cast %swap3A_760 : vector<1x16xf32> to vector<16xf32>
        %swap3A_762 = vector.shape_cast %mul3A_757 : vector<16xf32> to vector<1x16xf32>
        tpu.vector_store %arg24[%swap3A_758, %swap3A_759], %swap3A_762 {strides = array<i32>} : memref<80x80xf32, #tpu.memory_space<vmem>>, vector<1x16xf32>,
        %get3A_763 = arith.index_cast %add3A_735 : i32 to index
        %get3A_764 = arith.constant 32 : index
        %get3A_765 = tpu.vector_load %arg23[%get3A_763, %get3A_764] {strides = array<i32>} : memref<80x64xf32, #tpu.memory_space<vmem>>, vector<1x16xf32>,
        %get3A_766 = vector.shape_cast %get3A_765 : vector<1x16xf32> to vector<16xf32>
        %mul3A_767 = arith.mulf %get3A_766, %broadcast_in_dim3A_731 : vector<16xf32>
        %swap3A_768 = arith.index_cast %add3A_735 : i32 to index
        %swap3A_769 = arith.constant 32 : index
        %swap3A_770 = tpu.vector_load %arg24[%swap3A_768, %swap3A_769] {strides = array<i32>} : memref<80x80xf32, #tpu.memory_space<vmem>>, vector<1x16xf32>,
        %swap3A_771 = vector.shape_cast %swap3A_770 : vector<1x16xf32> to vector<16xf32>
        %swap3A_772 = vector.shape_cast %mul3A_767 : vector<16xf32> to vector<1x16xf32>
        tpu.vector_store %arg24[%swap3A_768, %swap3A_769], %swap3A_772 {strides = array<i32>} : memref<80x80xf32, #tpu.memory_space<vmem>>, vector<1x16xf32>,
        %get3A_773 = arith.index_cast %add3A_735 : i32 to index
        %get3A_774 = arith.constant 48 : index
        %get3A_775 = tpu.vector_load %arg23[%get3A_773, %get3A_774] {strides = array<i32>} : memref<80x64xf32, #tpu.memory_space<vmem>>, vector<1x16xf32>,
        %get3A_776 = vector.shape_cast %get3A_775 : vector<1x16xf32> to vector<16xf32>
        %mul3A_777 = arith.mulf %get3A_776, %broadcast_in_dim3A_731 : vector<16xf32>
        %swap3A_778 = arith.index_cast %add3A_735 : i32 to index
        %swap3A_779 = arith.constant 48 : index
        %swap3A_780 = tpu.vector_load %arg24[%swap3A_778, %swap3A_779] {strides = array<i32>} : memref<80x80xf32, #tpu.memory_space<vmem>>, vector<1x16xf32>,
        %swap3A_781 = vector.shape_cast %swap3A_780 : vector<1x16xf32> to vector<16xf32>
        %swap3A_782 = vector.shape_cast %mul3A_777 : vector<16xf32> to vector<1x16xf32>
        tpu.vector_store %arg24[%swap3A_778, %swap3A_779], %swap3A_782 {strides = array<i32>} : memref<80x80xf32, #tpu.memory_space<vmem>>, vector<1x16xf32>,
        %slice3A_783 = vector.extract_strided_slice %exp3A {offsets = [13], sizes = [1], strides = [1]} : vector<16xf32> to vector<1xf32>
        %squeeze3A_784 = vector.extract %slice3A_783[0] : f32 from vector<1xf32>
        %broadcast_in_dim3A_785 = vector.broadcast %squeeze3A_784 : f32 to vector<16xf32>
        %mul3A_786 = arith.constant 16 : i32
        %mul3A_787 = arith.muli %scan3A_73, %mul3A_786 : i32
        %add3A_788 = arith.constant 13 : i32
        %add3A_789 = arith.addi %mul3A_787, %add3A_788 : i32
        %mul3A_790 = arith.mulf %broadcast_in_dim3A_785, %select_n3A : vector<16xf32>
        %add3A_791 = arith.addf %mul3A_790, %select_n3A_12 : vector<16xf32>
        %swap3A_792 = arith.index_cast %add3A_789 : i32 to index
        %swap3A_793 = arith.constant 64 : index
        %swap3A_794 = tpu.vector_load %arg24[%swap3A_792, %swap3A_793] {strides = array<i32>} : memref<80x80xf32, #tpu.memory_space<vmem>>, vector<1x16xf32>,
        %swap3A_795 = vector.shape_cast %swap3A_794 : vector<1x16xf32> to vector<16xf32>
        %swap3A_796 = vector.shape_cast %add3A_791 : vector<16xf32> to vector<1x16xf32>
        tpu.vector_store %arg24[%swap3A_792, %swap3A_793], %swap3A_796 {strides = array<i32>} : memref<80x80xf32, #tpu.memory_space<vmem>>, vector<1x16xf32>,
        %get3A_797 = arith.index_cast %add3A_789 : i32 to index
        %get3A_798 = arith.constant 0 : index
        %get3A_799 = tpu.vector_load %arg23[%get3A_797, %get3A_798] {strides = array<i32>} : memref<80x64xf32, #tpu.memory_space<vmem>>, vector<1x16xf32>,
        %get3A_800 = vector.shape_cast %get3A_799 : vector<1x16xf32> to vector<16xf32>
        %mul3A_801 = arith.mulf %get3A_800, %broadcast_in_dim3A_785 : vector<16xf32>
        %swap3A_802 = arith.index_cast %add3A_789 : i32 to index
        %swap3A_803 = arith.constant 0 : index
        %swap3A_804 = tpu.vector_load %arg24[%swap3A_802, %swap3A_803] {strides = array<i32>} : memref<80x80xf32, #tpu.memory_space<vmem>>, vector<1x16xf32>,
        %swap3A_805 = vector.shape_cast %swap3A_804 : vector<1x16xf32> to vector<16xf32>
        %swap3A_806 = vector.shape_cast %mul3A_801 : vector<16xf32> to vector<1x16xf32>
        tpu.vector_store %arg24[%swap3A_802, %swap3A_803], %swap3A_806 {strides = array<i32>} : memref<80x80xf32, #tpu.memory_space<vmem>>, vector<1x16xf32>,
        %get3A_807 = arith.index_cast %add3A_789 : i32 to index
        %get3A_808 = arith.constant 16 : index
        %get3A_809 = tpu.vector_load %arg23[%get3A_807, %get3A_808] {strides = array<i32>} : memref<80x64xf32, #tpu.memory_space<vmem>>, vector<1x16xf32>,
        %get3A_810 = vector.shape_cast %get3A_809 : vector<1x16xf32> to vector<16xf32>
        %mul3A_811 = arith.mulf %get3A_810, %broadcast_in_dim3A_785 : vector<16xf32>
        %swap3A_812 = arith.index_cast %add3A_789 : i32 to index
        %swap3A_813 = arith.constant 16 : index
        %swap3A_814 = tpu.vector_load %arg24[%swap3A_812, %swap3A_813] {strides = array<i32>} : memref<80x80xf32, #tpu.memory_space<vmem>>, vector<1x16xf32>,
        %swap3A_815 = vector.shape_cast %swap3A_814 : vector<1x16xf32> to vector<16xf32>
        %swap3A_816 = vector.shape_cast %mul3A_811 : vector<16xf32> to vector<1x16xf32>
        tpu.vector_store %arg24[%swap3A_812, %swap3A_813], %swap3A_816 {strides = array<i32>} : memref<80x80xf32, #tpu.memory_space<vmem>>, vector<1x16xf32>,
        %get3A_817 = arith.index_cast %add3A_789 : i32 to index
        %get3A_818 = arith.constant 32 : index
        %get3A_819 = tpu.vector_load %arg23[%get3A_817, %get3A_818] {strides = array<i32>} : memref<80x64xf32, #tpu.memory_space<vmem>>, vector<1x16xf32>,
        %get3A_820 = vector.shape_cast %get3A_819 : vector<1x16xf32> to vector<16xf32>
        %mul3A_821 = arith.mulf %get3A_820, %broadcast_in_dim3A_785 : vector<16xf32>
        %swap3A_822 = arith.index_cast %add3A_789 : i32 to index
        %swap3A_823 = arith.constant 32 : index
        %swap3A_824 = tpu.vector_load %arg24[%swap3A_822, %swap3A_823] {strides = array<i32>} : memref<80x80xf32, #tpu.memory_space<vmem>>, vector<1x16xf32>,
        %swap3A_825 = vector.shape_cast %swap3A_824 : vector<1x16xf32> to vector<16xf32>
        %swap3A_826 = vector.shape_cast %mul3A_821 : vector<16xf32> to vector<1x16xf32>
        tpu.vector_store %arg24[%swap3A_822, %swap3A_823], %swap3A_826 {strides = array<i32>} : memref<80x80xf32, #tpu.memory_space<vmem>>, vector<1x16xf32>,
        %get3A_827 = arith.index_cast %add3A_789 : i32 to index
        %get3A_828 = arith.constant 48 : index
        %get3A_829 = tpu.vector_load %arg23[%get3A_827, %get3A_828] {strides = array<i32>} : memref<80x64xf32, #tpu.memory_space<vmem>>, vector<1x16xf32>,
        %get3A_830 = vector.shape_cast %get3A_829 : vector<1x16xf32> to vector<16xf32>
        %mul3A_831 = arith.mulf %get3A_830, %broadcast_in_dim3A_785 : vector<16xf32>
        %swap3A_832 = arith.index_cast %add3A_789 : i32 to index
        %swap3A_833 = arith.constant 48 : index
        %swap3A_834 = tpu.vector_load %arg24[%swap3A_832, %swap3A_833] {strides = array<i32>} : memref<80x80xf32, #tpu.memory_space<vmem>>, vector<1x16xf32>,
        %swap3A_835 = vector.shape_cast %swap3A_834 : vector<1x16xf32> to vector<16xf32>
        %swap3A_836 = vector.shape_cast %mul3A_831 : vector<16xf32> to vector<1x16xf32>
        tpu.vector_store %arg24[%swap3A_832, %swap3A_833], %swap3A_836 {strides = array<i32>} : memref<80x80xf32, #tpu.memory_space<vmem>>, vector<1x16xf32>,
        %slice3A_837 = vector.extract_strided_slice %exp3A {offsets = [14], sizes = [1], strides = [1]} : vector<16xf32> to vector<1xf32>
        %squeeze3A_838 = vector.extract %slice3A_837[0] : f32 from vector<1xf32>
        %broadcast_in_dim3A_839 = vector.broadcast %squeeze3A_838 : f32 to vector<16xf32>
        %mul3A_840 = arith.constant 16 : i32
        %mul3A_841 = arith.muli %scan3A_73, %mul3A_840 : i32
        %add3A_842 = arith.constant 14 : i32
        %add3A_843 = arith.addi %mul3A_841, %add3A_842 : i32
        %mul3A_844 = arith.mulf %broadcast_in_dim3A_839, %select_n3A : vector<16xf32>
        %add3A_845 = arith.addf %mul3A_844, %select_n3A_12 : vector<16xf32>
        %swap3A_846 = arith.index_cast %add3A_843 : i32 to index
        %swap3A_847 = arith.constant 64 : index
        %swap3A_848 = tpu.vector_load %arg24[%swap3A_846, %swap3A_847] {strides = array<i32>} : memref<80x80xf32, #tpu.memory_space<vmem>>, vector<1x16xf32>,
        %swap3A_849 = vector.shape_cast %swap3A_848 : vector<1x16xf32> to vector<16xf32>
        %swap3A_850 = vector.shape_cast %add3A_845 : vector<16xf32> to vector<1x16xf32>
        tpu.vector_store %arg24[%swap3A_846, %swap3A_847], %swap3A_850 {strides = array<i32>} : memref<80x80xf32, #tpu.memory_space<vmem>>, vector<1x16xf32>,
        %get3A_851 = arith.index_cast %add3A_843 : i32 to index
        %get3A_852 = arith.constant 0 : index
        %get3A_853 = tpu.vector_load %arg23[%get3A_851, %get3A_852] {strides = array<i32>} : memref<80x64xf32, #tpu.memory_space<vmem>>, vector<1x16xf32>,
        %get3A_854 = vector.shape_cast %get3A_853 : vector<1x16xf32> to vector<16xf32>
        %mul3A_855 = arith.mulf %get3A_854, %broadcast_in_dim3A_839 : vector<16xf32>
        %swap3A_856 = arith.index_cast %add3A_843 : i32 to index
        %swap3A_857 = arith.constant 0 : index
        %swap3A_858 = tpu.vector_load %arg24[%swap3A_856, %swap3A_857] {strides = array<i32>} : memref<80x80xf32, #tpu.memory_space<vmem>>, vector<1x16xf32>,
        %swap3A_859 = vector.shape_cast %swap3A_858 : vector<1x16xf32> to vector<16xf32>
        %swap3A_860 = vector.shape_cast %mul3A_855 : vector<16xf32> to vector<1x16xf32>
        tpu.vector_store %arg24[%swap3A_856, %swap3A_857], %swap3A_860 {strides = array<i32>} : memref<80x80xf32, #tpu.memory_space<vmem>>, vector<1x16xf32>,
        %get3A_861 = arith.index_cast %add3A_843 : i32 to index
        %get3A_862 = arith.constant 16 : index
        %get3A_863 = tpu.vector_load %arg23[%get3A_861, %get3A_862] {strides = array<i32>} : memref<80x64xf32, #tpu.memory_space<vmem>>, vector<1x16xf32>,
        %get3A_864 = vector.shape_cast %get3A_863 : vector<1x16xf32> to vector<16xf32>
        %mul3A_865 = arith.mulf %get3A_864, %broadcast_in_dim3A_839 : vector<16xf32>
        %swap3A_866 = arith.index_cast %add3A_843 : i32 to index
        %swap3A_867 = arith.constant 16 : index
        %swap3A_868 = tpu.vector_load %arg24[%swap3A_866, %swap3A_867] {strides = array<i32>} : memref<80x80xf32, #tpu.memory_space<vmem>>, vector<1x16xf32>,
        %swap3A_869 = vector.shape_cast %swap3A_868 : vector<1x16xf32> to vector<16xf32>
        %swap3A_870 = vector.shape_cast %mul3A_865 : vector<16xf32> to vector<1x16xf32>
        tpu.vector_store %arg24[%swap3A_866, %swap3A_867], %swap3A_870 {strides = array<i32>} : memref<80x80xf32, #tpu.memory_space<vmem>>, vector<1x16xf32>,
        %get3A_871 = arith.index_cast %add3A_843 : i32 to index
        %get3A_872 = arith.constant 32 : index
        %get3A_873 = tpu.vector_load %arg23[%get3A_871, %get3A_872] {strides = array<i32>} : memref<80x64xf32, #tpu.memory_space<vmem>>, vector<1x16xf32>,
        %get3A_874 = vector.shape_cast %get3A_873 : vector<1x16xf32> to vector<16xf32>
        %mul3A_875 = arith.mulf %get3A_874, %broadcast_in_dim3A_839 : vector<16xf32>
        %swap3A_876 = arith.index_cast %add3A_843 : i32 to index
        %swap3A_877 = arith.constant 32 : index
        %swap3A_878 = tpu.vector_load %arg24[%swap3A_876, %swap3A_877] {strides = array<i32>} : memref<80x80xf32, #tpu.memory_space<vmem>>, vector<1x16xf32>,
        %swap3A_879 = vector.shape_cast %swap3A_878 : vector<1x16xf32> to vector<16xf32>
        %swap3A_880 = vector.shape_cast %mul3A_875 : vector<16xf32> to vector<1x16xf32>
        tpu.vector_store %arg24[%swap3A_876, %swap3A_877], %swap3A_880 {strides = array<i32>} : memref<80x80xf32, #tpu.memory_space<vmem>>, vector<1x16xf32>,
        %get3A_881 = arith.index_cast %add3A_843 : i32 to index
        %get3A_882 = arith.constant 48 : index
        %get3A_883 = tpu.vector_load %arg23[%get3A_881, %get3A_882] {strides = array<i32>} : memref<80x64xf32, #tpu.memory_space<vmem>>, vector<1x16xf32>,
        %get3A_884 = vector.shape_cast %get3A_883 : vector<1x16xf32> to vector<16xf32>
        %mul3A_885 = arith.mulf %get3A_884, %broadcast_in_dim3A_839 : vector<16xf32>
        %swap3A_886 = arith.index_cast %add3A_843 : i32 to index
        %swap3A_887 = arith.constant 48 : index
        %swap3A_888 = tpu.vector_load %arg24[%swap3A_886, %swap3A_887] {strides = array<i32>} : memref<80x80xf32, #tpu.memory_space<vmem>>, vector<1x16xf32>,
        %swap3A_889 = vector.shape_cast %swap3A_888 : vector<1x16xf32> to vector<16xf32>
        %swap3A_890 = vector.shape_cast %mul3A_885 : vector<16xf32> to vector<1x16xf32>
        tpu.vector_store %arg24[%swap3A_886, %swap3A_887], %swap3A_890 {strides = array<i32>} : memref<80x80xf32, #tpu.memory_space<vmem>>, vector<1x16xf32>,
        %slice3A_891 = vector.extract_strided_slice %exp3A {offsets = [15], sizes = [1], strides = [1]} : vector<16xf32> to vector<1xf32>
        %squeeze3A_892 = vector.extract %slice3A_891[0] : f32 from vector<1xf32>
        %broadcast_in_dim3A_893 = vector.broadcast %squeeze3A_892 : f32 to vector<16xf32>
        %mul3A_894 = arith.constant 16 : i32
        %mul3A_895 = arith.muli %scan3A_73, %mul3A_894 : i32
        %add3A_896 = arith.constant 15 : i32
        %add3A_897 = arith.addi %mul3A_895, %add3A_896 : i32
        %mul3A_898 = arith.mulf %broadcast_in_dim3A_893, %select_n3A : vector<16xf32>
        %add3A_899 = arith.addf %mul3A_898, %select_n3A_12 : vector<16xf32>
        %swap3A_900 = arith.index_cast %add3A_897 : i32 to index
        %swap3A_901 = arith.constant 64 : index
        %swap3A_902 = tpu.vector_load %arg24[%swap3A_900, %swap3A_901] {strides = array<i32>} : memref<80x80xf32, #tpu.memory_space<vmem>>, vector<1x16xf32>,
        %swap3A_903 = vector.shape_cast %swap3A_902 : vector<1x16xf32> to vector<16xf32>
        %swap3A_904 = vector.shape_cast %add3A_899 : vector<16xf32> to vector<1x16xf32>
        tpu.vector_store %arg24[%swap3A_900, %swap3A_901], %swap3A_904 {strides = array<i32>} : memref<80x80xf32, #tpu.memory_space<vmem>>, vector<1x16xf32>,
        %get3A_905 = arith.index_cast %add3A_897 : i32 to index
        %get3A_906 = arith.constant 0 : index
        %get3A_907 = tpu.vector_load %arg23[%get3A_905, %get3A_906] {strides = array<i32>} : memref<80x64xf32, #tpu.memory_space<vmem>>, vector<1x16xf32>,
        %get3A_908 = vector.shape_cast %get3A_907 : vector<1x16xf32> to vector<16xf32>
        %mul3A_909 = arith.mulf %get3A_908, %broadcast_in_dim3A_893 : vector<16xf32>
        %swap3A_910 = arith.index_cast %add3A_897 : i32 to index
        %swap3A_911 = arith.constant 0 : index
        %swap3A_912 = tpu.vector_load %arg24[%swap3A_910, %swap3A_911] {strides = array<i32>} : memref<80x80xf32, #tpu.memory_space<vmem>>, vector<1x16xf32>,
        %swap3A_913 = vector.shape_cast %swap3A_912 : vector<1x16xf32> to vector<16xf32>
        %swap3A_914 = vector.shape_cast %mul3A_909 : vector<16xf32> to vector<1x16xf32>
        tpu.vector_store %arg24[%swap3A_910, %swap3A_911], %swap3A_914 {strides = array<i32>} : memref<80x80xf32, #tpu.memory_space<vmem>>, vector<1x16xf32>,
        %get3A_915 = arith.index_cast %add3A_897 : i32 to index
        %get3A_916 = arith.constant 16 : index
        %get3A_917 = tpu.vector_load %arg23[%get3A_915, %get3A_916] {strides = array<i32>} : memref<80x64xf32, #tpu.memory_space<vmem>>, vector<1x16xf32>,
        %get3A_918 = vector.shape_cast %get3A_917 : vector<1x16xf32> to vector<16xf32>
        %mul3A_919 = arith.mulf %get3A_918, %broadcast_in_dim3A_893 : vector<16xf32>
        %swap3A_920 = arith.index_cast %add3A_897 : i32 to index
        %swap3A_921 = arith.constant 16 : index
        %swap3A_922 = tpu.vector_load %arg24[%swap3A_920, %swap3A_921] {strides = array<i32>} : memref<80x80xf32, #tpu.memory_space<vmem>>, vector<1x16xf32>,
        %swap3A_923 = vector.shape_cast %swap3A_922 : vector<1x16xf32> to vector<16xf32>
        %swap3A_924 = vector.shape_cast %mul3A_919 : vector<16xf32> to vector<1x16xf32>
        tpu.vector_store %arg24[%swap3A_920, %swap3A_921], %swap3A_924 {strides = array<i32>} : memref<80x80xf32, #tpu.memory_space<vmem>>, vector<1x16xf32>,
        %get3A_925 = arith.index_cast %add3A_897 : i32 to index
        %get3A_926 = arith.constant 32 : index
        %get3A_927 = tpu.vector_load %arg23[%get3A_925, %get3A_926] {strides = array<i32>} : memref<80x64xf32, #tpu.memory_space<vmem>>, vector<1x16xf32>,
        %get3A_928 = vector.shape_cast %get3A_927 : vector<1x16xf32> to vector<16xf32>
        %mul3A_929 = arith.mulf %get3A_928, %broadcast_in_dim3A_893 : vector<16xf32>
        %swap3A_930 = arith.index_cast %add3A_897 : i32 to index
        %swap3A_931 = arith.constant 32 : index
        %swap3A_932 = tpu.vector_load %arg24[%swap3A_930, %swap3A_931] {strides = array<i32>} : memref<80x80xf32, #tpu.memory_space<vmem>>, vector<1x16xf32>,
        %swap3A_933 = vector.shape_cast %swap3A_932 : vector<1x16xf32> to vector<16xf32>
        %swap3A_934 = vector.shape_cast %mul3A_929 : vector<16xf32> to vector<1x16xf32>
        tpu.vector_store %arg24[%swap3A_930, %swap3A_931], %swap3A_934 {strides = array<i32>} : memref<80x80xf32, #tpu.memory_space<vmem>>, vector<1x16xf32>,
        %get3A_935 = arith.index_cast %add3A_897 : i32 to index
        %get3A_936 = arith.constant 48 : index
        %get3A_937 = tpu.vector_load %arg23[%get3A_935, %get3A_936] {strides = array<i32>} : memref<80x64xf32, #tpu.memory_space<vmem>>, vector<1x16xf32>,
        %get3A_938 = vector.shape_cast %get3A_937 : vector<1x16xf32> to vector<16xf32>
        %mul3A_939 = arith.mulf %get3A_938, %broadcast_in_dim3A_893 : vector<16xf32>
        %swap3A_940 = arith.index_cast %add3A_897 : i32 to index
        %swap3A_941 = arith.constant 48 : index
        %swap3A_942 = tpu.vector_load %arg24[%swap3A_940, %swap3A_941] {strides = array<i32>} : memref<80x80xf32, #tpu.memory_space<vmem>>, vector<1x16xf32>,
        %swap3A_943 = vector.shape_cast %swap3A_942 : vector<1x16xf32> to vector<16xf32>
        %swap3A_944 = vector.shape_cast %mul3A_939 : vector<16xf32> to vector<1x16xf32>
        tpu.vector_store %arg24[%swap3A_940, %swap3A_941], %swap3A_944 {strides = array<i32>} : memref<80x80xf32, #tpu.memory_space<vmem>>, vector<1x16xf32>,
      }
      %scan3A_72 = arith.constant 5 : i32
      "tpu.region"() ({
        %run_scoped3A = tpu.sem_alloc : memref<!tpu.dma_semaphore, #tpu.memory_space<semaphore_mem>>
        %dma_start3A_73 = arith.constant 0 : i32
        %dma_start3A_74 = arith.constant 0 : i32
        %dma_start3A_75 = tpu.memref_slice %arg29[%dma_start3A_73, %dma_start3A_74] : memref<10240x80xf32, #tpu.memory_space<vmem_shared>> -> memref<10240x80xf32, #tpu.memory_space<vmem_shared>>
        tpu.enqueue_indirect_dma source(%arg24 : memref<80x80xf32, #tpu.memory_space<vmem>>) target(%dma_start3A_75 : memref<10240x80xf32, #tpu.memory_space<vmem_shared>>) offsets(%arg15 : memref<80xi32, #tpu.memory_space<vmem>>) semaphore(%run_scoped3A : memref<!tpu.dma_semaphore, #tpu.memory_space<semaphore_mem>>) {add = true}
        %dma_wait3A_76 = arith.constant 0 : i32
        %dma_wait3A_77 = arith.constant 0 : i32
        %dma_wait3A_78 = tpu.memref_slice %arg29[%dma_wait3A_76, %dma_wait3A_77] : memref<10240x80xf32, #tpu.memory_space<vmem_shared>> -> memref<10240x80xf32, #tpu.memory_space<vmem_shared>>
        tpu.wait_indirect_dma semaphore(%run_scoped3A : memref<!tpu.dma_semaphore, #tpu.memory_space<semaphore_mem>>) src(%arg24 : memref<80x80xf32, #tpu.memory_space<vmem>>) dst(%dma_wait3A_78 : memref<10240x80xf32, #tpu.memory_space<vmem_shared>>)
        tpu.yield
      }) : () -> ()
    }
    %scan3A_27 = arith.constant 250 : i32
    %mul3A_28 = arith.constant 4096 : i32
    %mul3A_29 = arith.muli %add3A, %mul3A_28 : i32
    %scan3A_30 = arith.constant 0 : i32
    %scan3A_31 = arith.constant 0 : i32
    %scan3A_32 = arith.constant 64 : i32
    %scan3A_33 = arith.addi %scan3A_31, %scan3A_32 : i32
    %scan3A_34 = arith.constant 1 : i32
    scf.for %scan3A_45 = %scan3A_31 to %scan3A_33 step %scan3A_34  : i32 {
      %mul3A_46 = arith.constant 64 : i32
      %mul3A_47 = arith.muli %scan3A_45, %mul3A_46 : i32
      %add3A_48 = arith.addi %mul3A_29, %mul3A_47 : i32
      "tpu.region"() ({
        %run_scoped3A = tpu.sem_alloc : memref<!tpu.dma_semaphore, #tpu.memory_space<semaphore_mem>>
        %dma_start3A_59 = tpu.memref_slice %arg8[%add3A_48] : memref<131072xi32, #tpu.memory_space<hbm>> -> memref<64xi32, #tpu.memory_space<hbm>>
        %dma_start3A_60 = tpu.memref_slice %arg8[%add3A_48] : memref<131072xi32, #tpu.memory_space<hbm>> -> memref<64xi32, #tpu.memory_space<hbm>>
        tpu.enqueue_dma source(%dma_start3A_60 : memref<64xi32, #tpu.memory_space<hbm>>) target(%arg25 : memref<64xi32, #tpu.memory_space<vmem>>) target_semaphore(%run_scoped3A : memref<!tpu.dma_semaphore, #tpu.memory_space<semaphore_mem>>)
        %dma_wait3A_61 = tpu.memref_slice %arg8[%add3A_48] : memref<131072xi32, #tpu.memory_space<hbm>> -> memref<64xi32, #tpu.memory_space<hbm>>
        %dma_wait3A_62 = tpu.memref_slice %arg8[%add3A_48] : memref<131072xi32, #tpu.memory_space<hbm>> -> memref<64xi32, #tpu.memory_space<hbm>>
        tpu.wait_dma2 semaphore(%run_scoped3A : memref<!tpu.dma_semaphore, #tpu.memory_space<semaphore_mem>>) src(%dma_wait3A_62 : memref<64xi32, #tpu.memory_space<hbm>>) dst(%arg25 : memref<64xi32, #tpu.memory_space<vmem>>)
        tpu.yield
      }) : () -> ()
      "tpu.region"() ({
        %run_scoped3A = tpu.sem_alloc : memref<!tpu.dma_semaphore, #tpu.memory_space<semaphore_mem>>
        %dma_start3A_59 = tpu.memref_slice %arg9[%add3A_48] : memref<131072xi32, #tpu.memory_space<hbm>> -> memref<64xi32, #tpu.memory_space<hbm>>
        %dma_start3A_60 = tpu.memref_slice %arg9[%add3A_48] : memref<131072xi32, #tpu.memory_space<hbm>> -> memref<64xi32, #tpu.memory_space<hbm>>
        tpu.enqueue_dma source(%dma_start3A_60 : memref<64xi32, #tpu.memory_space<hbm>>) target(%arg26 : memref<64xi32, #tpu.memory_space<vmem>>) target_semaphore(%run_scoped3A : memref<!tpu.dma_semaphore, #tpu.memory_space<semaphore_mem>>)
        %dma_wait3A_61 = tpu.memref_slice %arg9[%add3A_48] : memref<131072xi32, #tpu.memory_space<hbm>> -> memref<64xi32, #tpu.memory_space<hbm>>
        %dma_wait3A_62 = tpu.memref_slice %arg9[%add3A_48] : memref<131072xi32, #tpu.memory_space<hbm>> -> memref<64xi32, #tpu.memory_space<hbm>>
        tpu.wait_dma2 semaphore(%run_scoped3A : memref<!tpu.dma_semaphore, #tpu.memory_space<semaphore_mem>>) src(%dma_wait3A_62 : memref<64xi32, #tpu.memory_space<hbm>>) dst(%arg26 : memref<64xi32, #tpu.memory_space<vmem>>)
        tpu.yield
      }) : () -> ()
      "tpu.region"() ({
        %run_scoped3A = tpu.sem_alloc : memref<!tpu.dma_semaphore, #tpu.memory_space<semaphore_mem>>
        %dma_start3A_59 = tpu.memref_slice %arg10[%add3A_48] : memref<131072xf32, #tpu.memory_space<hbm>> -> memref<64xf32, #tpu.memory_space<hbm>>
        %dma_start3A_60 = tpu.memref_slice %arg10[%add3A_48] : memref<131072xf32, #tpu.memory_space<hbm>> -> memref<64xf32, #tpu.memory_space<hbm>>
        tpu.enqueue_dma source(%dma_start3A_60 : memref<64xf32, #tpu.memory_space<hbm>>) target(%arg27 : memref<64xf32, #tpu.memory_space<vmem>>) target_semaphore(%run_scoped3A : memref<!tpu.dma_semaphore, #tpu.memory_space<semaphore_mem>>)
        %dma_wait3A_61 = tpu.memref_slice %arg10[%add3A_48] : memref<131072xf32, #tpu.memory_space<hbm>> -> memref<64xf32, #tpu.memory_space<hbm>>
        %dma_wait3A_62 = tpu.memref_slice %arg10[%add3A_48] : memref<131072xf32, #tpu.memory_space<hbm>> -> memref<64xf32, #tpu.memory_space<hbm>>
        tpu.wait_dma2 semaphore(%run_scoped3A : memref<!tpu.dma_semaphore, #tpu.memory_space<semaphore_mem>>) src(%dma_wait3A_62 : memref<64xf32, #tpu.memory_space<hbm>>) dst(%arg27 : memref<64xf32, #tpu.memory_space<vmem>>)
        tpu.yield
      }) : () -> ()
      %dma_start3A = arith.constant 0 : i32
      %dma_start3A_49 = arith.constant 0 : i32
      %dma_start3A_50 = tpu.memref_slice %arg7[%dma_start3A, %dma_start3A_49] : memref<10000x64xf32, #tpu.memory_space<hbm>> -> memref<10000x64xf32, #tpu.memory_space<hbm>>
      tpu.enqueue_indirect_dma source(%dma_start3A_50 : memref<10000x64xf32, #tpu.memory_space<hbm>>) target(%arg28 : memref<64x64xf32, #tpu.memory_space<vmem>>) offsets(%arg26 : memref<64xi32, #tpu.memory_space<vmem>>) semaphore(%arg31 : memref<!tpu.dma_semaphore, #tpu.memory_space<semaphore_mem>>)
      %dma_wait3A = arith.constant 0 : i32
      %dma_wait3A_51 = arith.constant 0 : i32
      %dma_wait3A_52 = tpu.memref_slice %arg7[%dma_wait3A, %dma_wait3A_51] : memref<10000x64xf32, #tpu.memory_space<hbm>> -> memref<10000x64xf32, #tpu.memory_space<hbm>>
      tpu.wait_indirect_dma semaphore(%arg31 : memref<!tpu.dma_semaphore, #tpu.memory_space<semaphore_mem>>) src(%dma_wait3A_52 : memref<10000x64xf32, #tpu.memory_space<hbm>>) dst(%arg28 : memref<64x64xf32, #tpu.memory_space<vmem>>)
      %scan3A_53 = arith.constant 0 : i32
      %scan3A_54 = arith.constant 0 : i32
      %scan3A_55 = arith.constant 4 : i32
      %scan3A_56 = arith.addi %scan3A_54, %scan3A_55 : i32
      %scan3A_57 = arith.constant 1 : i32
      scf.for %scan3A_59 = %scan3A_54 to %scan3A_56 step %scan3A_57  : i32 {
        %mul3A_60 = arith.constant 16 : i32
        %mul3A_61 = arith.muli %scan3A_59, %mul3A_60 : i32
        %get3A = arith.index_cast %mul3A_61 : i32 to index
        %get3A_62 = tpu.vector_load %arg27[%get3A] {strides = array<i32>} : memref<64xf32, #tpu.memory_space<vmem>>, vector<16xf32>,
        %get3A_63 = vector.shape_cast %get3A_62 : vector<16xf32> to vector<16xf32>
        %slice3A = vector.extract_strided_slice %get3A_63 {offsets = [0], sizes = [1], strides = [1]} : vector<16xf32> to vector<1xf32>
        %squeeze3A = vector.extract %slice3A[0] : f32 from vector<1xf32>
        %broadcast_in_dim3A_64 = vector.broadcast %squeeze3A : f32 to vector<16xf32>
        %mul3A_65 = arith.constant 16 : i32
        %mul3A_66 = arith.muli %scan3A_59, %mul3A_65 : i32
        %add3A_67 = arith.constant 0 : i32
        %add3A_68 = arith.addi %mul3A_66, %add3A_67 : i32
        %get3A_69 = arith.index_cast %add3A_68 : i32 to index
        %get3A_70 = arith.constant 0 : index
        %get3A_71 = tpu.vector_load %arg28[%get3A_69, %get3A_70] {strides = array<i32>} : memref<64x64xf32, #tpu.memory_space<vmem>>, vector<1x16xf32>,
        %get3A_72 = vector.shape_cast %get3A_71 : vector<1x16xf32> to vector<16xf32>
        %mul3A_73 = arith.mulf %get3A_72, %broadcast_in_dim3A_64 : vector<16xf32>
        %swap3A = arith.index_cast %add3A_68 : i32 to index
        %swap3A_74 = arith.constant 0 : index
        %swap3A_75 = tpu.vector_load %arg28[%swap3A, %swap3A_74] {strides = array<i32>} : memref<64x64xf32, #tpu.memory_space<vmem>>, vector<1x16xf32>,
        %swap3A_76 = vector.shape_cast %swap3A_75 : vector<1x16xf32> to vector<16xf32>
        %swap3A_77 = vector.shape_cast %mul3A_73 : vector<16xf32> to vector<1x16xf32>
        tpu.vector_store %arg28[%swap3A, %swap3A_74], %swap3A_77 {strides = array<i32>} : memref<64x64xf32, #tpu.memory_space<vmem>>, vector<1x16xf32>,
        %get3A_78 = arith.index_cast %add3A_68 : i32 to index
        %get3A_79 = arith.constant 16 : index
        %get3A_80 = tpu.vector_load %arg28[%get3A_78, %get3A_79] {strides = array<i32>} : memref<64x64xf32, #tpu.memory_space<vmem>>, vector<1x16xf32>,
        %get3A_81 = vector.shape_cast %get3A_80 : vector<1x16xf32> to vector<16xf32>
        %mul3A_82 = arith.mulf %get3A_81, %broadcast_in_dim3A_64 : vector<16xf32>
        %swap3A_83 = arith.index_cast %add3A_68 : i32 to index
        %swap3A_84 = arith.constant 16 : index
        %swap3A_85 = tpu.vector_load %arg28[%swap3A_83, %swap3A_84] {strides = array<i32>} : memref<64x64xf32, #tpu.memory_space<vmem>>, vector<1x16xf32>,
        %swap3A_86 = vector.shape_cast %swap3A_85 : vector<1x16xf32> to vector<16xf32>
        %swap3A_87 = vector.shape_cast %mul3A_82 : vector<16xf32> to vector<1x16xf32>
        tpu.vector_store %arg28[%swap3A_83, %swap3A_84], %swap3A_87 {strides = array<i32>} : memref<64x64xf32, #tpu.memory_space<vmem>>, vector<1x16xf32>,
        %get3A_88 = arith.index_cast %add3A_68 : i32 to index
        %get3A_89 = arith.constant 32 : index
        %get3A_90 = tpu.vector_load %arg28[%get3A_88, %get3A_89] {strides = array<i32>} : memref<64x64xf32, #tpu.memory_space<vmem>>, vector<1x16xf32>,
        %get3A_91 = vector.shape_cast %get3A_90 : vector<1x16xf32> to vector<16xf32>
        %mul3A_92 = arith.mulf %get3A_91, %broadcast_in_dim3A_64 : vector<16xf32>
        %swap3A_93 = arith.index_cast %add3A_68 : i32 to index
        %swap3A_94 = arith.constant 32 : index
        %swap3A_95 = tpu.vector_load %arg28[%swap3A_93, %swap3A_94] {strides = array<i32>} : memref<64x64xf32, #tpu.memory_space<vmem>>, vector<1x16xf32>,
        %swap3A_96 = vector.shape_cast %swap3A_95 : vector<1x16xf32> to vector<16xf32>
        %swap3A_97 = vector.shape_cast %mul3A_92 : vector<16xf32> to vector<1x16xf32>
        tpu.vector_store %arg28[%swap3A_93, %swap3A_94], %swap3A_97 {strides = array<i32>} : memref<64x64xf32, #tpu.memory_space<vmem>>, vector<1x16xf32>,
        %get3A_98 = arith.index_cast %add3A_68 : i32 to index
        %get3A_99 = arith.constant 48 : index
        %get3A_100 = tpu.vector_load %arg28[%get3A_98, %get3A_99] {strides = array<i32>} : memref<64x64xf32, #tpu.memory_space<vmem>>, vector<1x16xf32>,
        %get3A_101 = vector.shape_cast %get3A_100 : vector<1x16xf32> to vector<16xf32>
        %mul3A_102 = arith.mulf %get3A_101, %broadcast_in_dim3A_64 : vector<16xf32>
        %swap3A_103 = arith.index_cast %add3A_68 : i32 to index
        %swap3A_104 = arith.constant 48 : index
        %swap3A_105 = tpu.vector_load %arg28[%swap3A_103, %swap3A_104] {strides = array<i32>} : memref<64x64xf32, #tpu.memory_space<vmem>>, vector<1x16xf32>,
        %swap3A_106 = vector.shape_cast %swap3A_105 : vector<1x16xf32> to vector<16xf32>
        %swap3A_107 = vector.shape_cast %mul3A_102 : vector<16xf32> to vector<1x16xf32>
        tpu.vector_store %arg28[%swap3A_103, %swap3A_104], %swap3A_107 {strides = array<i32>} : memref<64x64xf32, #tpu.memory_space<vmem>>, vector<1x16xf32>,
        %slice3A_108 = vector.extract_strided_slice %get3A_63 {offsets = [1], sizes = [1], strides = [1]} : vector<16xf32> to vector<1xf32>
        %squeeze3A_109 = vector.extract %slice3A_108[0] : f32 from vector<1xf32>
        %broadcast_in_dim3A_110 = vector.broadcast %squeeze3A_109 : f32 to vector<16xf32>
        %mul3A_111 = arith.constant 16 : i32
        %mul3A_112 = arith.muli %scan3A_59, %mul3A_111 : i32
        %add3A_113 = arith.constant 1 : i32
        %add3A_114 = arith.addi %mul3A_112, %add3A_113 : i32
        %get3A_115 = arith.index_cast %add3A_114 : i32 to index
        %get3A_116 = arith.constant 0 : index
        %get3A_117 = tpu.vector_load %arg28[%get3A_115, %get3A_116] {strides = array<i32>} : memref<64x64xf32, #tpu.memory_space<vmem>>, vector<1x16xf32>,
        %get3A_118 = vector.shape_cast %get3A_117 : vector<1x16xf32> to vector<16xf32>
        %mul3A_119 = arith.mulf %get3A_118, %broadcast_in_dim3A_110 : vector<16xf32>
        %swap3A_120 = arith.index_cast %add3A_114 : i32 to index
        %swap3A_121 = arith.constant 0 : index
        %swap3A_122 = tpu.vector_load %arg28[%swap3A_120, %swap3A_121] {strides = array<i32>} : memref<64x64xf32, #tpu.memory_space<vmem>>, vector<1x16xf32>,
        %swap3A_123 = vector.shape_cast %swap3A_122 : vector<1x16xf32> to vector<16xf32>
        %swap3A_124 = vector.shape_cast %mul3A_119 : vector<16xf32> to vector<1x16xf32>
        tpu.vector_store %arg28[%swap3A_120, %swap3A_121], %swap3A_124 {strides = array<i32>} : memref<64x64xf32, #tpu.memory_space<vmem>>, vector<1x16xf32>,
        %get3A_125 = arith.index_cast %add3A_114 : i32 to index
        %get3A_126 = arith.constant 16 : index
        %get3A_127 = tpu.vector_load %arg28[%get3A_125, %get3A_126] {strides = array<i32>} : memref<64x64xf32, #tpu.memory_space<vmem>>, vector<1x16xf32>,
        %get3A_128 = vector.shape_cast %get3A_127 : vector<1x16xf32> to vector<16xf32>
        %mul3A_129 = arith.mulf %get3A_128, %broadcast_in_dim3A_110 : vector<16xf32>
        %swap3A_130 = arith.index_cast %add3A_114 : i32 to index
        %swap3A_131 = arith.constant 16 : index
        %swap3A_132 = tpu.vector_load %arg28[%swap3A_130, %swap3A_131] {strides = array<i32>} : memref<64x64xf32, #tpu.memory_space<vmem>>, vector<1x16xf32>,
        %swap3A_133 = vector.shape_cast %swap3A_132 : vector<1x16xf32> to vector<16xf32>
        %swap3A_134 = vector.shape_cast %mul3A_129 : vector<16xf32> to vector<1x16xf32>
        tpu.vector_store %arg28[%swap3A_130, %swap3A_131], %swap3A_134 {strides = array<i32>} : memref<64x64xf32, #tpu.memory_space<vmem>>, vector<1x16xf32>,
        %get3A_135 = arith.index_cast %add3A_114 : i32 to index
        %get3A_136 = arith.constant 32 : index
        %get3A_137 = tpu.vector_load %arg28[%get3A_135, %get3A_136] {strides = array<i32>} : memref<64x64xf32, #tpu.memory_space<vmem>>, vector<1x16xf32>,
        %get3A_138 = vector.shape_cast %get3A_137 : vector<1x16xf32> to vector<16xf32>
        %mul3A_139 = arith.mulf %get3A_138, %broadcast_in_dim3A_110 : vector<16xf32>
        %swap3A_140 = arith.index_cast %add3A_114 : i32 to index
        %swap3A_141 = arith.constant 32 : index
        %swap3A_142 = tpu.vector_load %arg28[%swap3A_140, %swap3A_141] {strides = array<i32>} : memref<64x64xf32, #tpu.memory_space<vmem>>, vector<1x16xf32>,
        %swap3A_143 = vector.shape_cast %swap3A_142 : vector<1x16xf32> to vector<16xf32>
        %swap3A_144 = vector.shape_cast %mul3A_139 : vector<16xf32> to vector<1x16xf32>
        tpu.vector_store %arg28[%swap3A_140, %swap3A_141], %swap3A_144 {strides = array<i32>} : memref<64x64xf32, #tpu.memory_space<vmem>>, vector<1x16xf32>,
        %get3A_145 = arith.index_cast %add3A_114 : i32 to index
        %get3A_146 = arith.constant 48 : index
        %get3A_147 = tpu.vector_load %arg28[%get3A_145, %get3A_146] {strides = array<i32>} : memref<64x64xf32, #tpu.memory_space<vmem>>, vector<1x16xf32>,
        %get3A_148 = vector.shape_cast %get3A_147 : vector<1x16xf32> to vector<16xf32>
        %mul3A_149 = arith.mulf %get3A_148, %broadcast_in_dim3A_110 : vector<16xf32>
        %swap3A_150 = arith.index_cast %add3A_114 : i32 to index
        %swap3A_151 = arith.constant 48 : index
        %swap3A_152 = tpu.vector_load %arg28[%swap3A_150, %swap3A_151] {strides = array<i32>} : memref<64x64xf32, #tpu.memory_space<vmem>>, vector<1x16xf32>,
        %swap3A_153 = vector.shape_cast %swap3A_152 : vector<1x16xf32> to vector<16xf32>
        %swap3A_154 = vector.shape_cast %mul3A_149 : vector<16xf32> to vector<1x16xf32>
        tpu.vector_store %arg28[%swap3A_150, %swap3A_151], %swap3A_154 {strides = array<i32>} : memref<64x64xf32, #tpu.memory_space<vmem>>, vector<1x16xf32>,
        %slice3A_155 = vector.extract_strided_slice %get3A_63 {offsets = [2], sizes = [1], strides = [1]} : vector<16xf32> to vector<1xf32>
        %squeeze3A_156 = vector.extract %slice3A_155[0] : f32 from vector<1xf32>
        %broadcast_in_dim3A_157 = vector.broadcast %squeeze3A_156 : f32 to vector<16xf32>
        %mul3A_158 = arith.constant 16 : i32
        %mul3A_159 = arith.muli %scan3A_59, %mul3A_158 : i32
        %add3A_160 = arith.constant 2 : i32
        %add3A_161 = arith.addi %mul3A_159, %add3A_160 : i32
        %get3A_162 = arith.index_cast %add3A_161 : i32 to index
        %get3A_163 = arith.constant 0 : index
        %get3A_164 = tpu.vector_load %arg28[%get3A_162, %get3A_163] {strides = array<i32>} : memref<64x64xf32, #tpu.memory_space<vmem>>, vector<1x16xf32>,
        %get3A_165 = vector.shape_cast %get3A_164 : vector<1x16xf32> to vector<16xf32>
        %mul3A_166 = arith.mulf %get3A_165, %broadcast_in_dim3A_157 : vector<16xf32>
        %swap3A_167 = arith.index_cast %add3A_161 : i32 to index
        %swap3A_168 = arith.constant 0 : index
        %swap3A_169 = tpu.vector_load %arg28[%swap3A_167, %swap3A_168] {strides = array<i32>} : memref<64x64xf32, #tpu.memory_space<vmem>>, vector<1x16xf32>,
        %swap3A_170 = vector.shape_cast %swap3A_169 : vector<1x16xf32> to vector<16xf32>
        %swap3A_171 = vector.shape_cast %mul3A_166 : vector<16xf32> to vector<1x16xf32>
        tpu.vector_store %arg28[%swap3A_167, %swap3A_168], %swap3A_171 {strides = array<i32>} : memref<64x64xf32, #tpu.memory_space<vmem>>, vector<1x16xf32>,
        %get3A_172 = arith.index_cast %add3A_161 : i32 to index
        %get3A_173 = arith.constant 16 : index
        %get3A_174 = tpu.vector_load %arg28[%get3A_172, %get3A_173] {strides = array<i32>} : memref<64x64xf32, #tpu.memory_space<vmem>>, vector<1x16xf32>,
        %get3A_175 = vector.shape_cast %get3A_174 : vector<1x16xf32> to vector<16xf32>
        %mul3A_176 = arith.mulf %get3A_175, %broadcast_in_dim3A_157 : vector<16xf32>
        %swap3A_177 = arith.index_cast %add3A_161 : i32 to index
        %swap3A_178 = arith.constant 16 : index
        %swap3A_179 = tpu.vector_load %arg28[%swap3A_177, %swap3A_178] {strides = array<i32>} : memref<64x64xf32, #tpu.memory_space<vmem>>, vector<1x16xf32>,
        %swap3A_180 = vector.shape_cast %swap3A_179 : vector<1x16xf32> to vector<16xf32>
        %swap3A_181 = vector.shape_cast %mul3A_176 : vector<16xf32> to vector<1x16xf32>
        tpu.vector_store %arg28[%swap3A_177, %swap3A_178], %swap3A_181 {strides = array<i32>} : memref<64x64xf32, #tpu.memory_space<vmem>>, vector<1x16xf32>,
        %get3A_182 = arith.index_cast %add3A_161 : i32 to index
        %get3A_183 = arith.constant 32 : index
        %get3A_184 = tpu.vector_load %arg28[%get3A_182, %get3A_183] {strides = array<i32>} : memref<64x64xf32, #tpu.memory_space<vmem>>, vector<1x16xf32>,
        %get3A_185 = vector.shape_cast %get3A_184 : vector<1x16xf32> to vector<16xf32>
        %mul3A_186 = arith.mulf %get3A_185, %broadcast_in_dim3A_157 : vector<16xf32>
        %swap3A_187 = arith.index_cast %add3A_161 : i32 to index
        %swap3A_188 = arith.constant 32 : index
        %swap3A_189 = tpu.vector_load %arg28[%swap3A_187, %swap3A_188] {strides = array<i32>} : memref<64x64xf32, #tpu.memory_space<vmem>>, vector<1x16xf32>,
        %swap3A_190 = vector.shape_cast %swap3A_189 : vector<1x16xf32> to vector<16xf32>
        %swap3A_191 = vector.shape_cast %mul3A_186 : vector<16xf32> to vector<1x16xf32>
        tpu.vector_store %arg28[%swap3A_187, %swap3A_188], %swap3A_191 {strides = array<i32>} : memref<64x64xf32, #tpu.memory_space<vmem>>, vector<1x16xf32>,
        %get3A_192 = arith.index_cast %add3A_161 : i32 to index
        %get3A_193 = arith.constant 48 : index
        %get3A_194 = tpu.vector_load %arg28[%get3A_192, %get3A_193] {strides = array<i32>} : memref<64x64xf32, #tpu.memory_space<vmem>>, vector<1x16xf32>,
        %get3A_195 = vector.shape_cast %get3A_194 : vector<1x16xf32> to vector<16xf32>
        %mul3A_196 = arith.mulf %get3A_195, %broadcast_in_dim3A_157 : vector<16xf32>
        %swap3A_197 = arith.index_cast %add3A_161 : i32 to index
        %swap3A_198 = arith.constant 48 : index
        %swap3A_199 = tpu.vector_load %arg28[%swap3A_197, %swap3A_198] {strides = array<i32>} : memref<64x64xf32, #tpu.memory_space<vmem>>, vector<1x16xf32>,
        %swap3A_200 = vector.shape_cast %swap3A_199 : vector<1x16xf32> to vector<16xf32>
        %swap3A_201 = vector.shape_cast %mul3A_196 : vector<16xf32> to vector<1x16xf32>
        tpu.vector_store %arg28[%swap3A_197, %swap3A_198], %swap3A_201 {strides = array<i32>} : memref<64x64xf32, #tpu.memory_space<vmem>>, vector<1x16xf32>,
        %slice3A_202 = vector.extract_strided_slice %get3A_63 {offsets = [3], sizes = [1], strides = [1]} : vector<16xf32> to vector<1xf32>
        %squeeze3A_203 = vector.extract %slice3A_202[0] : f32 from vector<1xf32>
        %broadcast_in_dim3A_204 = vector.broadcast %squeeze3A_203 : f32 to vector<16xf32>
        %mul3A_205 = arith.constant 16 : i32
        %mul3A_206 = arith.muli %scan3A_59, %mul3A_205 : i32
        %add3A_207 = arith.constant 3 : i32
        %add3A_208 = arith.addi %mul3A_206, %add3A_207 : i32
        %get3A_209 = arith.index_cast %add3A_208 : i32 to index
        %get3A_210 = arith.constant 0 : index
        %get3A_211 = tpu.vector_load %arg28[%get3A_209, %get3A_210] {strides = array<i32>} : memref<64x64xf32, #tpu.memory_space<vmem>>, vector<1x16xf32>,
        %get3A_212 = vector.shape_cast %get3A_211 : vector<1x16xf32> to vector<16xf32>
        %mul3A_213 = arith.mulf %get3A_212, %broadcast_in_dim3A_204 : vector<16xf32>
        %swap3A_214 = arith.index_cast %add3A_208 : i32 to index
        %swap3A_215 = arith.constant 0 : index
        %swap3A_216 = tpu.vector_load %arg28[%swap3A_214, %swap3A_215] {strides = array<i32>} : memref<64x64xf32, #tpu.memory_space<vmem>>, vector<1x16xf32>,
        %swap3A_217 = vector.shape_cast %swap3A_216 : vector<1x16xf32> to vector<16xf32>
        %swap3A_218 = vector.shape_cast %mul3A_213 : vector<16xf32> to vector<1x16xf32>
        tpu.vector_store %arg28[%swap3A_214, %swap3A_215], %swap3A_218 {strides = array<i32>} : memref<64x64xf32, #tpu.memory_space<vmem>>, vector<1x16xf32>,
        %get3A_219 = arith.index_cast %add3A_208 : i32 to index
        %get3A_220 = arith.constant 16 : index
        %get3A_221 = tpu.vector_load %arg28[%get3A_219, %get3A_220] {strides = array<i32>} : memref<64x64xf32, #tpu.memory_space<vmem>>, vector<1x16xf32>,
        %get3A_222 = vector.shape_cast %get3A_221 : vector<1x16xf32> to vector<16xf32>
        %mul3A_223 = arith.mulf %get3A_222, %broadcast_in_dim3A_204 : vector<16xf32>
        %swap3A_224 = arith.index_cast %add3A_208 : i32 to index
        %swap3A_225 = arith.constant 16 : index
        %swap3A_226 = tpu.vector_load %arg28[%swap3A_224, %swap3A_225] {strides = array<i32>} : memref<64x64xf32, #tpu.memory_space<vmem>>, vector<1x16xf32>,
        %swap3A_227 = vector.shape_cast %swap3A_226 : vector<1x16xf32> to vector<16xf32>
        %swap3A_228 = vector.shape_cast %mul3A_223 : vector<16xf32> to vector<1x16xf32>
        tpu.vector_store %arg28[%swap3A_224, %swap3A_225], %swap3A_228 {strides = array<i32>} : memref<64x64xf32, #tpu.memory_space<vmem>>, vector<1x16xf32>,
        %get3A_229 = arith.index_cast %add3A_208 : i32 to index
        %get3A_230 = arith.constant 32 : index
        %get3A_231 = tpu.vector_load %arg28[%get3A_229, %get3A_230] {strides = array<i32>} : memref<64x64xf32, #tpu.memory_space<vmem>>, vector<1x16xf32>,
        %get3A_232 = vector.shape_cast %get3A_231 : vector<1x16xf32> to vector<16xf32>
        %mul3A_233 = arith.mulf %get3A_232, %broadcast_in_dim3A_204 : vector<16xf32>
        %swap3A_234 = arith.index_cast %add3A_208 : i32 to index
        %swap3A_235 = arith.constant 32 : index
        %swap3A_236 = tpu.vector_load %arg28[%swap3A_234, %swap3A_235] {strides = array<i32>} : memref<64x64xf32, #tpu.memory_space<vmem>>, vector<1x16xf32>,
        %swap3A_237 = vector.shape_cast %swap3A_236 : vector<1x16xf32> to vector<16xf32>
        %swap3A_238 = vector.shape_cast %mul3A_233 : vector<16xf32> to vector<1x16xf32>
        tpu.vector_store %arg28[%swap3A_234, %swap3A_235], %swap3A_238 {strides = array<i32>} : memref<64x64xf32, #tpu.memory_space<vmem>>, vector<1x16xf32>,
        %get3A_239 = arith.index_cast %add3A_208 : i32 to index
        %get3A_240 = arith.constant 48 : index
        %get3A_241 = tpu.vector_load %arg28[%get3A_239, %get3A_240] {strides = array<i32>} : memref<64x64xf32, #tpu.memory_space<vmem>>, vector<1x16xf32>,
        %get3A_242 = vector.shape_cast %get3A_241 : vector<1x16xf32> to vector<16xf32>
        %mul3A_243 = arith.mulf %get3A_242, %broadcast_in_dim3A_204 : vector<16xf32>
        %swap3A_244 = arith.index_cast %add3A_208 : i32 to index
        %swap3A_245 = arith.constant 48 : index
        %swap3A_246 = tpu.vector_load %arg28[%swap3A_244, %swap3A_245] {strides = array<i32>} : memref<64x64xf32, #tpu.memory_space<vmem>>, vector<1x16xf32>,
        %swap3A_247 = vector.shape_cast %swap3A_246 : vector<1x16xf32> to vector<16xf32>
        %swap3A_248 = vector.shape_cast %mul3A_243 : vector<16xf32> to vector<1x16xf32>
        tpu.vector_store %arg28[%swap3A_244, %swap3A_245], %swap3A_248 {strides = array<i32>} : memref<64x64xf32, #tpu.memory_space<vmem>>, vector<1x16xf32>,
        %slice3A_249 = vector.extract_strided_slice %get3A_63 {offsets = [4], sizes = [1], strides = [1]} : vector<16xf32> to vector<1xf32>
        %squeeze3A_250 = vector.extract %slice3A_249[0] : f32 from vector<1xf32>
        %broadcast_in_dim3A_251 = vector.broadcast %squeeze3A_250 : f32 to vector<16xf32>
        %mul3A_252 = arith.constant 16 : i32
        %mul3A_253 = arith.muli %scan3A_59, %mul3A_252 : i32
        %add3A_254 = arith.constant 4 : i32
        %add3A_255 = arith.addi %mul3A_253, %add3A_254 : i32
        %get3A_256 = arith.index_cast %add3A_255 : i32 to index
        %get3A_257 = arith.constant 0 : index
        %get3A_258 = tpu.vector_load %arg28[%get3A_256, %get3A_257] {strides = array<i32>} : memref<64x64xf32, #tpu.memory_space<vmem>>, vector<1x16xf32>,
        %get3A_259 = vector.shape_cast %get3A_258 : vector<1x16xf32> to vector<16xf32>
        %mul3A_260 = arith.mulf %get3A_259, %broadcast_in_dim3A_251 : vector<16xf32>
        %swap3A_261 = arith.index_cast %add3A_255 : i32 to index
        %swap3A_262 = arith.constant 0 : index
        %swap3A_263 = tpu.vector_load %arg28[%swap3A_261, %swap3A_262] {strides = array<i32>} : memref<64x64xf32, #tpu.memory_space<vmem>>, vector<1x16xf32>,
        %swap3A_264 = vector.shape_cast %swap3A_263 : vector<1x16xf32> to vector<16xf32>
        %swap3A_265 = vector.shape_cast %mul3A_260 : vector<16xf32> to vector<1x16xf32>
        tpu.vector_store %arg28[%swap3A_261, %swap3A_262], %swap3A_265 {strides = array<i32>} : memref<64x64xf32, #tpu.memory_space<vmem>>, vector<1x16xf32>,
        %get3A_266 = arith.index_cast %add3A_255 : i32 to index
        %get3A_267 = arith.constant 16 : index
        %get3A_268 = tpu.vector_load %arg28[%get3A_266, %get3A_267] {strides = array<i32>} : memref<64x64xf32, #tpu.memory_space<vmem>>, vector<1x16xf32>,
        %get3A_269 = vector.shape_cast %get3A_268 : vector<1x16xf32> to vector<16xf32>
        %mul3A_270 = arith.mulf %get3A_269, %broadcast_in_dim3A_251 : vector<16xf32>
        %swap3A_271 = arith.index_cast %add3A_255 : i32 to index
        %swap3A_272 = arith.constant 16 : index
        %swap3A_273 = tpu.vector_load %arg28[%swap3A_271, %swap3A_272] {strides = array<i32>} : memref<64x64xf32, #tpu.memory_space<vmem>>, vector<1x16xf32>,
        %swap3A_274 = vector.shape_cast %swap3A_273 : vector<1x16xf32> to vector<16xf32>
        %swap3A_275 = vector.shape_cast %mul3A_270 : vector<16xf32> to vector<1x16xf32>
        tpu.vector_store %arg28[%swap3A_271, %swap3A_272], %swap3A_275 {strides = array<i32>} : memref<64x64xf32, #tpu.memory_space<vmem>>, vector<1x16xf32>,
        %get3A_276 = arith.index_cast %add3A_255 : i32 to index
        %get3A_277 = arith.constant 32 : index
        %get3A_278 = tpu.vector_load %arg28[%get3A_276, %get3A_277] {strides = array<i32>} : memref<64x64xf32, #tpu.memory_space<vmem>>, vector<1x16xf32>,
        %get3A_279 = vector.shape_cast %get3A_278 : vector<1x16xf32> to vector<16xf32>
        %mul3A_280 = arith.mulf %get3A_279, %broadcast_in_dim3A_251 : vector<16xf32>
        %swap3A_281 = arith.index_cast %add3A_255 : i32 to index
        %swap3A_282 = arith.constant 32 : index
        %swap3A_283 = tpu.vector_load %arg28[%swap3A_281, %swap3A_282] {strides = array<i32>} : memref<64x64xf32, #tpu.memory_space<vmem>>, vector<1x16xf32>,
        %swap3A_284 = vector.shape_cast %swap3A_283 : vector<1x16xf32> to vector<16xf32>
        %swap3A_285 = vector.shape_cast %mul3A_280 : vector<16xf32> to vector<1x16xf32>
        tpu.vector_store %arg28[%swap3A_281, %swap3A_282], %swap3A_285 {strides = array<i32>} : memref<64x64xf32, #tpu.memory_space<vmem>>, vector<1x16xf32>,
        %get3A_286 = arith.index_cast %add3A_255 : i32 to index
        %get3A_287 = arith.constant 48 : index
        %get3A_288 = tpu.vector_load %arg28[%get3A_286, %get3A_287] {strides = array<i32>} : memref<64x64xf32, #tpu.memory_space<vmem>>, vector<1x16xf32>,
        %get3A_289 = vector.shape_cast %get3A_288 : vector<1x16xf32> to vector<16xf32>
        %mul3A_290 = arith.mulf %get3A_289, %broadcast_in_dim3A_251 : vector<16xf32>
        %swap3A_291 = arith.index_cast %add3A_255 : i32 to index
        %swap3A_292 = arith.constant 48 : index
        %swap3A_293 = tpu.vector_load %arg28[%swap3A_291, %swap3A_292] {strides = array<i32>} : memref<64x64xf32, #tpu.memory_space<vmem>>, vector<1x16xf32>,
        %swap3A_294 = vector.shape_cast %swap3A_293 : vector<1x16xf32> to vector<16xf32>
        %swap3A_295 = vector.shape_cast %mul3A_290 : vector<16xf32> to vector<1x16xf32>
        tpu.vector_store %arg28[%swap3A_291, %swap3A_292], %swap3A_295 {strides = array<i32>} : memref<64x64xf32, #tpu.memory_space<vmem>>, vector<1x16xf32>,
        %slice3A_296 = vector.extract_strided_slice %get3A_63 {offsets = [5], sizes = [1], strides = [1]} : vector<16xf32> to vector<1xf32>
        %squeeze3A_297 = vector.extract %slice3A_296[0] : f32 from vector<1xf32>
        %broadcast_in_dim3A_298 = vector.broadcast %squeeze3A_297 : f32 to vector<16xf32>
        %mul3A_299 = arith.constant 16 : i32
        %mul3A_300 = arith.muli %scan3A_59, %mul3A_299 : i32
        %add3A_301 = arith.constant 5 : i32
        %add3A_302 = arith.addi %mul3A_300, %add3A_301 : i32
        %get3A_303 = arith.index_cast %add3A_302 : i32 to index
        %get3A_304 = arith.constant 0 : index
        %get3A_305 = tpu.vector_load %arg28[%get3A_303, %get3A_304] {strides = array<i32>} : memref<64x64xf32, #tpu.memory_space<vmem>>, vector<1x16xf32>,
        %get3A_306 = vector.shape_cast %get3A_305 : vector<1x16xf32> to vector<16xf32>
        %mul3A_307 = arith.mulf %get3A_306, %broadcast_in_dim3A_298 : vector<16xf32>
        %swap3A_308 = arith.index_cast %add3A_302 : i32 to index
        %swap3A_309 = arith.constant 0 : index
        %swap3A_310 = tpu.vector_load %arg28[%swap3A_308, %swap3A_309] {strides = array<i32>} : memref<64x64xf32, #tpu.memory_space<vmem>>, vector<1x16xf32>,
        %swap3A_311 = vector.shape_cast %swap3A_310 : vector<1x16xf32> to vector<16xf32>
        %swap3A_312 = vector.shape_cast %mul3A_307 : vector<16xf32> to vector<1x16xf32>
        tpu.vector_store %arg28[%swap3A_308, %swap3A_309], %swap3A_312 {strides = array<i32>} : memref<64x64xf32, #tpu.memory_space<vmem>>, vector<1x16xf32>,
        %get3A_313 = arith.index_cast %add3A_302 : i32 to index
        %get3A_314 = arith.constant 16 : index
        %get3A_315 = tpu.vector_load %arg28[%get3A_313, %get3A_314] {strides = array<i32>} : memref<64x64xf32, #tpu.memory_space<vmem>>, vector<1x16xf32>,
        %get3A_316 = vector.shape_cast %get3A_315 : vector<1x16xf32> to vector<16xf32>
        %mul3A_317 = arith.mulf %get3A_316, %broadcast_in_dim3A_298 : vector<16xf32>
        %swap3A_318 = arith.index_cast %add3A_302 : i32 to index
        %swap3A_319 = arith.constant 16 : index
        %swap3A_320 = tpu.vector_load %arg28[%swap3A_318, %swap3A_319] {strides = array<i32>} : memref<64x64xf32, #tpu.memory_space<vmem>>, vector<1x16xf32>,
        %swap3A_321 = vector.shape_cast %swap3A_320 : vector<1x16xf32> to vector<16xf32>
        %swap3A_322 = vector.shape_cast %mul3A_317 : vector<16xf32> to vector<1x16xf32>
        tpu.vector_store %arg28[%swap3A_318, %swap3A_319], %swap3A_322 {strides = array<i32>} : memref<64x64xf32, #tpu.memory_space<vmem>>, vector<1x16xf32>,
        %get3A_323 = arith.index_cast %add3A_302 : i32 to index
        %get3A_324 = arith.constant 32 : index
        %get3A_325 = tpu.vector_load %arg28[%get3A_323, %get3A_324] {strides = array<i32>} : memref<64x64xf32, #tpu.memory_space<vmem>>, vector<1x16xf32>,
        %get3A_326 = vector.shape_cast %get3A_325 : vector<1x16xf32> to vector<16xf32>
        %mul3A_327 = arith.mulf %get3A_326, %broadcast_in_dim3A_298 : vector<16xf32>
        %swap3A_328 = arith.index_cast %add3A_302 : i32 to index
        %swap3A_329 = arith.constant 32 : index
        %swap3A_330 = tpu.vector_load %arg28[%swap3A_328, %swap3A_329] {strides = array<i32>} : memref<64x64xf32, #tpu.memory_space<vmem>>, vector<1x16xf32>,
        %swap3A_331 = vector.shape_cast %swap3A_330 : vector<1x16xf32> to vector<16xf32>
        %swap3A_332 = vector.shape_cast %mul3A_327 : vector<16xf32> to vector<1x16xf32>
        tpu.vector_store %arg28[%swap3A_328, %swap3A_329], %swap3A_332 {strides = array<i32>} : memref<64x64xf32, #tpu.memory_space<vmem>>, vector<1x16xf32>,
        %get3A_333 = arith.index_cast %add3A_302 : i32 to index
        %get3A_334 = arith.constant 48 : index
        %get3A_335 = tpu.vector_load %arg28[%get3A_333, %get3A_334] {strides = array<i32>} : memref<64x64xf32, #tpu.memory_space<vmem>>, vector<1x16xf32>,
        %get3A_336 = vector.shape_cast %get3A_335 : vector<1x16xf32> to vector<16xf32>
        %mul3A_337 = arith.mulf %get3A_336, %broadcast_in_dim3A_298 : vector<16xf32>
        %swap3A_338 = arith.index_cast %add3A_302 : i32 to index
        %swap3A_339 = arith.constant 48 : index
        %swap3A_340 = tpu.vector_load %arg28[%swap3A_338, %swap3A_339] {strides = array<i32>} : memref<64x64xf32, #tpu.memory_space<vmem>>, vector<1x16xf32>,
        %swap3A_341 = vector.shape_cast %swap3A_340 : vector<1x16xf32> to vector<16xf32>
        %swap3A_342 = vector.shape_cast %mul3A_337 : vector<16xf32> to vector<1x16xf32>
        tpu.vector_store %arg28[%swap3A_338, %swap3A_339], %swap3A_342 {strides = array<i32>} : memref<64x64xf32, #tpu.memory_space<vmem>>, vector<1x16xf32>,
        %slice3A_343 = vector.extract_strided_slice %get3A_63 {offsets = [6], sizes = [1], strides = [1]} : vector<16xf32> to vector<1xf32>
        %squeeze3A_344 = vector.extract %slice3A_343[0] : f32 from vector<1xf32>
        %broadcast_in_dim3A_345 = vector.broadcast %squeeze3A_344 : f32 to vector<16xf32>
        %mul3A_346 = arith.constant 16 : i32
        %mul3A_347 = arith.muli %scan3A_59, %mul3A_346 : i32
        %add3A_348 = arith.constant 6 : i32
        %add3A_349 = arith.addi %mul3A_347, %add3A_348 : i32
        %get3A_350 = arith.index_cast %add3A_349 : i32 to index
        %get3A_351 = arith.constant 0 : index
        %get3A_352 = tpu.vector_load %arg28[%get3A_350, %get3A_351] {strides = array<i32>} : memref<64x64xf32, #tpu.memory_space<vmem>>, vector<1x16xf32>,
        %get3A_353 = vector.shape_cast %get3A_352 : vector<1x16xf32> to vector<16xf32>
        %mul3A_354 = arith.mulf %get3A_353, %broadcast_in_dim3A_345 : vector<16xf32>
        %swap3A_355 = arith.index_cast %add3A_349 : i32 to index
        %swap3A_356 = arith.constant 0 : index
        %swap3A_357 = tpu.vector_load %arg28[%swap3A_355, %swap3A_356] {strides = array<i32>} : memref<64x64xf32, #tpu.memory_space<vmem>>, vector<1x16xf32>,
        %swap3A_358 = vector.shape_cast %swap3A_357 : vector<1x16xf32> to vector<16xf32>
        %swap3A_359 = vector.shape_cast %mul3A_354 : vector<16xf32> to vector<1x16xf32>
        tpu.vector_store %arg28[%swap3A_355, %swap3A_356], %swap3A_359 {strides = array<i32>} : memref<64x64xf32, #tpu.memory_space<vmem>>, vector<1x16xf32>,
        %get3A_360 = arith.index_cast %add3A_349 : i32 to index
        %get3A_361 = arith.constant 16 : index
        %get3A_362 = tpu.vector_load %arg28[%get3A_360, %get3A_361] {strides = array<i32>} : memref<64x64xf32, #tpu.memory_space<vmem>>, vector<1x16xf32>,
        %get3A_363 = vector.shape_cast %get3A_362 : vector<1x16xf32> to vector<16xf32>
        %mul3A_364 = arith.mulf %get3A_363, %broadcast_in_dim3A_345 : vector<16xf32>
        %swap3A_365 = arith.index_cast %add3A_349 : i32 to index
        %swap3A_366 = arith.constant 16 : index
        %swap3A_367 = tpu.vector_load %arg28[%swap3A_365, %swap3A_366] {strides = array<i32>} : memref<64x64xf32, #tpu.memory_space<vmem>>, vector<1x16xf32>,
        %swap3A_368 = vector.shape_cast %swap3A_367 : vector<1x16xf32> to vector<16xf32>
        %swap3A_369 = vector.shape_cast %mul3A_364 : vector<16xf32> to vector<1x16xf32>
        tpu.vector_store %arg28[%swap3A_365, %swap3A_366], %swap3A_369 {strides = array<i32>} : memref<64x64xf32, #tpu.memory_space<vmem>>, vector<1x16xf32>,
        %get3A_370 = arith.index_cast %add3A_349 : i32 to index
        %get3A_371 = arith.constant 32 : index
        %get3A_372 = tpu.vector_load %arg28[%get3A_370, %get3A_371] {strides = array<i32>} : memref<64x64xf32, #tpu.memory_space<vmem>>, vector<1x16xf32>,
        %get3A_373 = vector.shape_cast %get3A_372 : vector<1x16xf32> to vector<16xf32>
        %mul3A_374 = arith.mulf %get3A_373, %broadcast_in_dim3A_345 : vector<16xf32>
        %swap3A_375 = arith.index_cast %add3A_349 : i32 to index
        %swap3A_376 = arith.constant 32 : index
        %swap3A_377 = tpu.vector_load %arg28[%swap3A_375, %swap3A_376] {strides = array<i32>} : memref<64x64xf32, #tpu.memory_space<vmem>>, vector<1x16xf32>,
        %swap3A_378 = vector.shape_cast %swap3A_377 : vector<1x16xf32> to vector<16xf32>
        %swap3A_379 = vector.shape_cast %mul3A_374 : vector<16xf32> to vector<1x16xf32>
        tpu.vector_store %arg28[%swap3A_375, %swap3A_376], %swap3A_379 {strides = array<i32>} : memref<64x64xf32, #tpu.memory_space<vmem>>, vector<1x16xf32>,
        %get3A_380 = arith.index_cast %add3A_349 : i32 to index
        %get3A_381 = arith.constant 48 : index
        %get3A_382 = tpu.vector_load %arg28[%get3A_380, %get3A_381] {strides = array<i32>} : memref<64x64xf32, #tpu.memory_space<vmem>>, vector<1x16xf32>,
        %get3A_383 = vector.shape_cast %get3A_382 : vector<1x16xf32> to vector<16xf32>
        %mul3A_384 = arith.mulf %get3A_383, %broadcast_in_dim3A_345 : vector<16xf32>
        %swap3A_385 = arith.index_cast %add3A_349 : i32 to index
        %swap3A_386 = arith.constant 48 : index
        %swap3A_387 = tpu.vector_load %arg28[%swap3A_385, %swap3A_386] {strides = array<i32>} : memref<64x64xf32, #tpu.memory_space<vmem>>, vector<1x16xf32>,
        %swap3A_388 = vector.shape_cast %swap3A_387 : vector<1x16xf32> to vector<16xf32>
        %swap3A_389 = vector.shape_cast %mul3A_384 : vector<16xf32> to vector<1x16xf32>
        tpu.vector_store %arg28[%swap3A_385, %swap3A_386], %swap3A_389 {strides = array<i32>} : memref<64x64xf32, #tpu.memory_space<vmem>>, vector<1x16xf32>,
        %slice3A_390 = vector.extract_strided_slice %get3A_63 {offsets = [7], sizes = [1], strides = [1]} : vector<16xf32> to vector<1xf32>
        %squeeze3A_391 = vector.extract %slice3A_390[0] : f32 from vector<1xf32>
        %broadcast_in_dim3A_392 = vector.broadcast %squeeze3A_391 : f32 to vector<16xf32>
        %mul3A_393 = arith.constant 16 : i32
        %mul3A_394 = arith.muli %scan3A_59, %mul3A_393 : i32
        %add3A_395 = arith.constant 7 : i32
        %add3A_396 = arith.addi %mul3A_394, %add3A_395 : i32
        %get3A_397 = arith.index_cast %add3A_396 : i32 to index
        %get3A_398 = arith.constant 0 : index
        %get3A_399 = tpu.vector_load %arg28[%get3A_397, %get3A_398] {strides = array<i32>} : memref<64x64xf32, #tpu.memory_space<vmem>>, vector<1x16xf32>,
        %get3A_400 = vector.shape_cast %get3A_399 : vector<1x16xf32> to vector<16xf32>
        %mul3A_401 = arith.mulf %get3A_400, %broadcast_in_dim3A_392 : vector<16xf32>
        %swap3A_402 = arith.index_cast %add3A_396 : i32 to index
        %swap3A_403 = arith.constant 0 : index
        %swap3A_404 = tpu.vector_load %arg28[%swap3A_402, %swap3A_403] {strides = array<i32>} : memref<64x64xf32, #tpu.memory_space<vmem>>, vector<1x16xf32>,
        %swap3A_405 = vector.shape_cast %swap3A_404 : vector<1x16xf32> to vector<16xf32>
        %swap3A_406 = vector.shape_cast %mul3A_401 : vector<16xf32> to vector<1x16xf32>
        tpu.vector_store %arg28[%swap3A_402, %swap3A_403], %swap3A_406 {strides = array<i32>} : memref<64x64xf32, #tpu.memory_space<vmem>>, vector<1x16xf32>,
        %get3A_407 = arith.index_cast %add3A_396 : i32 to index
        %get3A_408 = arith.constant 16 : index
        %get3A_409 = tpu.vector_load %arg28[%get3A_407, %get3A_408] {strides = array<i32>} : memref<64x64xf32, #tpu.memory_space<vmem>>, vector<1x16xf32>,
        %get3A_410 = vector.shape_cast %get3A_409 : vector<1x16xf32> to vector<16xf32>
        %mul3A_411 = arith.mulf %get3A_410, %broadcast_in_dim3A_392 : vector<16xf32>
        %swap3A_412 = arith.index_cast %add3A_396 : i32 to index
        %swap3A_413 = arith.constant 16 : index
        %swap3A_414 = tpu.vector_load %arg28[%swap3A_412, %swap3A_413] {strides = array<i32>} : memref<64x64xf32, #tpu.memory_space<vmem>>, vector<1x16xf32>,
        %swap3A_415 = vector.shape_cast %swap3A_414 : vector<1x16xf32> to vector<16xf32>
        %swap3A_416 = vector.shape_cast %mul3A_411 : vector<16xf32> to vector<1x16xf32>
        tpu.vector_store %arg28[%swap3A_412, %swap3A_413], %swap3A_416 {strides = array<i32>} : memref<64x64xf32, #tpu.memory_space<vmem>>, vector<1x16xf32>,
        %get3A_417 = arith.index_cast %add3A_396 : i32 to index
        %get3A_418 = arith.constant 32 : index
        %get3A_419 = tpu.vector_load %arg28[%get3A_417, %get3A_418] {strides = array<i32>} : memref<64x64xf32, #tpu.memory_space<vmem>>, vector<1x16xf32>,
        %get3A_420 = vector.shape_cast %get3A_419 : vector<1x16xf32> to vector<16xf32>
        %mul3A_421 = arith.mulf %get3A_420, %broadcast_in_dim3A_392 : vector<16xf32>
        %swap3A_422 = arith.index_cast %add3A_396 : i32 to index
        %swap3A_423 = arith.constant 32 : index
        %swap3A_424 = tpu.vector_load %arg28[%swap3A_422, %swap3A_423] {strides = array<i32>} : memref<64x64xf32, #tpu.memory_space<vmem>>, vector<1x16xf32>,
        %swap3A_425 = vector.shape_cast %swap3A_424 : vector<1x16xf32> to vector<16xf32>
        %swap3A_426 = vector.shape_cast %mul3A_421 : vector<16xf32> to vector<1x16xf32>
        tpu.vector_store %arg28[%swap3A_422, %swap3A_423], %swap3A_426 {strides = array<i32>} : memref<64x64xf32, #tpu.memory_space<vmem>>, vector<1x16xf32>,
        %get3A_427 = arith.index_cast %add3A_396 : i32 to index
        %get3A_428 = arith.constant 48 : index
        %get3A_429 = tpu.vector_load %arg28[%get3A_427, %get3A_428] {strides = array<i32>} : memref<64x64xf32, #tpu.memory_space<vmem>>, vector<1x16xf32>,
        %get3A_430 = vector.shape_cast %get3A_429 : vector<1x16xf32> to vector<16xf32>
        %mul3A_431 = arith.mulf %get3A_430, %broadcast_in_dim3A_392 : vector<16xf32>
        %swap3A_432 = arith.index_cast %add3A_396 : i32 to index
        %swap3A_433 = arith.constant 48 : index
        %swap3A_434 = tpu.vector_load %arg28[%swap3A_432, %swap3A_433] {strides = array<i32>} : memref<64x64xf32, #tpu.memory_space<vmem>>, vector<1x16xf32>,
        %swap3A_435 = vector.shape_cast %swap3A_434 : vector<1x16xf32> to vector<16xf32>
        %swap3A_436 = vector.shape_cast %mul3A_431 : vector<16xf32> to vector<1x16xf32>
        tpu.vector_store %arg28[%swap3A_432, %swap3A_433], %swap3A_436 {strides = array<i32>} : memref<64x64xf32, #tpu.memory_space<vmem>>, vector<1x16xf32>,
        %slice3A_437 = vector.extract_strided_slice %get3A_63 {offsets = [8], sizes = [1], strides = [1]} : vector<16xf32> to vector<1xf32>
        %squeeze3A_438 = vector.extract %slice3A_437[0] : f32 from vector<1xf32>
        %broadcast_in_dim3A_439 = vector.broadcast %squeeze3A_438 : f32 to vector<16xf32>
        %mul3A_440 = arith.constant 16 : i32
        %mul3A_441 = arith.muli %scan3A_59, %mul3A_440 : i32
        %add3A_442 = arith.constant 8 : i32
        %add3A_443 = arith.addi %mul3A_441, %add3A_442 : i32
        %get3A_444 = arith.index_cast %add3A_443 : i32 to index
        %get3A_445 = arith.constant 0 : index
        %get3A_446 = tpu.vector_load %arg28[%get3A_444, %get3A_445] {strides = array<i32>} : memref<64x64xf32, #tpu.memory_space<vmem>>, vector<1x16xf32>,
        %get3A_447 = vector.shape_cast %get3A_446 : vector<1x16xf32> to vector<16xf32>
        %mul3A_448 = arith.mulf %get3A_447, %broadcast_in_dim3A_439 : vector<16xf32>
        %swap3A_449 = arith.index_cast %add3A_443 : i32 to index
        %swap3A_450 = arith.constant 0 : index
        %swap3A_451 = tpu.vector_load %arg28[%swap3A_449, %swap3A_450] {strides = array<i32>} : memref<64x64xf32, #tpu.memory_space<vmem>>, vector<1x16xf32>,
        %swap3A_452 = vector.shape_cast %swap3A_451 : vector<1x16xf32> to vector<16xf32>
        %swap3A_453 = vector.shape_cast %mul3A_448 : vector<16xf32> to vector<1x16xf32>
        tpu.vector_store %arg28[%swap3A_449, %swap3A_450], %swap3A_453 {strides = array<i32>} : memref<64x64xf32, #tpu.memory_space<vmem>>, vector<1x16xf32>,
        %get3A_454 = arith.index_cast %add3A_443 : i32 to index
        %get3A_455 = arith.constant 16 : index
        %get3A_456 = tpu.vector_load %arg28[%get3A_454, %get3A_455] {strides = array<i32>} : memref<64x64xf32, #tpu.memory_space<vmem>>, vector<1x16xf32>,
        %get3A_457 = vector.shape_cast %get3A_456 : vector<1x16xf32> to vector<16xf32>
        %mul3A_458 = arith.mulf %get3A_457, %broadcast_in_dim3A_439 : vector<16xf32>
        %swap3A_459 = arith.index_cast %add3A_443 : i32 to index
        %swap3A_460 = arith.constant 16 : index
        %swap3A_461 = tpu.vector_load %arg28[%swap3A_459, %swap3A_460] {strides = array<i32>} : memref<64x64xf32, #tpu.memory_space<vmem>>, vector<1x16xf32>,
        %swap3A_462 = vector.shape_cast %swap3A_461 : vector<1x16xf32> to vector<16xf32>
        %swap3A_463 = vector.shape_cast %mul3A_458 : vector<16xf32> to vector<1x16xf32>
        tpu.vector_store %arg28[%swap3A_459, %swap3A_460], %swap3A_463 {strides = array<i32>} : memref<64x64xf32, #tpu.memory_space<vmem>>, vector<1x16xf32>,
        %get3A_464 = arith.index_cast %add3A_443 : i32 to index
        %get3A_465 = arith.constant 32 : index
        %get3A_466 = tpu.vector_load %arg28[%get3A_464, %get3A_465] {strides = array<i32>} : memref<64x64xf32, #tpu.memory_space<vmem>>, vector<1x16xf32>,
        %get3A_467 = vector.shape_cast %get3A_466 : vector<1x16xf32> to vector<16xf32>
        %mul3A_468 = arith.mulf %get3A_467, %broadcast_in_dim3A_439 : vector<16xf32>
        %swap3A_469 = arith.index_cast %add3A_443 : i32 to index
        %swap3A_470 = arith.constant 32 : index
        %swap3A_471 = tpu.vector_load %arg28[%swap3A_469, %swap3A_470] {strides = array<i32>} : memref<64x64xf32, #tpu.memory_space<vmem>>, vector<1x16xf32>,
        %swap3A_472 = vector.shape_cast %swap3A_471 : vector<1x16xf32> to vector<16xf32>
        %swap3A_473 = vector.shape_cast %mul3A_468 : vector<16xf32> to vector<1x16xf32>
        tpu.vector_store %arg28[%swap3A_469, %swap3A_470], %swap3A_473 {strides = array<i32>} : memref<64x64xf32, #tpu.memory_space<vmem>>, vector<1x16xf32>,
        %get3A_474 = arith.index_cast %add3A_443 : i32 to index
        %get3A_475 = arith.constant 48 : index
        %get3A_476 = tpu.vector_load %arg28[%get3A_474, %get3A_475] {strides = array<i32>} : memref<64x64xf32, #tpu.memory_space<vmem>>, vector<1x16xf32>,
        %get3A_477 = vector.shape_cast %get3A_476 : vector<1x16xf32> to vector<16xf32>
        %mul3A_478 = arith.mulf %get3A_477, %broadcast_in_dim3A_439 : vector<16xf32>
        %swap3A_479 = arith.index_cast %add3A_443 : i32 to index
        %swap3A_480 = arith.constant 48 : index
        %swap3A_481 = tpu.vector_load %arg28[%swap3A_479, %swap3A_480] {strides = array<i32>} : memref<64x64xf32, #tpu.memory_space<vmem>>, vector<1x16xf32>,
        %swap3A_482 = vector.shape_cast %swap3A_481 : vector<1x16xf32> to vector<16xf32>
        %swap3A_483 = vector.shape_cast %mul3A_478 : vector<16xf32> to vector<1x16xf32>
        tpu.vector_store %arg28[%swap3A_479, %swap3A_480], %swap3A_483 {strides = array<i32>} : memref<64x64xf32, #tpu.memory_space<vmem>>, vector<1x16xf32>,
        %slice3A_484 = vector.extract_strided_slice %get3A_63 {offsets = [9], sizes = [1], strides = [1]} : vector<16xf32> to vector<1xf32>
        %squeeze3A_485 = vector.extract %slice3A_484[0] : f32 from vector<1xf32>
        %broadcast_in_dim3A_486 = vector.broadcast %squeeze3A_485 : f32 to vector<16xf32>
        %mul3A_487 = arith.constant 16 : i32
        %mul3A_488 = arith.muli %scan3A_59, %mul3A_487 : i32
        %add3A_489 = arith.constant 9 : i32
        %add3A_490 = arith.addi %mul3A_488, %add3A_489 : i32
        %get3A_491 = arith.index_cast %add3A_490 : i32 to index
        %get3A_492 = arith.constant 0 : index
        %get3A_493 = tpu.vector_load %arg28[%get3A_491, %get3A_492] {strides = array<i32>} : memref<64x64xf32, #tpu.memory_space<vmem>>, vector<1x16xf32>,
        %get3A_494 = vector.shape_cast %get3A_493 : vector<1x16xf32> to vector<16xf32>
        %mul3A_495 = arith.mulf %get3A_494, %broadcast_in_dim3A_486 : vector<16xf32>
        %swap3A_496 = arith.index_cast %add3A_490 : i32 to index
        %swap3A_497 = arith.constant 0 : index
        %swap3A_498 = tpu.vector_load %arg28[%swap3A_496, %swap3A_497] {strides = array<i32>} : memref<64x64xf32, #tpu.memory_space<vmem>>, vector<1x16xf32>,
        %swap3A_499 = vector.shape_cast %swap3A_498 : vector<1x16xf32> to vector<16xf32>
        %swap3A_500 = vector.shape_cast %mul3A_495 : vector<16xf32> to vector<1x16xf32>
        tpu.vector_store %arg28[%swap3A_496, %swap3A_497], %swap3A_500 {strides = array<i32>} : memref<64x64xf32, #tpu.memory_space<vmem>>, vector<1x16xf32>,
        %get3A_501 = arith.index_cast %add3A_490 : i32 to index
        %get3A_502 = arith.constant 16 : index
        %get3A_503 = tpu.vector_load %arg28[%get3A_501, %get3A_502] {strides = array<i32>} : memref<64x64xf32, #tpu.memory_space<vmem>>, vector<1x16xf32>,
        %get3A_504 = vector.shape_cast %get3A_503 : vector<1x16xf32> to vector<16xf32>
        %mul3A_505 = arith.mulf %get3A_504, %broadcast_in_dim3A_486 : vector<16xf32>
        %swap3A_506 = arith.index_cast %add3A_490 : i32 to index
        %swap3A_507 = arith.constant 16 : index
        %swap3A_508 = tpu.vector_load %arg28[%swap3A_506, %swap3A_507] {strides = array<i32>} : memref<64x64xf32, #tpu.memory_space<vmem>>, vector<1x16xf32>,
        %swap3A_509 = vector.shape_cast %swap3A_508 : vector<1x16xf32> to vector<16xf32>
        %swap3A_510 = vector.shape_cast %mul3A_505 : vector<16xf32> to vector<1x16xf32>
        tpu.vector_store %arg28[%swap3A_506, %swap3A_507], %swap3A_510 {strides = array<i32>} : memref<64x64xf32, #tpu.memory_space<vmem>>, vector<1x16xf32>,
        %get3A_511 = arith.index_cast %add3A_490 : i32 to index
        %get3A_512 = arith.constant 32 : index
        %get3A_513 = tpu.vector_load %arg28[%get3A_511, %get3A_512] {strides = array<i32>} : memref<64x64xf32, #tpu.memory_space<vmem>>, vector<1x16xf32>,
        %get3A_514 = vector.shape_cast %get3A_513 : vector<1x16xf32> to vector<16xf32>
        %mul3A_515 = arith.mulf %get3A_514, %broadcast_in_dim3A_486 : vector<16xf32>
        %swap3A_516 = arith.index_cast %add3A_490 : i32 to index
        %swap3A_517 = arith.constant 32 : index
        %swap3A_518 = tpu.vector_load %arg28[%swap3A_516, %swap3A_517] {strides = array<i32>} : memref<64x64xf32, #tpu.memory_space<vmem>>, vector<1x16xf32>,
        %swap3A_519 = vector.shape_cast %swap3A_518 : vector<1x16xf32> to vector<16xf32>
        %swap3A_520 = vector.shape_cast %mul3A_515 : vector<16xf32> to vector<1x16xf32>
        tpu.vector_store %arg28[%swap3A_516, %swap3A_517], %swap3A_520 {strides = array<i32>} : memref<64x64xf32, #tpu.memory_space<vmem>>, vector<1x16xf32>,
        %get3A_521 = arith.index_cast %add3A_490 : i32 to index
        %get3A_522 = arith.constant 48 : index
        %get3A_523 = tpu.vector_load %arg28[%get3A_521, %get3A_522] {strides = array<i32>} : memref<64x64xf32, #tpu.memory_space<vmem>>, vector<1x16xf32>,
        %get3A_524 = vector.shape_cast %get3A_523 : vector<1x16xf32> to vector<16xf32>
        %mul3A_525 = arith.mulf %get3A_524, %broadcast_in_dim3A_486 : vector<16xf32>
        %swap3A_526 = arith.index_cast %add3A_490 : i32 to index
        %swap3A_527 = arith.constant 48 : index
        %swap3A_528 = tpu.vector_load %arg28[%swap3A_526, %swap3A_527] {strides = array<i32>} : memref<64x64xf32, #tpu.memory_space<vmem>>, vector<1x16xf32>,
        %swap3A_529 = vector.shape_cast %swap3A_528 : vector<1x16xf32> to vector<16xf32>
        %swap3A_530 = vector.shape_cast %mul3A_525 : vector<16xf32> to vector<1x16xf32>
        tpu.vector_store %arg28[%swap3A_526, %swap3A_527], %swap3A_530 {strides = array<i32>} : memref<64x64xf32, #tpu.memory_space<vmem>>, vector<1x16xf32>,
        %slice3A_531 = vector.extract_strided_slice %get3A_63 {offsets = [10], sizes = [1], strides = [1]} : vector<16xf32> to vector<1xf32>
        %squeeze3A_532 = vector.extract %slice3A_531[0] : f32 from vector<1xf32>
        %broadcast_in_dim3A_533 = vector.broadcast %squeeze3A_532 : f32 to vector<16xf32>
        %mul3A_534 = arith.constant 16 : i32
        %mul3A_535 = arith.muli %scan3A_59, %mul3A_534 : i32
        %add3A_536 = arith.constant 10 : i32
        %add3A_537 = arith.addi %mul3A_535, %add3A_536 : i32
        %get3A_538 = arith.index_cast %add3A_537 : i32 to index
        %get3A_539 = arith.constant 0 : index
        %get3A_540 = tpu.vector_load %arg28[%get3A_538, %get3A_539] {strides = array<i32>} : memref<64x64xf32, #tpu.memory_space<vmem>>, vector<1x16xf32>,
        %get3A_541 = vector.shape_cast %get3A_540 : vector<1x16xf32> to vector<16xf32>
        %mul3A_542 = arith.mulf %get3A_541, %broadcast_in_dim3A_533 : vector<16xf32>
        %swap3A_543 = arith.index_cast %add3A_537 : i32 to index
        %swap3A_544 = arith.constant 0 : index
        %swap3A_545 = tpu.vector_load %arg28[%swap3A_543, %swap3A_544] {strides = array<i32>} : memref<64x64xf32, #tpu.memory_space<vmem>>, vector<1x16xf32>,
        %swap3A_546 = vector.shape_cast %swap3A_545 : vector<1x16xf32> to vector<16xf32>
        %swap3A_547 = vector.shape_cast %mul3A_542 : vector<16xf32> to vector<1x16xf32>
        tpu.vector_store %arg28[%swap3A_543, %swap3A_544], %swap3A_547 {strides = array<i32>} : memref<64x64xf32, #tpu.memory_space<vmem>>, vector<1x16xf32>,
        %get3A_548 = arith.index_cast %add3A_537 : i32 to index
        %get3A_549 = arith.constant 16 : index
        %get3A_550 = tpu.vector_load %arg28[%get3A_548, %get3A_549] {strides = array<i32>} : memref<64x64xf32, #tpu.memory_space<vmem>>, vector<1x16xf32>,
        %get3A_551 = vector.shape_cast %get3A_550 : vector<1x16xf32> to vector<16xf32>
        %mul3A_552 = arith.mulf %get3A_551, %broadcast_in_dim3A_533 : vector<16xf32>
        %swap3A_553 = arith.index_cast %add3A_537 : i32 to index
        %swap3A_554 = arith.constant 16 : index
        %swap3A_555 = tpu.vector_load %arg28[%swap3A_553, %swap3A_554] {strides = array<i32>} : memref<64x64xf32, #tpu.memory_space<vmem>>, vector<1x16xf32>,
        %swap3A_556 = vector.shape_cast %swap3A_555 : vector<1x16xf32> to vector<16xf32>
        %swap3A_557 = vector.shape_cast %mul3A_552 : vector<16xf32> to vector<1x16xf32>
        tpu.vector_store %arg28[%swap3A_553, %swap3A_554], %swap3A_557 {strides = array<i32>} : memref<64x64xf32, #tpu.memory_space<vmem>>, vector<1x16xf32>,
        %get3A_558 = arith.index_cast %add3A_537 : i32 to index
        %get3A_559 = arith.constant 32 : index
        %get3A_560 = tpu.vector_load %arg28[%get3A_558, %get3A_559] {strides = array<i32>} : memref<64x64xf32, #tpu.memory_space<vmem>>, vector<1x16xf32>,
        %get3A_561 = vector.shape_cast %get3A_560 : vector<1x16xf32> to vector<16xf32>
        %mul3A_562 = arith.mulf %get3A_561, %broadcast_in_dim3A_533 : vector<16xf32>
        %swap3A_563 = arith.index_cast %add3A_537 : i32 to index
        %swap3A_564 = arith.constant 32 : index
        %swap3A_565 = tpu.vector_load %arg28[%swap3A_563, %swap3A_564] {strides = array<i32>} : memref<64x64xf32, #tpu.memory_space<vmem>>, vector<1x16xf32>,
        %swap3A_566 = vector.shape_cast %swap3A_565 : vector<1x16xf32> to vector<16xf32>
        %swap3A_567 = vector.shape_cast %mul3A_562 : vector<16xf32> to vector<1x16xf32>
        tpu.vector_store %arg28[%swap3A_563, %swap3A_564], %swap3A_567 {strides = array<i32>} : memref<64x64xf32, #tpu.memory_space<vmem>>, vector<1x16xf32>,
        %get3A_568 = arith.index_cast %add3A_537 : i32 to index
        %get3A_569 = arith.constant 48 : index
        %get3A_570 = tpu.vector_load %arg28[%get3A_568, %get3A_569] {strides = array<i32>} : memref<64x64xf32, #tpu.memory_space<vmem>>, vector<1x16xf32>,
        %get3A_571 = vector.shape_cast %get3A_570 : vector<1x16xf32> to vector<16xf32>
        %mul3A_572 = arith.mulf %get3A_571, %broadcast_in_dim3A_533 : vector<16xf32>
        %swap3A_573 = arith.index_cast %add3A_537 : i32 to index
        %swap3A_574 = arith.constant 48 : index
        %swap3A_575 = tpu.vector_load %arg28[%swap3A_573, %swap3A_574] {strides = array<i32>} : memref<64x64xf32, #tpu.memory_space<vmem>>, vector<1x16xf32>,
        %swap3A_576 = vector.shape_cast %swap3A_575 : vector<1x16xf32> to vector<16xf32>
        %swap3A_577 = vector.shape_cast %mul3A_572 : vector<16xf32> to vector<1x16xf32>
        tpu.vector_store %arg28[%swap3A_573, %swap3A_574], %swap3A_577 {strides = array<i32>} : memref<64x64xf32, #tpu.memory_space<vmem>>, vector<1x16xf32>,
        %slice3A_578 = vector.extract_strided_slice %get3A_63 {offsets = [11], sizes = [1], strides = [1]} : vector<16xf32> to vector<1xf32>
        %squeeze3A_579 = vector.extract %slice3A_578[0] : f32 from vector<1xf32>
        %broadcast_in_dim3A_580 = vector.broadcast %squeeze3A_579 : f32 to vector<16xf32>
        %mul3A_581 = arith.constant 16 : i32
        %mul3A_582 = arith.muli %scan3A_59, %mul3A_581 : i32
        %add3A_583 = arith.constant 11 : i32
        %add3A_584 = arith.addi %mul3A_582, %add3A_583 : i32
        %get3A_585 = arith.index_cast %add3A_584 : i32 to index
        %get3A_586 = arith.constant 0 : index
        %get3A_587 = tpu.vector_load %arg28[%get3A_585, %get3A_586] {strides = array<i32>} : memref<64x64xf32, #tpu.memory_space<vmem>>, vector<1x16xf32>,
        %get3A_588 = vector.shape_cast %get3A_587 : vector<1x16xf32> to vector<16xf32>
        %mul3A_589 = arith.mulf %get3A_588, %broadcast_in_dim3A_580 : vector<16xf32>
        %swap3A_590 = arith.index_cast %add3A_584 : i32 to index
        %swap3A_591 = arith.constant 0 : index
        %swap3A_592 = tpu.vector_load %arg28[%swap3A_590, %swap3A_591] {strides = array<i32>} : memref<64x64xf32, #tpu.memory_space<vmem>>, vector<1x16xf32>,
        %swap3A_593 = vector.shape_cast %swap3A_592 : vector<1x16xf32> to vector<16xf32>
        %swap3A_594 = vector.shape_cast %mul3A_589 : vector<16xf32> to vector<1x16xf32>
        tpu.vector_store %arg28[%swap3A_590, %swap3A_591], %swap3A_594 {strides = array<i32>} : memref<64x64xf32, #tpu.memory_space<vmem>>, vector<1x16xf32>,
        %get3A_595 = arith.index_cast %add3A_584 : i32 to index
        %get3A_596 = arith.constant 16 : index
        %get3A_597 = tpu.vector_load %arg28[%get3A_595, %get3A_596] {strides = array<i32>} : memref<64x64xf32, #tpu.memory_space<vmem>>, vector<1x16xf32>,
        %get3A_598 = vector.shape_cast %get3A_597 : vector<1x16xf32> to vector<16xf32>
        %mul3A_599 = arith.mulf %get3A_598, %broadcast_in_dim3A_580 : vector<16xf32>
        %swap3A_600 = arith.index_cast %add3A_584 : i32 to index
        %swap3A_601 = arith.constant 16 : index
        %swap3A_602 = tpu.vector_load %arg28[%swap3A_600, %swap3A_601] {strides = array<i32>} : memref<64x64xf32, #tpu.memory_space<vmem>>, vector<1x16xf32>,
        %swap3A_603 = vector.shape_cast %swap3A_602 : vector<1x16xf32> to vector<16xf32>
        %swap3A_604 = vector.shape_cast %mul3A_599 : vector<16xf32> to vector<1x16xf32>
        tpu.vector_store %arg28[%swap3A_600, %swap3A_601], %swap3A_604 {strides = array<i32>} : memref<64x64xf32, #tpu.memory_space<vmem>>, vector<1x16xf32>,
        %get3A_605 = arith.index_cast %add3A_584 : i32 to index
        %get3A_606 = arith.constant 32 : index
        %get3A_607 = tpu.vector_load %arg28[%get3A_605, %get3A_606] {strides = array<i32>} : memref<64x64xf32, #tpu.memory_space<vmem>>, vector<1x16xf32>,
        %get3A_608 = vector.shape_cast %get3A_607 : vector<1x16xf32> to vector<16xf32>
        %mul3A_609 = arith.mulf %get3A_608, %broadcast_in_dim3A_580 : vector<16xf32>
        %swap3A_610 = arith.index_cast %add3A_584 : i32 to index
        %swap3A_611 = arith.constant 32 : index
        %swap3A_612 = tpu.vector_load %arg28[%swap3A_610, %swap3A_611] {strides = array<i32>} : memref<64x64xf32, #tpu.memory_space<vmem>>, vector<1x16xf32>,
        %swap3A_613 = vector.shape_cast %swap3A_612 : vector<1x16xf32> to vector<16xf32>
        %swap3A_614 = vector.shape_cast %mul3A_609 : vector<16xf32> to vector<1x16xf32>
        tpu.vector_store %arg28[%swap3A_610, %swap3A_611], %swap3A_614 {strides = array<i32>} : memref<64x64xf32, #tpu.memory_space<vmem>>, vector<1x16xf32>,
        %get3A_615 = arith.index_cast %add3A_584 : i32 to index
        %get3A_616 = arith.constant 48 : index
        %get3A_617 = tpu.vector_load %arg28[%get3A_615, %get3A_616] {strides = array<i32>} : memref<64x64xf32, #tpu.memory_space<vmem>>, vector<1x16xf32>,
        %get3A_618 = vector.shape_cast %get3A_617 : vector<1x16xf32> to vector<16xf32>
        %mul3A_619 = arith.mulf %get3A_618, %broadcast_in_dim3A_580 : vector<16xf32>
        %swap3A_620 = arith.index_cast %add3A_584 : i32 to index
        %swap3A_621 = arith.constant 48 : index
        %swap3A_622 = tpu.vector_load %arg28[%swap3A_620, %swap3A_621] {strides = array<i32>} : memref<64x64xf32, #tpu.memory_space<vmem>>, vector<1x16xf32>,
        %swap3A_623 = vector.shape_cast %swap3A_622 : vector<1x16xf32> to vector<16xf32>
        %swap3A_624 = vector.shape_cast %mul3A_619 : vector<16xf32> to vector<1x16xf32>
        tpu.vector_store %arg28[%swap3A_620, %swap3A_621], %swap3A_624 {strides = array<i32>} : memref<64x64xf32, #tpu.memory_space<vmem>>, vector<1x16xf32>,
        %slice3A_625 = vector.extract_strided_slice %get3A_63 {offsets = [12], sizes = [1], strides = [1]} : vector<16xf32> to vector<1xf32>
        %squeeze3A_626 = vector.extract %slice3A_625[0] : f32 from vector<1xf32>
        %broadcast_in_dim3A_627 = vector.broadcast %squeeze3A_626 : f32 to vector<16xf32>
        %mul3A_628 = arith.constant 16 : i32
        %mul3A_629 = arith.muli %scan3A_59, %mul3A_628 : i32
        %add3A_630 = arith.constant 12 : i32
        %add3A_631 = arith.addi %mul3A_629, %add3A_630 : i32
        %get3A_632 = arith.index_cast %add3A_631 : i32 to index
        %get3A_633 = arith.constant 0 : index
        %get3A_634 = tpu.vector_load %arg28[%get3A_632, %get3A_633] {strides = array<i32>} : memref<64x64xf32, #tpu.memory_space<vmem>>, vector<1x16xf32>,
        %get3A_635 = vector.shape_cast %get3A_634 : vector<1x16xf32> to vector<16xf32>
        %mul3A_636 = arith.mulf %get3A_635, %broadcast_in_dim3A_627 : vector<16xf32>
        %swap3A_637 = arith.index_cast %add3A_631 : i32 to index
        %swap3A_638 = arith.constant 0 : index
        %swap3A_639 = tpu.vector_load %arg28[%swap3A_637, %swap3A_638] {strides = array<i32>} : memref<64x64xf32, #tpu.memory_space<vmem>>, vector<1x16xf32>,
        %swap3A_640 = vector.shape_cast %swap3A_639 : vector<1x16xf32> to vector<16xf32>
        %swap3A_641 = vector.shape_cast %mul3A_636 : vector<16xf32> to vector<1x16xf32>
        tpu.vector_store %arg28[%swap3A_637, %swap3A_638], %swap3A_641 {strides = array<i32>} : memref<64x64xf32, #tpu.memory_space<vmem>>, vector<1x16xf32>,
        %get3A_642 = arith.index_cast %add3A_631 : i32 to index
        %get3A_643 = arith.constant 16 : index
        %get3A_644 = tpu.vector_load %arg28[%get3A_642, %get3A_643] {strides = array<i32>} : memref<64x64xf32, #tpu.memory_space<vmem>>, vector<1x16xf32>,
        %get3A_645 = vector.shape_cast %get3A_644 : vector<1x16xf32> to vector<16xf32>
        %mul3A_646 = arith.mulf %get3A_645, %broadcast_in_dim3A_627 : vector<16xf32>
        %swap3A_647 = arith.index_cast %add3A_631 : i32 to index
        %swap3A_648 = arith.constant 16 : index
        %swap3A_649 = tpu.vector_load %arg28[%swap3A_647, %swap3A_648] {strides = array<i32>} : memref<64x64xf32, #tpu.memory_space<vmem>>, vector<1x16xf32>,
        %swap3A_650 = vector.shape_cast %swap3A_649 : vector<1x16xf32> to vector<16xf32>
        %swap3A_651 = vector.shape_cast %mul3A_646 : vector<16xf32> to vector<1x16xf32>
        tpu.vector_store %arg28[%swap3A_647, %swap3A_648], %swap3A_651 {strides = array<i32>} : memref<64x64xf32, #tpu.memory_space<vmem>>, vector<1x16xf32>,
        %get3A_652 = arith.index_cast %add3A_631 : i32 to index
        %get3A_653 = arith.constant 32 : index
        %get3A_654 = tpu.vector_load %arg28[%get3A_652, %get3A_653] {strides = array<i32>} : memref<64x64xf32, #tpu.memory_space<vmem>>, vector<1x16xf32>,
        %get3A_655 = vector.shape_cast %get3A_654 : vector<1x16xf32> to vector<16xf32>
        %mul3A_656 = arith.mulf %get3A_655, %broadcast_in_dim3A_627 : vector<16xf32>
        %swap3A_657 = arith.index_cast %add3A_631 : i32 to index
        %swap3A_658 = arith.constant 32 : index
        %swap3A_659 = tpu.vector_load %arg28[%swap3A_657, %swap3A_658] {strides = array<i32>} : memref<64x64xf32, #tpu.memory_space<vmem>>, vector<1x16xf32>,
        %swap3A_660 = vector.shape_cast %swap3A_659 : vector<1x16xf32> to vector<16xf32>
        %swap3A_661 = vector.shape_cast %mul3A_656 : vector<16xf32> to vector<1x16xf32>
        tpu.vector_store %arg28[%swap3A_657, %swap3A_658], %swap3A_661 {strides = array<i32>} : memref<64x64xf32, #tpu.memory_space<vmem>>, vector<1x16xf32>,
        %get3A_662 = arith.index_cast %add3A_631 : i32 to index
        %get3A_663 = arith.constant 48 : index
        %get3A_664 = tpu.vector_load %arg28[%get3A_662, %get3A_663] {strides = array<i32>} : memref<64x64xf32, #tpu.memory_space<vmem>>, vector<1x16xf32>,
        %get3A_665 = vector.shape_cast %get3A_664 : vector<1x16xf32> to vector<16xf32>
        %mul3A_666 = arith.mulf %get3A_665, %broadcast_in_dim3A_627 : vector<16xf32>
        %swap3A_667 = arith.index_cast %add3A_631 : i32 to index
        %swap3A_668 = arith.constant 48 : index
        %swap3A_669 = tpu.vector_load %arg28[%swap3A_667, %swap3A_668] {strides = array<i32>} : memref<64x64xf32, #tpu.memory_space<vmem>>, vector<1x16xf32>,
        %swap3A_670 = vector.shape_cast %swap3A_669 : vector<1x16xf32> to vector<16xf32>
        %swap3A_671 = vector.shape_cast %mul3A_666 : vector<16xf32> to vector<1x16xf32>
        tpu.vector_store %arg28[%swap3A_667, %swap3A_668], %swap3A_671 {strides = array<i32>} : memref<64x64xf32, #tpu.memory_space<vmem>>, vector<1x16xf32>,
        %slice3A_672 = vector.extract_strided_slice %get3A_63 {offsets = [13], sizes = [1], strides = [1]} : vector<16xf32> to vector<1xf32>
        %squeeze3A_673 = vector.extract %slice3A_672[0] : f32 from vector<1xf32>
        %broadcast_in_dim3A_674 = vector.broadcast %squeeze3A_673 : f32 to vector<16xf32>
        %mul3A_675 = arith.constant 16 : i32
        %mul3A_676 = arith.muli %scan3A_59, %mul3A_675 : i32
        %add3A_677 = arith.constant 13 : i32
        %add3A_678 = arith.addi %mul3A_676, %add3A_677 : i32
        %get3A_679 = arith.index_cast %add3A_678 : i32 to index
        %get3A_680 = arith.constant 0 : index
        %get3A_681 = tpu.vector_load %arg28[%get3A_679, %get3A_680] {strides = array<i32>} : memref<64x64xf32, #tpu.memory_space<vmem>>, vector<1x16xf32>,
        %get3A_682 = vector.shape_cast %get3A_681 : vector<1x16xf32> to vector<16xf32>
        %mul3A_683 = arith.mulf %get3A_682, %broadcast_in_dim3A_674 : vector<16xf32>
        %swap3A_684 = arith.index_cast %add3A_678 : i32 to index
        %swap3A_685 = arith.constant 0 : index
        %swap3A_686 = tpu.vector_load %arg28[%swap3A_684, %swap3A_685] {strides = array<i32>} : memref<64x64xf32, #tpu.memory_space<vmem>>, vector<1x16xf32>,
        %swap3A_687 = vector.shape_cast %swap3A_686 : vector<1x16xf32> to vector<16xf32>
        %swap3A_688 = vector.shape_cast %mul3A_683 : vector<16xf32> to vector<1x16xf32>
        tpu.vector_store %arg28[%swap3A_684, %swap3A_685], %swap3A_688 {strides = array<i32>} : memref<64x64xf32, #tpu.memory_space<vmem>>, vector<1x16xf32>,
        %get3A_689 = arith.index_cast %add3A_678 : i32 to index
        %get3A_690 = arith.constant 16 : index
        %get3A_691 = tpu.vector_load %arg28[%get3A_689, %get3A_690] {strides = array<i32>} : memref<64x64xf32, #tpu.memory_space<vmem>>, vector<1x16xf32>,
        %get3A_692 = vector.shape_cast %get3A_691 : vector<1x16xf32> to vector<16xf32>
        %mul3A_693 = arith.mulf %get3A_692, %broadcast_in_dim3A_674 : vector<16xf32>
        %swap3A_694 = arith.index_cast %add3A_678 : i32 to index
        %swap3A_695 = arith.constant 16 : index
        %swap3A_696 = tpu.vector_load %arg28[%swap3A_694, %swap3A_695] {strides = array<i32>} : memref<64x64xf32, #tpu.memory_space<vmem>>, vector<1x16xf32>,
        %swap3A_697 = vector.shape_cast %swap3A_696 : vector<1x16xf32> to vector<16xf32>
        %swap3A_698 = vector.shape_cast %mul3A_693 : vector<16xf32> to vector<1x16xf32>
        tpu.vector_store %arg28[%swap3A_694, %swap3A_695], %swap3A_698 {strides = array<i32>} : memref<64x64xf32, #tpu.memory_space<vmem>>, vector<1x16xf32>,
        %get3A_699 = arith.index_cast %add3A_678 : i32 to index
        %get3A_700 = arith.constant 32 : index
        %get3A_701 = tpu.vector_load %arg28[%get3A_699, %get3A_700] {strides = array<i32>} : memref<64x64xf32, #tpu.memory_space<vmem>>, vector<1x16xf32>,
        %get3A_702 = vector.shape_cast %get3A_701 : vector<1x16xf32> to vector<16xf32>
        %mul3A_703 = arith.mulf %get3A_702, %broadcast_in_dim3A_674 : vector<16xf32>
        %swap3A_704 = arith.index_cast %add3A_678 : i32 to index
        %swap3A_705 = arith.constant 32 : index
        %swap3A_706 = tpu.vector_load %arg28[%swap3A_704, %swap3A_705] {strides = array<i32>} : memref<64x64xf32, #tpu.memory_space<vmem>>, vector<1x16xf32>,
        %swap3A_707 = vector.shape_cast %swap3A_706 : vector<1x16xf32> to vector<16xf32>
        %swap3A_708 = vector.shape_cast %mul3A_703 : vector<16xf32> to vector<1x16xf32>
        tpu.vector_store %arg28[%swap3A_704, %swap3A_705], %swap3A_708 {strides = array<i32>} : memref<64x64xf32, #tpu.memory_space<vmem>>, vector<1x16xf32>,
        %get3A_709 = arith.index_cast %add3A_678 : i32 to index
        %get3A_710 = arith.constant 48 : index
        %get3A_711 = tpu.vector_load %arg28[%get3A_709, %get3A_710] {strides = array<i32>} : memref<64x64xf32, #tpu.memory_space<vmem>>, vector<1x16xf32>,
        %get3A_712 = vector.shape_cast %get3A_711 : vector<1x16xf32> to vector<16xf32>
        %mul3A_713 = arith.mulf %get3A_712, %broadcast_in_dim3A_674 : vector<16xf32>
        %swap3A_714 = arith.index_cast %add3A_678 : i32 to index
        %swap3A_715 = arith.constant 48 : index
        %swap3A_716 = tpu.vector_load %arg28[%swap3A_714, %swap3A_715] {strides = array<i32>} : memref<64x64xf32, #tpu.memory_space<vmem>>, vector<1x16xf32>,
        %swap3A_717 = vector.shape_cast %swap3A_716 : vector<1x16xf32> to vector<16xf32>
        %swap3A_718 = vector.shape_cast %mul3A_713 : vector<16xf32> to vector<1x16xf32>
        tpu.vector_store %arg28[%swap3A_714, %swap3A_715], %swap3A_718 {strides = array<i32>} : memref<64x64xf32, #tpu.memory_space<vmem>>, vector<1x16xf32>,
        %slice3A_719 = vector.extract_strided_slice %get3A_63 {offsets = [14], sizes = [1], strides = [1]} : vector<16xf32> to vector<1xf32>
        %squeeze3A_720 = vector.extract %slice3A_719[0] : f32 from vector<1xf32>
        %broadcast_in_dim3A_721 = vector.broadcast %squeeze3A_720 : f32 to vector<16xf32>
        %mul3A_722 = arith.constant 16 : i32
        %mul3A_723 = arith.muli %scan3A_59, %mul3A_722 : i32
        %add3A_724 = arith.constant 14 : i32
        %add3A_725 = arith.addi %mul3A_723, %add3A_724 : i32
        %get3A_726 = arith.index_cast %add3A_725 : i32 to index
        %get3A_727 = arith.constant 0 : index
        %get3A_728 = tpu.vector_load %arg28[%get3A_726, %get3A_727] {strides = array<i32>} : memref<64x64xf32, #tpu.memory_space<vmem>>, vector<1x16xf32>,
        %get3A_729 = vector.shape_cast %get3A_728 : vector<1x16xf32> to vector<16xf32>
        %mul3A_730 = arith.mulf %get3A_729, %broadcast_in_dim3A_721 : vector<16xf32>
        %swap3A_731 = arith.index_cast %add3A_725 : i32 to index
        %swap3A_732 = arith.constant 0 : index
        %swap3A_733 = tpu.vector_load %arg28[%swap3A_731, %swap3A_732] {strides = array<i32>} : memref<64x64xf32, #tpu.memory_space<vmem>>, vector<1x16xf32>,
        %swap3A_734 = vector.shape_cast %swap3A_733 : vector<1x16xf32> to vector<16xf32>
        %swap3A_735 = vector.shape_cast %mul3A_730 : vector<16xf32> to vector<1x16xf32>
        tpu.vector_store %arg28[%swap3A_731, %swap3A_732], %swap3A_735 {strides = array<i32>} : memref<64x64xf32, #tpu.memory_space<vmem>>, vector<1x16xf32>,
        %get3A_736 = arith.index_cast %add3A_725 : i32 to index
        %get3A_737 = arith.constant 16 : index
        %get3A_738 = tpu.vector_load %arg28[%get3A_736, %get3A_737] {strides = array<i32>} : memref<64x64xf32, #tpu.memory_space<vmem>>, vector<1x16xf32>,
        %get3A_739 = vector.shape_cast %get3A_738 : vector<1x16xf32> to vector<16xf32>
        %mul3A_740 = arith.mulf %get3A_739, %broadcast_in_dim3A_721 : vector<16xf32>
        %swap3A_741 = arith.index_cast %add3A_725 : i32 to index
        %swap3A_742 = arith.constant 16 : index
        %swap3A_743 = tpu.vector_load %arg28[%swap3A_741, %swap3A_742] {strides = array<i32>} : memref<64x64xf32, #tpu.memory_space<vmem>>, vector<1x16xf32>,
        %swap3A_744 = vector.shape_cast %swap3A_743 : vector<1x16xf32> to vector<16xf32>
        %swap3A_745 = vector.shape_cast %mul3A_740 : vector<16xf32> to vector<1x16xf32>
        tpu.vector_store %arg28[%swap3A_741, %swap3A_742], %swap3A_745 {strides = array<i32>} : memref<64x64xf32, #tpu.memory_space<vmem>>, vector<1x16xf32>,
        %get3A_746 = arith.index_cast %add3A_725 : i32 to index
        %get3A_747 = arith.constant 32 : index
        %get3A_748 = tpu.vector_load %arg28[%get3A_746, %get3A_747] {strides = array<i32>} : memref<64x64xf32, #tpu.memory_space<vmem>>, vector<1x16xf32>,
        %get3A_749 = vector.shape_cast %get3A_748 : vector<1x16xf32> to vector<16xf32>
        %mul3A_750 = arith.mulf %get3A_749, %broadcast_in_dim3A_721 : vector<16xf32>
        %swap3A_751 = arith.index_cast %add3A_725 : i32 to index
        %swap3A_752 = arith.constant 32 : index
        %swap3A_753 = tpu.vector_load %arg28[%swap3A_751, %swap3A_752] {strides = array<i32>} : memref<64x64xf32, #tpu.memory_space<vmem>>, vector<1x16xf32>,
        %swap3A_754 = vector.shape_cast %swap3A_753 : vector<1x16xf32> to vector<16xf32>
        %swap3A_755 = vector.shape_cast %mul3A_750 : vector<16xf32> to vector<1x16xf32>
        tpu.vector_store %arg28[%swap3A_751, %swap3A_752], %swap3A_755 {strides = array<i32>} : memref<64x64xf32, #tpu.memory_space<vmem>>, vector<1x16xf32>,
        %get3A_756 = arith.index_cast %add3A_725 : i32 to index
        %get3A_757 = arith.constant 48 : index
        %get3A_758 = tpu.vector_load %arg28[%get3A_756, %get3A_757] {strides = array<i32>} : memref<64x64xf32, #tpu.memory_space<vmem>>, vector<1x16xf32>,
        %get3A_759 = vector.shape_cast %get3A_758 : vector<1x16xf32> to vector<16xf32>
        %mul3A_760 = arith.mulf %get3A_759, %broadcast_in_dim3A_721 : vector<16xf32>
        %swap3A_761 = arith.index_cast %add3A_725 : i32 to index
        %swap3A_762 = arith.constant 48 : index
        %swap3A_763 = tpu.vector_load %arg28[%swap3A_761, %swap3A_762] {strides = array<i32>} : memref<64x64xf32, #tpu.memory_space<vmem>>, vector<1x16xf32>,
        %swap3A_764 = vector.shape_cast %swap3A_763 : vector<1x16xf32> to vector<16xf32>
        %swap3A_765 = vector.shape_cast %mul3A_760 : vector<16xf32> to vector<1x16xf32>
        tpu.vector_store %arg28[%swap3A_761, %swap3A_762], %swap3A_765 {strides = array<i32>} : memref<64x64xf32, #tpu.memory_space<vmem>>, vector<1x16xf32>,
        %slice3A_766 = vector.extract_strided_slice %get3A_63 {offsets = [15], sizes = [1], strides = [1]} : vector<16xf32> to vector<1xf32>
        %squeeze3A_767 = vector.extract %slice3A_766[0] : f32 from vector<1xf32>
        %broadcast_in_dim3A_768 = vector.broadcast %squeeze3A_767 : f32 to vector<16xf32>
        %mul3A_769 = arith.constant 16 : i32
        %mul3A_770 = arith.muli %scan3A_59, %mul3A_769 : i32
        %add3A_771 = arith.constant 15 : i32
        %add3A_772 = arith.addi %mul3A_770, %add3A_771 : i32
        %get3A_773 = arith.index_cast %add3A_772 : i32 to index
        %get3A_774 = arith.constant 0 : index
        %get3A_775 = tpu.vector_load %arg28[%get3A_773, %get3A_774] {strides = array<i32>} : memref<64x64xf32, #tpu.memory_space<vmem>>, vector<1x16xf32>,
        %get3A_776 = vector.shape_cast %get3A_775 : vector<1x16xf32> to vector<16xf32>
        %mul3A_777 = arith.mulf %get3A_776, %broadcast_in_dim3A_768 : vector<16xf32>
        %swap3A_778 = arith.index_cast %add3A_772 : i32 to index
        %swap3A_779 = arith.constant 0 : index
        %swap3A_780 = tpu.vector_load %arg28[%swap3A_778, %swap3A_779] {strides = array<i32>} : memref<64x64xf32, #tpu.memory_space<vmem>>, vector<1x16xf32>,
        %swap3A_781 = vector.shape_cast %swap3A_780 : vector<1x16xf32> to vector<16xf32>
        %swap3A_782 = vector.shape_cast %mul3A_777 : vector<16xf32> to vector<1x16xf32>
        tpu.vector_store %arg28[%swap3A_778, %swap3A_779], %swap3A_782 {strides = array<i32>} : memref<64x64xf32, #tpu.memory_space<vmem>>, vector<1x16xf32>,
        %get3A_783 = arith.index_cast %add3A_772 : i32 to index
        %get3A_784 = arith.constant 16 : index
        %get3A_785 = tpu.vector_load %arg28[%get3A_783, %get3A_784] {strides = array<i32>} : memref<64x64xf32, #tpu.memory_space<vmem>>, vector<1x16xf32>,
        %get3A_786 = vector.shape_cast %get3A_785 : vector<1x16xf32> to vector<16xf32>
        %mul3A_787 = arith.mulf %get3A_786, %broadcast_in_dim3A_768 : vector<16xf32>
        %swap3A_788 = arith.index_cast %add3A_772 : i32 to index
        %swap3A_789 = arith.constant 16 : index
        %swap3A_790 = tpu.vector_load %arg28[%swap3A_788, %swap3A_789] {strides = array<i32>} : memref<64x64xf32, #tpu.memory_space<vmem>>, vector<1x16xf32>,
        %swap3A_791 = vector.shape_cast %swap3A_790 : vector<1x16xf32> to vector<16xf32>
        %swap3A_792 = vector.shape_cast %mul3A_787 : vector<16xf32> to vector<1x16xf32>
        tpu.vector_store %arg28[%swap3A_788, %swap3A_789], %swap3A_792 {strides = array<i32>} : memref<64x64xf32, #tpu.memory_space<vmem>>, vector<1x16xf32>,
        %get3A_793 = arith.index_cast %add3A_772 : i32 to index
        %get3A_794 = arith.constant 32 : index
        %get3A_795 = tpu.vector_load %arg28[%get3A_793, %get3A_794] {strides = array<i32>} : memref<64x64xf32, #tpu.memory_space<vmem>>, vector<1x16xf32>,
        %get3A_796 = vector.shape_cast %get3A_795 : vector<1x16xf32> to vector<16xf32>
        %mul3A_797 = arith.mulf %get3A_796, %broadcast_in_dim3A_768 : vector<16xf32>
        %swap3A_798 = arith.index_cast %add3A_772 : i32 to index
        %swap3A_799 = arith.constant 32 : index
        %swap3A_800 = tpu.vector_load %arg28[%swap3A_798, %swap3A_799] {strides = array<i32>} : memref<64x64xf32, #tpu.memory_space<vmem>>, vector<1x16xf32>,
        %swap3A_801 = vector.shape_cast %swap3A_800 : vector<1x16xf32> to vector<16xf32>
        %swap3A_802 = vector.shape_cast %mul3A_797 : vector<16xf32> to vector<1x16xf32>
        tpu.vector_store %arg28[%swap3A_798, %swap3A_799], %swap3A_802 {strides = array<i32>} : memref<64x64xf32, #tpu.memory_space<vmem>>, vector<1x16xf32>,
        %get3A_803 = arith.index_cast %add3A_772 : i32 to index
        %get3A_804 = arith.constant 48 : index
        %get3A_805 = tpu.vector_load %arg28[%get3A_803, %get3A_804] {strides = array<i32>} : memref<64x64xf32, #tpu.memory_space<vmem>>, vector<1x16xf32>,
        %get3A_806 = vector.shape_cast %get3A_805 : vector<1x16xf32> to vector<16xf32>
        %mul3A_807 = arith.mulf %get3A_806, %broadcast_in_dim3A_768 : vector<16xf32>
        %swap3A_808 = arith.index_cast %add3A_772 : i32 to index
        %swap3A_809 = arith.constant 48 : index
        %swap3A_810 = tpu.vector_load %arg28[%swap3A_808, %swap3A_809] {strides = array<i32>} : memref<64x64xf32, #tpu.memory_space<vmem>>, vector<1x16xf32>,
        %swap3A_811 = vector.shape_cast %swap3A_810 : vector<1x16xf32> to vector<16xf32>
        %swap3A_812 = vector.shape_cast %mul3A_807 : vector<16xf32> to vector<1x16xf32>
        tpu.vector_store %arg28[%swap3A_808, %swap3A_809], %swap3A_812 {strides = array<i32>} : memref<64x64xf32, #tpu.memory_space<vmem>>, vector<1x16xf32>,
      }
      %scan3A_58 = arith.constant 4 : i32
      "tpu.region"() ({
        %run_scoped3A = tpu.sem_alloc : memref<!tpu.dma_semaphore, #tpu.memory_space<semaphore_mem>>
        %dma_start3A_59 = arith.constant 0 : i32
        %dma_start3A_60 = arith.constant 0 : i32
        %dma_start3A_61 = tpu.memref_slice %arg30[%dma_start3A_59, %dma_start3A_60] : memref<4096x64xf32, #tpu.memory_space<vmem_shared>> -> memref<4096x64xf32, #tpu.memory_space<vmem_shared>>
        tpu.enqueue_indirect_dma source(%arg28 : memref<64x64xf32, #tpu.memory_space<vmem>>) target(%dma_start3A_61 : memref<4096x64xf32, #tpu.memory_space<vmem_shared>>) offsets(%arg25 : memref<64xi32, #tpu.memory_space<vmem>>) semaphore(%run_scoped3A : memref<!tpu.dma_semaphore, #tpu.memory_space<semaphore_mem>>) {add = true}
        %dma_wait3A_62 = arith.constant 0 : i32
        %dma_wait3A_63 = arith.constant 0 : i32
        %dma_wait3A_64 = tpu.memref_slice %arg30[%dma_wait3A_62, %dma_wait3A_63] : memref<4096x64xf32, #tpu.memory_space<vmem_shared>> -> memref<4096x64xf32, #tpu.memory_space<vmem_shared>>
        tpu.wait_indirect_dma semaphore(%run_scoped3A : memref<!tpu.dma_semaphore, #tpu.memory_space<semaphore_mem>>) src(%arg28 : memref<64x64xf32, #tpu.memory_space<vmem>>) dst(%dma_wait3A_64 : memref<4096x64xf32, #tpu.memory_space<vmem_shared>>)
        tpu.yield
      }) : () -> ()
    }
    %scan3A_35 = arith.constant 64 : i32
    %barrier3A_36 = arith.constant 0 : index
    tpu.barrier barrier_id(%barrier3A_36)
    %mul3A_37 = arith.constant 640 : i32
    %mul3A_38 = arith.muli %arg1, %mul3A_37 : i32
    %mul3A_39 = arith.constant 640 : i32
    %mul3A_40 = arith.muli %arg1, %mul3A_39 : i32
    "tpu.region"() ({
      %run_scoped3A = tpu.sem_alloc : memref<!tpu.dma_semaphore, #tpu.memory_space<semaphore_mem>>
      %dma_start3A = arith.constant 0 : i32
      %dma_start3A_45 = tpu.memref_slice %arg13[%arg0, %mul3A_40, %dma_start3A] : memref<2x10240x80xf32, #tpu.memory_space<hbm>> -> memref<1x640x80xf32, #tpu.memory_space<hbm>>
      %dma_start3A_46 = tpu.memref_squeeze %dma_start3A_45 : memref<1x640x80xf32, #tpu.memory_space<hbm>> -> memref<640x80xf32, #tpu.memory_space<hbm>>
      %dma_start3A_47 = arith.constant 0 : i32
      %dma_start3A_48 = tpu.memref_slice %arg29[%mul3A_38, %dma_start3A_47] : memref<10240x80xf32, #tpu.memory_space<vmem_shared>> -> memref<640x80xf32, #tpu.memory_space<vmem_shared>>
      tpu.enqueue_dma source(%dma_start3A_48 : memref<640x80xf32, #tpu.memory_space<vmem_shared>>) target(%dma_start3A_46 : memref<640x80xf32, #tpu.memory_space<hbm>>) target_semaphore(%run_scoped3A : memref<!tpu.dma_semaphore, #tpu.memory_space<semaphore_mem>>)
      %dma_wait3A = arith.constant 0 : i32
      %dma_wait3A_49 = tpu.memref_slice %arg13[%arg0, %mul3A_40, %dma_wait3A] : memref<2x10240x80xf32, #tpu.memory_space<hbm>> -> memref<1x640x80xf32, #tpu.memory_space<hbm>>
      %dma_wait3A_50 = tpu.memref_squeeze %dma_wait3A_49 : memref<1x640x80xf32, #tpu.memory_space<hbm>> -> memref<640x80xf32, #tpu.memory_space<hbm>>
      %dma_wait3A_51 = arith.constant 0 : i32
      %dma_wait3A_52 = tpu.memref_slice %arg29[%mul3A_38, %dma_wait3A_51] : memref<10240x80xf32, #tpu.memory_space<vmem_shared>> -> memref<640x80xf32, #tpu.memory_space<vmem_shared>>
      tpu.wait_dma2 semaphore(%run_scoped3A : memref<!tpu.dma_semaphore, #tpu.memory_space<semaphore_mem>>) src(%dma_wait3A_52 : memref<640x80xf32, #tpu.memory_space<vmem_shared>>) dst(%dma_wait3A_50 : memref<640x80xf32, #tpu.memory_space<hbm>>)
      tpu.yield
    }) : () -> ()
    %mul3A_41 = arith.constant 256 : i32
    %mul3A_42 = arith.muli %arg1, %mul3A_41 : i32
    %mul3A_43 = arith.constant 256 : i32
    %mul3A_44 = arith.muli %arg1, %mul3A_43 : i32
    "tpu.region"() ({
      %run_scoped3A = tpu.sem_alloc : memref<!tpu.dma_semaphore, #tpu.memory_space<semaphore_mem>>
      %dma_start3A = arith.constant 0 : i32
      %dma_start3A_45 = tpu.memref_slice %arg14[%arg0, %mul3A_44, %dma_start3A] : memref<2x4096x64xf32, #tpu.memory_space<hbm>> -> memref<1x256x64xf32, #tpu.memory_space<hbm>>
      %dma_start3A_46 = tpu.memref_squeeze %dma_start3A_45 : memref<1x256x64xf32, #tpu.memory_space<hbm>> -> memref<256x64xf32, #tpu.memory_space<hbm>>
      %dma_start3A_47 = arith.constant 0 : i32
      %dma_start3A_48 = tpu.memref_slice %arg30[%mul3A_42, %dma_start3A_47] : memref<4096x64xf32, #tpu.memory_space<vmem_shared>> -> memref<256x64xf32, #tpu.memory_space<vmem_shared>>
      tpu.enqueue_dma source(%dma_start3A_48 : memref<256x64xf32, #tpu.memory_space<vmem_shared>>) target(%dma_start3A_46 : memref<256x64xf32, #tpu.memory_space<hbm>>) target_semaphore(%run_scoped3A : memref<!tpu.dma_semaphore, #tpu.memory_space<semaphore_mem>>)
      %dma_wait3A = arith.constant 0 : i32
      %dma_wait3A_49 = tpu.memref_slice %arg14[%arg0, %mul3A_44, %dma_wait3A] : memref<2x4096x64xf32, #tpu.memory_space<hbm>> -> memref<1x256x64xf32, #tpu.memory_space<hbm>>
      %dma_wait3A_50 = tpu.memref_squeeze %dma_wait3A_49 : memref<1x256x64xf32, #tpu.memory_space<hbm>> -> memref<256x64xf32, #tpu.memory_space<hbm>>
      %dma_wait3A_51 = arith.constant 0 : i32
      %dma_wait3A_52 = tpu.memref_slice %arg30[%mul3A_42, %dma_wait3A_51] : memref<4096x64xf32, #tpu.memory_space<vmem_shared>> -> memref<256x64xf32, #tpu.memory_space<vmem_shared>>
      tpu.wait_dma2 semaphore(%run_scoped3A : memref<!tpu.dma_semaphore, #tpu.memory_space<semaphore_mem>>) src(%dma_wait3A_52 : memref<256x64xf32, #tpu.memory_space<vmem_shared>>) dst(%dma_wait3A_50 : memref<256x64xf32, #tpu.memory_space<hbm>>)
      tpu.yield
    }) : () -> ()
    return
  }
}

</mosaic_0001>

<sc_bundles>
// kernel: _sc_edge.3.cloned.1.call-start
scs
__scs_entry_jumppad:
0x0: {  	(pc) =	sbr.rel $0x88, $3  }
0x1: {  	(tag) =	ssettag $0x0;
	lr =	simm.s32 $0x1  }
0x2: {  	[smem:$0x3F98] =	sst lr;
	_ =	strace $0xD0000000  }
0x3: {  	_ = 	snop  }
0x4: {  	_ = 	snop  }
0x5: {  	_ = 	snop  }
0x6: {  	_ = 	snop  }
0x7: {  	_ = 	snop  }
__scs_overlays_trampoline_lowered:
0x8: {  	[smem:$0x3FA7] =	sst s0  }
0x9: {  	[smem:$0x3FA8] =	sst s1  }
0xa: {  	[smem:$0x3FA9] =	sst s2  }
0xb: {  	[smem:$0x3FAA] =	sst s3  }
0xc: {  	[smem:$0x3FAB] =	sst s4  }
0xd: {  	[smem:$0x3FAC] =	sst s5  }
0xe: {  	[smem:$0x3FAD] =	sst s6  }
0xf: {  	[smem:$0x3FAE] =	sst s7  }
0x10: {  	[smem:$0x3FAF] =	sst s8  }
0x11: {  	[smem:$0x3FB0] =	sst s9;
	s0 =	simm.s32 @!p0 $0x0  }
0x12: {  	s1 =	sld [smem:$0x3F96];
	s0 =	simm.s32 @p0 $0x1  }
0x13: {  	[smem:$0x3FB1] =	sst s0;
	s0 =	simm.s32 @!p1 $0x0  }
0x14: {  	s2 =	sld [smem:$0x3F95];
	s0 =	simm.s32 @p1 $0x1  }
0x15: {  	[smem:$0x3FB2] =	sst s0;
	s0 =	simm.s32 @!p2 $0x0  }
0x16: {  	s3 =	sld [smem:$0x3FDB];
	s0 =	simm.s32 @p2 $0x1  }
0x17: {  	s4 =	simm.s32 $0x1BF5;
	[smem:$0x3FB4] =	sst s0  }
0x18: {  	s0 =	sld [smem:$0x3F97];
	_ =	swait.ge [sflag:s4], $0x0  }
0x19: {  	s7 =	sld [smem:$0x3F98]  }
0x1a: {  	s8 =	sadd.s32 $0xFFFFE003, lr  }
0x1b: {  	s9 =	sadd.s32 $0xFFFFFEF7, lr;
	s5 =	simm.s32 $0xFFFFFFFF;
	p2 =	slt.u32 s8, $0xFFFFF086  }
0x1c: {  	p1 =	slt.u32 s9, $0xF7A;
	s5 =	simm.s32 @!p2 $0x0  }
0x1d: {  	s5 =	simm.s32 @p1 $0x1;
	p0 =	seq.s32 s7, s2  }
0x1e: {  	s7 =	smul.u32 @!p0 $0xF7A, s2;
	p2 =	seq.s32 @!p0 s5, $0x0  }
0x1f: {  	s9 =	smul.u32 $0xF7A, s1;
	s8 =	simm.s32 @!p0 $0x1BF5;
	p2 =	por !p2, p0  }
0x20: {  	[sflag:s8] =	ssyncset.s32 @!p0 $0xFFFFF086;
	s6 =	sadd.s32 @!p0 s3, s7;
	s7 =	simm.s32 @!p0 $0x108  }
0x21: {  	s3 =	sadd.s32 s3, s9;
	s6 =	sadd.s32 @!p0 $0x88, s6;
	s7 =	simm.s32 @p2 $0x1082  }
0x22: {  	[simem:s7], [sflag:s8] =	dma.local @!p0 [hbm:s6], $0xF7A  }
0x23: {  	s9 =	sor.u32 $0xD0000000, s2;
	s6 =	simm.s32 $0x108;
	_ =	swait.ge @!p0 [sflag:s8], $0x0  }
0x24: {  	s3 =	sadd.s32 $0x88, s3;
	s6 =	simm.s32 @!p1 $0x1082;
	[sflag:s4] =	ssyncset.s32 $0xFFFFF086  }
0x25: {  	[simem:s6], [sflag:s4] =	dma.local [hbm:s3], $0xF7A  }
0x26: {  	[smem:$0x3F98] =	sst s1;
	(tag) =	ssettag s2;
	_ =	strace s9  }
0x27: {  	s1 =	sld [smem:$0x3FA8]  }
0x28: {  	s2 =	sld [smem:$0x3FA9]  }
0x29: {  	s4 =	sld [smem:$0x3FAB]  }
0x2a: {  	p0 =	seq.s32 s5, $0x0;
	s5 =	sld [smem:$0x3FAC]  }
0x2b: {  	s6 =	sld [smem:$0x3FAD]  }
0x2c: {  	s7 =	sld [smem:$0x3FAE]  }
0x2d: {  	s3 =	simm.s32 $0x108;
	s8 =	sld [smem:$0x3FAF]  }
0x2e: {  	s3 =	simm.s32 @!p0 $0x1082;
	s9 =	sld [smem:$0x3FB0]  }
0x2f: {  	lr =	sadd.s32 s0, s3;
	s0 =	sld [smem:$0x3FA7]  }
0x30: {  	s3 =	sld [smem:$0x3FAA]  }
0x31: {  	[smem:$0x3FB3] =	sst s10  }
0x32: {  	s10 =	sld [smem:$0x3FB1];
	_ =	sdelay $0x3  }
0x33: {  	p0 =	seq.s32 s10, $0x1;
	s10 =	sld [smem:$0x3FB3];
	_ =	sdelay $0x3  }
0x34: {  	[smem:$0x3FB3] =	sst s10  }
0x35: {  	s10 =	sld [smem:$0x3FB2];
	_ =	sdelay $0x3  }
0x36: {  	p1 =	seq.s32 s10, $0x1;
	s10 =	sld [smem:$0x3FB3];
	_ =	sdelay $0x3  }
0x37: {  	[smem:$0x3FB3] =	sst s10  }
0x38: {  	s10 =	sld [smem:$0x3FB4]  }
0x39: {  	_ = 	snop;
	(pc) =	sbr.ind lr, $3  }
0x3a: {  	_ = 	snop  }
0x3b: {  	_ = 	snop  }
0x3c: {  	p2 =	seq.s32 s10, $0x1;
	s10 =	sld [smem:$0x3FB3]  }
0x3d: {  	_ =	shalt  }
0x3e: {  	_ =	shalt  }
0x3f: {  	_ =	shalt  }
0x40: {  	_ =	shalt  }
0x41: {  	_ =	shalt  }
0x42: {  	_ =	shalt  }
0x43: {  	_ =	shalt  }
0x44: {  	_ =	shalt  }
0x45: {  	_ =	shalt  }
0x46: {  	_ =	shalt  }
0x47: {  	_ =	shalt  }
0x48: {  	_ =	shalt  }
0x49: {  	_ =	shalt  }
0x4a: {  	_ =	shalt  }
0x4b: {  	_ =	shalt  }
0x4c: {  	_ =	shalt  }
0x4d: {  	_ =	shalt  }
0x4e: {  	_ =	shalt  }
0x4f: {  	_ =	shalt  }
0x50: {  	_ =	shalt  }
0x51: {  	_ =	shalt  }
0x52: {  	_ =	shalt  }
0x53: {  	_ =	shalt  }
0x54: {  	_ =	shalt  }
0x55: {  	_ =	shalt  }
0x56: {  	_ =	shalt  }
0x57: {  	_ =	shalt  }
0x58: {  	_ =	shalt  }
0x59: {  	_ =	shalt  }
0x5a: {  	_ =	shalt  }
0x5b: {  	_ =	shalt  }
0x5c: {  	_ =	shalt  }
0x5d: {  	_ =	shalt  }
0x5e: {  	_ =	shalt  }
0x5f: {  	_ =	shalt  }
0x60: {  	_ =	shalt  }
0x61: {  	_ =	shalt  }
0x62: {  	_ =	shalt  }
0x63: {  	_ =	shalt  }
0x64: {  	_ =	shalt  }
0x65: {  	_ =	shalt  }
0x66: {  	_ =	shalt  }
0x67: {  	_ =	shalt  }
0x68: {  	_ =	shalt  }
0x69: {  	_ =	shalt  }
0x6a: {  	_ =	shalt  }
0x6b: {  	_ =	shalt  }
0x6c: {  	_ =	shalt  }
0x6d: {  	_ =	shalt  }
0x6e: {  	_ =	shalt  }
0x6f: {  	_ =	shalt  }
0x70: {  	_ =	shalt  }
0x71: {  	_ =	shalt  }
0x72: {  	_ =	shalt  }
0x73: {  	_ =	shalt  }
0x74: {  	_ =	shalt  }
0x75: {  	_ =	shalt  }
0x76: {  	_ =	shalt  }
0x77: {  	_ =	shalt  }
0x78: {  	_ =	shalt  }
0x79: {  	_ =	shalt  }
0x7a: {  	_ =	shalt  }
0x7b: {  	_ =	shalt  }
0x7c: {  	_ =	shalt  }
0x7d: {  	_ =	shalt  }
0x7e: {  	_ =	shalt  }
0x7f: {  	_ =	shalt  }
0x80: {  	_ =	shalt  }
0x81: {  	_ =	shalt  }
0x82: {  	_ =	shalt  }
0x83: {  	_ =	shalt  }
0x84: {  	_ =	shalt  }
0x85: {  	_ =	shalt  }
0x86: {  	_ =	shalt  }
0x87: {  	_ =	shalt  }
.Lfunc_end0:
.L_simem_size_0:
called_computation_lowered:
.L_overlay_start_0:
0x88: {  	s2 =	sld [smem:$0x3FD9]  }
0x89: {  	s3 =	sld [smem:$0x3FFE];
	_ =	sdelay $0x1  }
0x8a: {  	s1 =	srdreg.scid  }
0x8b: {  	s0 =	sand.u32 $0x1, s1  }
0x8c: {  	s30 =	sshll.u32 s0, $0xA;
	s2 =	sadd.s32 s3, s2  }
0x8d: {  	s2 =	sadd.s32 s2, s30  }
0x8e: {  	[smem:$0x3FBF] =	sst s2  }
0x8f: {  	_ = 	snop  }
0x90: {  	s2 =	sld [smem:$0x3FC9]  }
0x91: {  	s31 =	sld [smem:$0x3FC8]  }
0x92: {  	s4 =	sld [smem:$0x3FC7]  }
0x93: {  	s5 =	sld [smem:$0x3FC6]  }
0x94: {  	s6 =	sld [smem:$0x3FD0]  }
0x95: {  	s7 =	sld [smem:$0x3FC3]  }
0x96: {  	s8 =	sld [smem:$0x3FC2]  }
0x97: {  	s10 =	simm.s32 $0xA;
	s11 =	simm.s32 $0x10;
	s9 =	sld [smem:$0x3FC1]  }
0x98: {  	[smem:s11], [sflag:s10] =	dma.local [hbm:s6], $0x1  }
0x99: {  	_ =	swait.eq [sflag:s10], $0x1  }
0x9a: {  	[sflag:s10] =	ssyncset.done $0x0  }
0x9b: {  	s16 =	sld [smem:$0x10];
	[sflag:s10] =	ssyncadd.s32 $0xFFFFFFFF  }
0x9c: {  	s17 =	sld [smem:$0x11];
	(tm) =	ssettm $0x1  }
0x9d: {  	s18 =	sld [smem:$0x3FFB];
	_ =	sdelay $0x3  }
0x9e: {  	_ =	strace s18  }
0x9f: {  	s11 =	sld [smem:$0x3FFC];
	_ =	sdelay $0x3  }
0xa0: {  	_ =	strace s11  }
0xa1: {  	s11 =	sld [smem:$0x3FFD];
	_ =	sdelay $0x3  }
0xa2: {  	_ =	strace s11  }
0xa3: {  	_ =	strace $0x8FFFFFFF  }
0xa4: {  	s19 =	sld [smem:$0x3FDB];
	_ =	sdelay $0x1  }
0xa5: {  	s12 =	simm.s32 $_scs_section_size  }
0xa6: {  	s13 =	simm.s32 $_size__tile_overlayer_lowered;
	s14 =	simm.s32 $_tile_overlayer_lowered  }
0xa7: {  	s22 =	simm.s32 $0x1BFF;
	s21 =	sshll.u32 s14, $0x1;
	s11 =	sadd.s32 s12, s19  }
0xa8: {  	s15 =	simm.s32 $0x0;
	s20 =	sshll.u32 s13, $0x1;
	s13 =	sadd.s32 s21, s11  }
0xa9: {  	[timem:s15], [sflag:s22] =	dma.local [hbm:s13], s20  }
0xaa: {  	_ =	swait.ge [sflag:s22], s20  }
0xab: {  	s12 =	ssub.s32 $0x0, s20;
	[sflag:s22] =	ssyncset.done $0x0  }
0xac: {  	[sflag:s22] =	ssyncadd.s32 s12;
	_ =	sdelay $0x1  }
0xad: {  	s23 =	simm.s32 $0x1B8B  }
0xae: {  	_ =	swait.ge [sflag:s23], $0x1  }
0xaf: {  	[sflag:s23] =	ssyncset.done $0x0  }
0xb0: {  	s25 =	simm.s32 $0x1B8E;
	s24 =	sld [smem:$0x3FFE];
	[sflag:s23] =	ssyncadd.s32 $0xFFFFFFFF  }
0xb1: {  	s26 =	simm.s32 $execute0_lowered;
	[smem:$0x3FD2] =	sst s25  }
0xb2: {  	s13 =	sshll.u32 s26, $0x1;
	_ =	strace $0x80000046;
	[dreg:$0x1] =	wrdreg $0xFFFFFFFF  }
0xb3: {  	s28 =	simm.s32 $_size_execute0_lowered;
	s11 =	sadd.s32 s11, s13;
	[dreg:$0x0] =	wrdreg $0x0  }
0xb4: {  	s13 =	sshll.u32 s28, $0x1;
	[dreg:$0x2] =	wrdreg s11  }
0xb5: {  	[dreg:$0x3] =	wrdreg s13  }
0xb6: {  	[dreg:$0x4] =	wrdreg $0xC0  }
0xb7: {  	_ =	task [dreg:s15], $0x5FFFF  }
0xb8: {  	[dreg:$0x1] =	wrdreg $0xFFFFFFFF  }
0xb9: {  	[dreg:$0x0] =	wrdreg $0x60  }
0xba: {  	[dreg:$0x2] =	wrdreg s2  }
0xbb: {  	[dreg:$0x3] =	wrdreg s31  }
0xbc: {  	[dreg:$0x4] =	wrdreg s4  }
0xbd: {  	[dreg:$0x5] =	wrdreg s5  }
0xbe: {  	[dreg:$0x6] =	wrdreg s24  }
0xbf: {  	[dreg:$0x7] =	wrdreg s7  }
0xc0: {  	[dreg:$0x8] =	wrdreg s8  }
0xc1: {  	[dreg:$0x9] =	wrdreg s9  }
0xc2: {  	[dreg:$0xa] =	wrdreg s16  }
0xc3: {  	[dreg:$0xb] =	wrdreg s17  }
0xc4: {  	[dreg:$0xc] =	wrdreg $0x40400  }
0xc5: {  	[dreg:$0xd] =	wrdreg $0x108400  }
0xc6: {  	[dreg:$0xe] =	wrdreg $0x9  }
0xc7: {  	_ =	task.clear_ibuf [dreg:s15], $0xFFFFF;
	_ =	strace $0x90000046  }
0xc8: {  	s29 =	simm.s32 $0x9;
	_ =	strace $0x80000048  }
0xc9: {  	_ =	swait.ge [sflag:s29], $0x1  }
0xca: {  	[sflag:s29] =	ssyncadd.s32 $0xFFFFFFFF  }
0xcb: {  	_ =	strace $0x90000048  }
0xcc: {  	_ =	sfence  }
0xcd: {  	s30 =	sld [smem:$0x0];
	_ =	sdelay $0x2  }
0xce: {  	s31 =	sshll.u32 s1, $0xD;
	s1 =	sshrl.u32 s1, $0x2  }
0xcf: {  	s3 =	sand.u32 $0x4000, s31;
	s1 =	sadd.s32 s1, s30  }
0xd0: {  	s0 =	sor.u32 s3, s0;
	s1 =	sshll.u32 s1, $0x11  }
0xd1: {  	s0 =	sor.u32 s1, s0  }
0xd2: {  	s0 =	sadd.s32 $0x8F2B, s0  }
0xd3: {  	[sflag:s0] =	ssyncadd.remote.s32 $0x1  }
0xd4: {  	_ =	sfence.sel $0xFFFF  }
0xd5: {  	[dreg:$0x0] =	wrdreg $0xFFFFFFFF;
	(pc) =	sbr.abs _section_cstart, $3  }
0xd6: {  	[dreg:$0x1] =	wrdreg $0xFFFFFFFF  }
0xd7: {  	_ =	task.clear_ibuf [dreg:s15], $0x2FFFF;
	_ =	strace $0x9FFFFFFF  }
0xd8: {  	(tm) =	ssettm $0x7FFFFFFF  }
0xd9: {  	_ =	shalt  }
tec
execute0_lowered:
.L_overlay_start_1:
0x0: {  	(tag) =	ssettag $0x1  }
0x1: {  	s3 =	rddreg [dreg:$0x3]  }
0x2: {  	s0 =	rddreg [dreg:$0x4]  }
0x3: {  	s7 =	rddreg [dreg:$0x7]  }
0x4: {  	s1 =	rddreg [dreg:$0x8]  }
0x5: {  	s2 =	rddreg [dreg:$0x9]  }
0x6: {  	s9 =	rddreg [dreg:$0xa]  }
0x7: {  	s10 =	rddreg [dreg:$0xb]  }
0x8: {  	s5 =	simm.s32 $0x0;
	s6 =	stileid.u32;
	s4 =	simm.s32 $0x0  }
0x9: {  	s19 =	srdreg.scid;
	s28 =	simm.s32 $0xF0;
	s29 =	simm.s32 $0x1E0  }
0xa: {  	s30 =	simm.s32 $0x140;
	s31 =	simm.s32 $0x230;
	[dreg:$0xd] =	wrdreg s4  }
0xb: {  	[smem:$0x7FF] =	sst s5;
	s18 =	smul.u32 $0xC800, s6;
	s12 =	sadd.s32 $0x271C00, s0  }
0xc: {  	s13 =	sadd.s32 $0xC00, s0;
	s5 =	sand.u32 $0x1, s19;
	s11 =	sshll.u32 s6, $0xB  }
0xd: {  	s15 =	sshll.u32 s6, $0x1;
	s23 =	sshll.u32 s6, $0x6;
	s24 =	sshll.u32 s6, $0xE  }
0xe: {  	_ =	strace $0x80000047;
	s14 =	ssub.s32 $0x2, s5;
	s21 =	sor.u32 s5, s15  }
0xf: {  	s22 =	smul.u32 $0xC8000, s5;
	s17 =	sor.u32 $0x1C04, s23;
	s6 =	sadd.s32 s24, s10  }
0x10: {  	s25 =	sshll.u32 s5, $0x12;
	s5 =	simm.s32 $0x190;
	s23 =	simm.s32 $0x3000  }
0x11: {  	s15 =	simm.s32 $0x40;
	s8 =	sshrl.u32 s18, $0x3;
	s20 =	sshrl.u32 s14, $0x1  }
0x12: {  	s16 =	sadd.s32 s18, s9;
	[dreg:$0x10] =	wrdreg s6;
	s19 =	sshll.u32 s21, $0x9  }
0x13: {  	s8 =	sadd.s32 s8, s0;
	s0 =	sadd.s32 s11, s0;
	s11 =	ssub.s32 s14, s20  }
0x14: {  	s4 =	sadd.s32 s18, s22;
	s18 =	smul.u32 $0x4E20, s21;
	s14 =	simm.s32 $0x1  }
0x15: {  	s20 =	simm.s32 $0x1680;
	s21 =	simm.s32 $0x2F80;
	s22 =	simm.s32 $0x2FC0  }
0x16: {  	s8 =	sadd.s32 $0x14600, s8;
	s0 =	sadd.s32 $0x2D600, s0;
	s4 =	sshrl.u32 s4, $0x3  }
0x17: {  	s26 =	smax.u32 s11, $0x1;
	s11 =	simm.s32 $0x3040;
	[dreg:$0xe] =	wrdreg s8  }
0x18: {  	[dreg:$0x11] =	wrdreg s0;
	s0 =	sor.u32 s24, s25;
	s1 =	sadd.s32 s1, s4  }
0x19: {  	[dreg:$0x14] =	wrdreg s26;
	s4 =	sshrl.u32 s16, $0x3;
	s24 =	simm.s32 $0x4  }
0x1a: {  	s25 =	simm.s32 $0x50;
	s26 =	simm.s32 $0xA0;
	[dreg:$0x12] =	wrdreg s1  }
0x1b: {  	s1 =	smov.u32 s17;
	s0 =	sshrl.u32 s0, $0x3;
	[dreg:$0x15] =	wrdreg s4  }
0x1c: {  	vm0 =	vcmask $0x300;
	v1 =	vimm.f32 $0.0e+00;
	vm1 =	vcmask $0x704;
	s8 =	simm.s32 $0x280;
	s0 =	sadd.s32 s2, s0;
	[dreg:$0xf] =	wrdreg s1  }
0x1d: {  	v0 =	vsel vm0, $0x3F800000, v1;
	v1 =	vsel vm1, $0x3F800000, v1;
	s16 =	simm.s32 $0x2;
	s17 =	simm.s32 $0x3;
	[dreg:$0x13] =	wrdreg s0  }
.LBB2_1:
0x1e: {  	s0 =	rddreg [dreg:$0xe]  }
0x1f: {  	[spmem:s4], [sflag:s1] =	dma.local [hbm:s0], $0x1900  }
0x20: {  	_ =	swait.ge [sflag:s24], $0x1900  }
0x21: {  	s4 =	rddreg [dreg:$0x10]  }
0x22: {  	[sflag:s24] =	ssyncset.done $0x0;
	s6 =	rddreg [dreg:$0x11];
	s2 =	sshrl.u32 s4, $0x3  }
0x23: {  	[sflag:s24] =	ssyncadd.s32 $0xFFFFE700;
	[dreg:$0x16] =	wrdreg s2  }
0x24: {  	[spmem:s2], [sflag:s1] =	dma.local [hbm:s6], $0x800  }
0x25: {  	_ =	swait.ge [sflag:s24], $0x800  }
0x26: {  	[sflag:s24] =	ssyncset.done $0x0  }
0x27: {  	[sflag:s24] =	ssyncadd.s32 $0xFFFFF800  }
0x28: {  	s0 =	simm.s32 $0x0;
	[bflag:$0x0] =	sbarrier.arrive $0xFFFF  }
.LBB2_2:
0x29: {  	s1 =	smul.u32 $0x50, s0;
	_ =	sdelay $0x1  }
0x2a: {  	s1 =	sadd.s32 s18, s1  }
0x2b: {  	s4 =	rddreg [dreg:$0x0];
	s2 =	sshrl.u32 s1, $0x3  }
0x2c: {  	s1 =	simm.s32 $0x0;
	s4 =	sadd.s32 s4, s2  }
0x2d: {  	[tilespmem:s1], [sflag:$0x4] =	stream.linear.gather [hbm4b:s4+s1], $0x50, $0x38;
	[tilespmem:$0x14840] =	vst v63  }
0x2e: {  	_ =	swait.ge [sflag:s24], $0x50  }
0x2f: {  	[sflag:s24] =	ssyncset.done $0x0  }
0x30: {  	[sflag:s24] =	ssyncadd.s32 $0xFFFFFFB0  }
0x31: {  	s6 =	rddreg [dreg:$0x1]  }
0x32: {  	s4 =	sadd.s32 s6, s2  }
0x33: {  	[tilespmem:s25], [sflag:$0x4] =	stream.linear.gather [hbm4b:s4+s1], $0x50, $0x38;
	[tilespmem:$0x14840] =	vst v63  }
0x34: {  	_ =	swait.ge [sflag:s24], $0x50  }
0x35: {  	[sflag:s24] =	ssyncset.done $0x0  }
0x36: {  	[sflag:s24] =	ssyncadd.s32 $0xFFFFFFB0  }
0x37: {  	s6 =	rddreg [dreg:$0x2]  }
0x38: {  	s2 =	sadd.s32 s6, s2  }
0x39: {  	[tilespmem:s26], [sflag:$0x4] =	stream.linear.gather [hbm4b:s2+s1], $0x50, $0x38;
	[tilespmem:$0x14840] =	vst v63  }
0x3a: {  	_ =	swait.ge [sflag:s24], $0x50  }
0x3b: {  	[sflag:s24] =	ssyncset.done $0x0  }
0x3c: {  	[sflag:s24] =	ssyncadd.s32 $0xFFFFFFB0  }
0x3d: {  	v2 =	vld [tilespmem:$0xA0]  }
0x3e: {  	v3 =	vld [tilespmem:$0x0]  }
0x3f: {  	v4 =	vld [tilespmem:$0x50]  }
0x40: {  	v5 =	vld [tilespmem:$0xB0]  }
0x41: {  	v6 =	vld [tilespmem:$0x10]  }
0x42: {  	v8 =	vld [tilespmem:$0x60]  }
0x43: {  	v9 =	vld [tilespmem:$0xC0];
	v7 =	vmul.u32 $0x2710, v2;
	v3 =	vshll.u32 v3, $0x4  }
0x44: {  	v10 =	vld [tilespmem:$0x20];
	v3 =	vadd.s32 v3, v2  }
0x45: {  	v11 =	vld [tilespmem:$0x70];
	v49 =	vmul.u32 $0x2710, v5;
	v7 =	vadd.s32 v4, v7;
	v4 =	vshll.u32 v4, $0x4;
	[tilespmem:$0xF0] =	vst v3  }
0x46: {  	v3 =	vld [tilespmem:$0xD0];
	[tilespmem:$0x190] =	vst v7;
	v2 =	vadd.s32 v2, v4  }
0x47: {  	v51 =	vld [tilespmem:$0x30];
	v50 =	vshll.u32 v6, $0x4;
	[tilespmem:$0x140] =	vst v2;
	v2 =	vadd.s32 v8, v49  }
0x48: {  	v54 =	vld [tilespmem:$0x80];
	v52 =	vshll.u32 v8, $0x4;
	v53 =	vmul.u32 $0x2710, v9;
	[tilespmem:$0x1A0] =	vst v2;
	v2 =	vadd.s32 v50, v5  }
0x49: {  	v55 =	vld [tilespmem:$0xE0];
	[tilespmem:$0x100] =	vst v2;
	v2 =	vadd.s32 v5, v52  }
0x4a: {  	v57 =	vld [tilespmem:$0x40];
	v56 =	vshll.u32 v10, $0x4;
	[tilespmem:$0x150] =	vst v2;
	v2 =	vadd.s32 v11, v53  }
0x4b: {  	v60 =	vld [tilespmem:$0x90];
	v58 =	vshll.u32 v11, $0x4;
	v59 =	vmul.u32 $0x2710, v3;
	[tilespmem:$0x1B0] =	vst v2;
	v2 =	vadd.s32 v56, v9  }
0x4c: {  	[tilespmem:$0x110] =	vst v2;
	v2 =	vadd.s32 v9, v58  }
0x4d: {  	v61 =	vshll.u32 v51, $0x4;
	[tilespmem:$0x160] =	vst v2;
	v2 =	vadd.s32 v54, v59  }
0x4e: {  	v62 =	vshll.u32 v54, $0x4;
	v63 =	vmul.u32 $0x2710, v55;
	[tilespmem:$0x1C0] =	vst v2;
	v2 =	vadd.s32 v61, v3  }
0x4f: {  	[tilespmem:$0x120] =	vst v2;
	v2 =	vadd.s32 v3, v62  }
0x50: {  	v3 =	vshll.u32 v57, $0x4;
	[tilespmem:$0x170] =	vst v2;
	v2 =	vadd.s32 v60, v63  }
0x51: {  	[tilespmem:$0x1D0] =	vst v2;
	v2 =	vadd.s32 v3, v55;
	v3 =	vshll.u32 v60, $0x4  }
0x52: {  	[tilespmem:$0x130] =	vst v2;
	v2 =	vadd.s32 v55, v3  }
0x53: {  	[tilespmem:$0x180] =	vst v2  }
0x54: {  	[tilespmem:s29], [sflag:$0x1] =	stream.indirect.gather [hbm4b:s3+s25], $0x1, s28, s25, $0xb8;
	[tilespmem:$0x14840] =	vst v63  }
0x55: {  	_ = 	snop  }
0x56: {  	[tilespmem:s31], [sflag:$0x2] =	stream.indirect.gather [hbm4b:s3+s25], $0x1, s30, s25, $0xb8;
	[tilespmem:$0x14840] =	vst v63  }
0x57: {  	_ = 	snop  }
0x58: {  	[tilespmem:s8], [sflag:$0x3] =	stream.indirect.gather [hbm4b:s12+s25], $0x40, s5, s25, $0xb8;
	[tilespmem:$0x14840] =	vst v63  }
0x59: {  	_ =	swait.ge [sflag:s14], $0x50  }
0x5a: {  	[sflag:s14] =	ssyncset.done $0x0  }
0x5b: {  	[sflag:s14] =	ssyncadd.s32 $0xFFFFFFB0  }
0x5c: {  	_ =	swait.ge [sflag:s16], $0x50  }
0x5d: {  	[sflag:s16] =	ssyncset.done $0x0  }
0x5e: {  	[sflag:s16] =	ssyncadd.s32 $0xFFFFFFB0  }
0x5f: {  	_ =	swait.ge [sflag:s17], $0x1400  }
0x60: {  	[sflag:s17] =	ssyncset.done $0x0  }
0x61: {  	s4 =	simm.s32 $0x480;
	s2 =	simm.s32 $0x1900;
	[sflag:s17] =	ssyncadd.s32 $0xFFFFEC00  }
.LBB2_3:
0x62: {  	s6 =	sshra.s32 s1, $0x2  }
0x63: {  	v2 =	vld [tilespmem:s6+$0x1E0]  }
0x64: {  	v3 =	vld [tilespmem:s6+$0x230];
	_ =	sdelay $0x4  }
0x65: {  	v2 =	vmul.f32 v3, v2;
	_ =	sdelay $0x1  }
0x66: {  	v2 =	vmul.f32 $1.442695020e+00, v2;
	_ =	sdelay $0x1  }
0x67: {  	(erf) = vpow2.f32 v2;
	_ =	sdelay $0x8  }
0x68: {  	v2 =	vpop (erf)  }
0x69: {  	v3 =	vbroadcast v2, $0x0;
	_ =	sdelay $0x1  }
0x6a: {  	v4 =	vmul.f32 v0, v3;
	_ =	sdelay $0x1  }
0x6b: {  	v4 =	vadd.f32 v1, v4;
	_ =	sdelay $0x1  }
0x6c: {  	[tilespmem:s2+$0xFFFFFDC0] =	vst v4  }
0x6d: {  	v4 =	vld [tilespmem:s4+$0xFFFFFE00];
	_ =	sdelay $0x4  }
0x6e: {  	v4 =	vmul.f32 v3, v4;
	_ =	sdelay $0x1  }
0x6f: {  	[tilespmem:s2+$0xFFFFFD80] =	vst v4  }
0x70: {  	v4 =	vld [tilespmem:s4+$0xFFFFFE10];
	_ =	sdelay $0x4  }
0x71: {  	v4 =	vmul.f32 v3, v4;
	_ =	sdelay $0x1  }
0x72: {  	[tilespmem:s2+$0xFFFFFD90] =	vst v4  }
0x73: {  	v4 =	vld [tilespmem:s4+$0xFFFFFE20];
	_ =	sdelay $0x4  }
0x74: {  	v4 =	vmul.f32 v4, v3;
	_ =	sdelay $0x1  }
0x75: {  	[tilespmem:s2+$0xFFFFFDA0] =	vst v4  }
0x76: {  	v5 =	vbroadcast v2, $0x1;
	v4 =	vld [tilespmem:s4+$0xFFFFFE30];
	_ =	sdelay $0x1  }
0x77: {  	v6 =	vmul.f32 v0, v5;
	_ =	sdelay $0x1  }
0x78: {  	v22 =	vadd.f32 v1, v6  }
0x79: {  	v3 =	vmul.f32 v4, v3  }
0x7a: {  	[tilespmem:s2+$0xFFFFFE10] =	vst v22  }
0x7b: {  	[tilespmem:s2+$0xFFFFFDB0] =	vst v3  }
0x7c: {  	v3 =	vld [tilespmem:s4+$0xFFFFFE40];
	_ =	sdelay $0x4  }
0x7d: {  	v3 =	vmul.f32 v3, v5;
	_ =	sdelay $0x1  }
0x7e: {  	[tilespmem:s2+$0xFFFFFDD0] =	vst v3  }
0x7f: {  	v3 =	vld [tilespmem:s4+$0xFFFFFE50];
	_ =	sdelay $0x4  }
0x80: {  	v3 =	vmul.f32 v3, v5;
	_ =	sdelay $0x1  }
0x81: {  	[tilespmem:s2+$0xFFFFFDE0] =	vst v3  }
0x82: {  	v3 =	vld [tilespmem:s4+$0xFFFFFE60];
	_ =	sdelay $0x4  }
0x83: {  	v3 =	vmul.f32 v3, v5;
	_ =	sdelay $0x1  }
0x84: {  	[tilespmem:s2+$0xFFFFFDF0] =	vst v3  }
0x85: {  	v23 =	vbroadcast v2, $0x2;
	v3 =	vld [tilespmem:s4+$0xFFFFFE70];
	_ =	sdelay $0x1  }
0x86: {  	v24 =	vmul.f32 v0, v23;
	_ =	sdelay $0x1  }
0x87: {  	v25 =	vadd.f32 v1, v24  }
0x88: {  	v3 =	vmul.f32 v3, v5  }
0x89: {  	[tilespmem:s2+$0xFFFFFE60] =	vst v25  }
0x8a: {  	[tilespmem:s2+$0xFFFFFE00] =	vst v3  }
0x8b: {  	v3 =	vld [tilespmem:s4+$0xFFFFFE80];
	_ =	sdelay $0x4  }
0x8c: {  	v3 =	vmul.f32 v3, v23;
	_ =	sdelay $0x1  }
0x8d: {  	[tilespmem:s2+$0xFFFFFE20] =	vst v3  }
0x8e: {  	v3 =	vld [tilespmem:s4+$0xFFFFFE90];
	_ =	sdelay $0x4  }
0x8f: {  	v3 =	vmul.f32 v3, v23;
	_ =	sdelay $0x1  }
0x90: {  	[tilespmem:s2+$0xFFFFFE30] =	vst v3  }
0x91: {  	v3 =	vld [tilespmem:s4+$0xFFFFFEA0];
	_ =	sdelay $0x4  }
0x92: {  	v3 =	vmul.f32 v3, v23;
	_ =	sdelay $0x1  }
0x93: {  	[tilespmem:s2+$0xFFFFFE40] =	vst v3  }
0x94: {  	v26 =	vbroadcast v2, $0x3;
	v3 =	vld [tilespmem:s4+$0xFFFFFEB0];
	_ =	sdelay $0x1  }
0x95: {  	v27 =	vmul.f32 v0, v26;
	_ =	sdelay $0x1  }
0x96: {  	v28 =	vadd.f32 v1, v27  }
0x97: {  	v3 =	vmul.f32 v3, v23  }
0x98: {  	[tilespmem:s2+$0xFFFFFEB0] =	vst v28  }
0x99: {  	[tilespmem:s2+$0xFFFFFE50] =	vst v3  }
0x9a: {  	v3 =	vld [tilespmem:s4+$0xFFFFFEC0];
	_ =	sdelay $0x4  }
0x9b: {  	v3 =	vmul.f32 v3, v26;
	_ =	sdelay $0x1  }
0x9c: {  	[tilespmem:s2+$0xFFFFFE70] =	vst v3  }
0x9d: {  	v3 =	vld [tilespmem:s4+$0xFFFFFED0];
	_ =	sdelay $0x4  }
0x9e: {  	v3 =	vmul.f32 v3, v26;
	_ =	sdelay $0x1  }
0x9f: {  	[tilespmem:s2+$0xFFFFFE80] =	vst v3  }
0xa0: {  	v3 =	vld [tilespmem:s4+$0xFFFFFEE0];
	_ =	sdelay $0x4  }
0xa1: {  	v3 =	vmul.f32 v3, v26;
	_ =	sdelay $0x1  }
0xa2: {  	[tilespmem:s2+$0xFFFFFE90] =	vst v3  }
0xa3: {  	v29 =	vbroadcast v2, $0x4;
	v3 =	vld [tilespmem:s4+$0xFFFFFEF0];
	_ =	sdelay $0x1  }
0xa4: {  	v30 =	vmul.f32 v0, v29;
	_ =	sdelay $0x1  }
0xa5: {  	v31 =	vadd.f32 v1, v30  }
0xa6: {  	v3 =	vmul.f32 v3, v26  }
0xa7: {  	[tilespmem:s2+$0xFFFFFF00] =	vst v31  }
0xa8: {  	[tilespmem:s2+$0xFFFFFEA0] =	vst v3  }
0xa9: {  	v3 =	vld [tilespmem:s4+$0xFFFFFF00];
	_ =	sdelay $0x4  }
0xaa: {  	v3 =	vmul.f32 v3, v29;
	_ =	sdelay $0x1  }
0xab: {  	[tilespmem:s2+$0xFFFFFEC0] =	vst v3  }
0xac: {  	v3 =	vld [tilespmem:s4+$0xFFFFFF10];
	_ =	sdelay $0x4  }
0xad: {  	v3 =	vmul.f32 v3, v29;
	_ =	sdelay $0x1  }
0xae: {  	[tilespmem:s2+$0xFFFFFED0] =	vst v3  }
0xaf: {  	v3 =	vld [tilespmem:s4+$0xFFFFFF20];
	_ =	sdelay $0x4  }
0xb0: {  	v3 =	vmul.f32 v3, v29;
	_ =	sdelay $0x1  }
0xb1: {  	[tilespmem:s2+$0xFFFFFEE0] =	vst v3  }
0xb2: {  	v32 =	vbroadcast v2, $0x5;
	v3 =	vld [tilespmem:s4+$0xFFFFFF30];
	_ =	sdelay $0x1  }
0xb3: {  	v33 =	vmul.f32 v0, v32;
	_ =	sdelay $0x1  }
0xb4: {  	v34 =	vadd.f32 v1, v33  }
0xb5: {  	v3 =	vmul.f32 v3, v29  }
0xb6: {  	[tilespmem:s2+$0xFFFFFF50] =	vst v34  }
0xb7: {  	[tilespmem:s2+$0xFFFFFEF0] =	vst v3  }
0xb8: {  	v3 =	vld [tilespmem:s4+$0xFFFFFF40];
	_ =	sdelay $0x4  }
0xb9: {  	v3 =	vmul.f32 v3, v32;
	_ =	sdelay $0x1  }
0xba: {  	[tilespmem:s2+$0xFFFFFF10] =	vst v3  }
0xbb: {  	v3 =	vld [tilespmem:s4+$0xFFFFFF50];
	_ =	sdelay $0x4  }
0xbc: {  	v3 =	vmul.f32 v3, v32;
	_ =	sdelay $0x1  }
0xbd: {  	[tilespmem:s2+$0xFFFFFF20] =	vst v3  }
0xbe: {  	v3 =	vld [tilespmem:s4+$0xFFFFFF60];
	_ =	sdelay $0x4  }
0xbf: {  	v3 =	vmul.f32 v3, v32;
	_ =	sdelay $0x1  }
0xc0: {  	[tilespmem:s2+$0xFFFFFF30] =	vst v3  }
0xc1: {  	v35 =	vbroadcast v2, $0x6;
	v3 =	vld [tilespmem:s4+$0xFFFFFF70];
	_ =	sdelay $0x1  }
0xc2: {  	v36 =	vmul.f32 v0, v35;
	_ =	sdelay $0x1  }
0xc3: {  	v37 =	vadd.f32 v1, v36  }
0xc4: {  	v3 =	vmul.f32 v3, v32  }
0xc5: {  	[tilespmem:s2+$0xFFFFFFA0] =	vst v37  }
0xc6: {  	[tilespmem:s2+$0xFFFFFF40] =	vst v3  }
0xc7: {  	v3 =	vld [tilespmem:s4+$0xFFFFFF80];
	_ =	sdelay $0x4  }
0xc8: {  	v3 =	vmul.f32 v3, v35;
	_ =	sdelay $0x1  }
0xc9: {  	[tilespmem:s2+$0xFFFFFF60] =	vst v3  }
0xca: {  	v3 =	vld [tilespmem:s4+$0xFFFFFF90];
	_ =	sdelay $0x4  }
0xcb: {  	v3 =	vmul.f32 v3, v35;
	_ =	sdelay $0x1  }
0xcc: {  	[tilespmem:s2+$0xFFFFFF70] =	vst v3  }
0xcd: {  	v3 =	vld [tilespmem:s4+$0xFFFFFFA0];
	_ =	sdelay $0x4  }
0xce: {  	v3 =	vmul.f32 v3, v35;
	_ =	sdelay $0x1  }
0xcf: {  	[tilespmem:s2+$0xFFFFFF80] =	vst v3  }
0xd0: {  	v38 =	vbroadcast v2, $0x7;
	v3 =	vld [tilespmem:s4+$0xFFFFFFB0];
	_ =	sdelay $0x1  }
0xd1: {  	v39 =	vmul.f32 v0, v38;
	_ =	sdelay $0x1  }
0xd2: {  	v40 =	vadd.f32 v1, v39  }
0xd3: {  	v3 =	vmul.f32 v3, v35  }
0xd4: {  	[tilespmem:s2+$0xFFFFFFF0] =	vst v40  }
0xd5: {  	[tilespmem:s2+$0xFFFFFF90] =	vst v3  }
0xd6: {  	v3 =	vld [tilespmem:s4+$0xFFFFFFC0];
	_ =	sdelay $0x4  }
0xd7: {  	v3 =	vmul.f32 v3, v38;
	_ =	sdelay $0x1  }
0xd8: {  	[tilespmem:s2+$0xFFFFFFB0] =	vst v3  }
0xd9: {  	v3 =	vld [tilespmem:s4+$0xFFFFFFD0];
	_ =	sdelay $0x4  }
0xda: {  	v3 =	vmul.f32 v3, v38;
	_ =	sdelay $0x1  }
0xdb: {  	[tilespmem:s2+$0xFFFFFFC0] =	vst v3  }
0xdc: {  	v3 =	vld [tilespmem:s4+$0xFFFFFFE0];
	_ =	sdelay $0x4  }
0xdd: {  	v3 =	vmul.f32 v3, v38;
	_ =	sdelay $0x1  }
0xde: {  	[tilespmem:s2+$0xFFFFFFD0] =	vst v3  }
0xdf: {  	v41 =	vbroadcast v2, $0x8;
	v3 =	vld [tilespmem:s4+$0xFFFFFFF0];
	_ =	sdelay $0x1  }
0xe0: {  	v42 =	vmul.f32 v0, v41;
	_ =	sdelay $0x1  }
0xe1: {  	v43 =	vadd.f32 v1, v42  }
0xe2: {  	v3 =	vmul.f32 v3, v38  }
0xe3: {  	[tilespmem:s2+$0x40] =	vst v43  }
0xe4: {  	[tilespmem:s2+$0xFFFFFFE0] =	vst v3  }
0xe5: {  	v3 =	vld [tilespmem:s4+$0x0];
	_ =	sdelay $0x4  }
0xe6: {  	v3 =	vmul.f32 v3, v41;
	_ =	sdelay $0x1  }
0xe7: {  	[tilespmem:s2+$0x0] =	vst v3  }
0xe8: {  	v3 =	vld [tilespmem:s4+$0x10];
	_ =	sdelay $0x4  }
0xe9: {  	v3 =	vmul.f32 v3, v41;
	_ =	sdelay $0x1  }
0xea: {  	[tilespmem:s2+$0x10] =	vst v3  }
0xeb: {  	v3 =	vld [tilespmem:s4+$0x20];
	_ =	sdelay $0x4  }
0xec: {  	v3 =	vmul.f32 v3, v41;
	_ =	sdelay $0x1  }
0xed: {  	[tilespmem:s2+$0x20] =	vst v3  }
0xee: {  	v44 =	vbroadcast v2, $0x9;
	v3 =	vld [tilespmem:s4+$0x30];
	_ =	sdelay $0x1  }
0xef: {  	v45 =	vmul.f32 v0, v44;
	_ =	sdelay $0x1  }
0xf0: {  	v46 =	vadd.f32 v1, v45  }
0xf1: {  	v3 =	vmul.f32 v3, v41  }
0xf2: {  	[tilespmem:s2+$0x90] =	vst v46  }
0xf3: {  	[tilespmem:s2+$0x30] =	vst v3  }
0xf4: {  	v3 =	vld [tilespmem:s4+$0x40];
	_ =	sdelay $0x4  }
0xf5: {  	v3 =	vmul.f32 v3, v44;
	_ =	sdelay $0x1  }
0xf6: {  	[tilespmem:s2+$0x50] =	vst v3  }
0xf7: {  	v3 =	vld [tilespmem:s4+$0x50];
	_ =	sdelay $0x4  }
0xf8: {  	v3 =	vmul.f32 v3, v44;
	_ =	sdelay $0x1  }
0xf9: {  	[tilespmem:s2+$0x60] =	vst v3  }
0xfa: {  	v3 =	vld [tilespmem:s4+$0x60];
	_ =	sdelay $0x4  }
0xfb: {  	v3 =	vmul.f32 v3, v44;
	_ =	sdelay $0x1  }
0xfc: {  	[tilespmem:s2+$0x70] =	vst v3  }
0xfd: {  	v47 =	vbroadcast v2, $0xA;
	v3 =	vld [tilespmem:s4+$0x70];
	_ =	sdelay $0x1  }
0xfe: {  	v48 =	vmul.f32 v0, v47;
	_ =	sdelay $0x1  }
0xff: {  	v49 =	vadd.f32 v1, v48  }
0x100: {  	v3 =	vmul.f32 v3, v44  }
0x101: {  	[tilespmem:s2+$0xE0] =	vst v49  }
0x102: {  	[tilespmem:s2+$0x80] =	vst v3  }
0x103: {  	v3 =	vld [tilespmem:s4+$0x80];
	_ =	sdelay $0x4  }
0x104: {  	v3 =	vmul.f32 v3, v47;
	_ =	sdelay $0x1  }
0x105: {  	[tilespmem:s2+$0xA0] =	vst v3  }
0x106: {  	v3 =	vld [tilespmem:s4+$0x90];
	_ =	sdelay $0x4  }
0x107: {  	v3 =	vmul.f32 v3, v47;
	_ =	sdelay $0x1  }
0x108: {  	[tilespmem:s2+$0xB0] =	vst v3  }
0x109: {  	v3 =	vld [tilespmem:s4+$0xA0];
	_ =	sdelay $0x4  }
0x10a: {  	v3 =	vmul.f32 v3, v47;
	_ =	sdelay $0x1  }
0x10b: {  	[tilespmem:s2+$0xC0] =	vst v3  }
0x10c: {  	v50 =	vbroadcast v2, $0xB;
	v3 =	vld [tilespmem:s4+$0xB0];
	_ =	sdelay $0x1  }
0x10d: {  	v51 =	vmul.f32 v0, v50;
	_ =	sdelay $0x1  }
0x10e: {  	v52 =	vadd.f32 v1, v51  }
0x10f: {  	v3 =	vmul.f32 v3, v47  }
0x110: {  	[tilespmem:s2+$0x130] =	vst v52  }
0x111: {  	[tilespmem:s2+$0xD0] =	vst v3  }
0x112: {  	v3 =	vld [tilespmem:s4+$0xC0];
	_ =	sdelay $0x4  }
0x113: {  	v3 =	vmul.f32 v3, v50;
	_ =	sdelay $0x1  }
0x114: {  	[tilespmem:s2+$0xF0] =	vst v3  }
0x115: {  	v3 =	vld [tilespmem:s4+$0xD0];
	_ =	sdelay $0x4  }
0x116: {  	v3 =	vmul.f32 v3, v50;
	_ =	sdelay $0x1  }
0x117: {  	[tilespmem:s2+$0x100] =	vst v3  }
0x118: {  	v3 =	vld [tilespmem:s4+$0xE0];
	_ =	sdelay $0x4  }
0x119: {  	v3 =	vmul.f32 v3, v50;
	_ =	sdelay $0x1  }
0x11a: {  	[tilespmem:s2+$0x110] =	vst v3  }
0x11b: {  	v53 =	vbroadcast v2, $0xC;
	v3 =	vld [tilespmem:s4+$0xF0];
	_ =	sdelay $0x1  }
0x11c: {  	v54 =	vmul.f32 v0, v53;
	_ =	sdelay $0x1  }
0x11d: {  	v55 =	vadd.f32 v1, v54  }
0x11e: {  	v3 =	vmul.f32 v3, v50  }
0x11f: {  	[tilespmem:s2+$0x180] =	vst v55  }
0x120: {  	[tilespmem:s2+$0x120] =	vst v3  }
0x121: {  	v3 =	vld [tilespmem:s4+$0x100];
	_ =	sdelay $0x4  }
0x122: {  	v3 =	vmul.f32 v3, v53;
	_ =	sdelay $0x1  }
0x123: {  	[tilespmem:s2+$0x140] =	vst v3  }
0x124: {  	v3 =	vld [tilespmem:s4+$0x110];
	_ =	sdelay $0x4  }
0x125: {  	v3 =	vmul.f32 v3, v53;
	_ =	sdelay $0x1  }
0x126: {  	[tilespmem:s2+$0x150] =	vst v3  }
0x127: {  	v3 =	vld [tilespmem:s4+$0x120];
	_ =	sdelay $0x4  }
0x128: {  	v3 =	vmul.f32 v3, v53;
	_ =	sdelay $0x1  }
0x129: {  	[tilespmem:s2+$0x160] =	vst v3  }
0x12a: {  	v56 =	vbroadcast v2, $0xD;
	v3 =	vld [tilespmem:s4+$0x130];
	_ =	sdelay $0x1  }
0x12b: {  	v57 =	vmul.f32 v0, v56;
	_ =	sdelay $0x1  }
0x12c: {  	v58 =	vadd.f32 v1, v57  }
0x12d: {  	v3 =	vmul.f32 v3, v53  }
0x12e: {  	[tilespmem:s2+$0x1D0] =	vst v58  }
0x12f: {  	[tilespmem:s2+$0x170] =	vst v3  }
0x130: {  	v3 =	vld [tilespmem:s4+$0x140];
	_ =	sdelay $0x4  }
0x131: {  	v3 =	vmul.f32 v3, v56;
	_ =	sdelay $0x1  }
0x132: {  	[tilespmem:s2+$0x190] =	vst v3  }
0x133: {  	v3 =	vld [tilespmem:s4+$0x150];
	_ =	sdelay $0x4  }
0x134: {  	v3 =	vmul.f32 v3, v56;
	_ =	sdelay $0x1  }
0x135: {  	[tilespmem:s2+$0x1A0] =	vst v3  }
0x136: {  	v3 =	vld [tilespmem:s4+$0x160];
	_ =	sdelay $0x4  }
0x137: {  	v3 =	vmul.f32 v3, v56;
	_ =	sdelay $0x1  }
0x138: {  	[tilespmem:s2+$0x1B0] =	vst v3  }
0x139: {  	v59 =	vbroadcast v2, $0xE;
	v3 =	vld [tilespmem:s4+$0x170];
	_ =	sdelay $0x1  }
0x13a: {  	v60 =	vmul.f32 v0, v59;
	_ =	sdelay $0x1  }
0x13b: {  	v61 =	vadd.f32 v1, v60  }
0x13c: {  	v3 =	vmul.f32 v3, v56  }
0x13d: {  	[tilespmem:s2+$0x220] =	vst v61  }
0x13e: {  	[tilespmem:s2+$0x1C0] =	vst v3  }
0x13f: {  	v3 =	vld [tilespmem:s4+$0x180];
	_ =	sdelay $0x4  }
0x140: {  	v3 =	vmul.f32 v3, v59;
	_ =	sdelay $0x1  }
0x141: {  	[tilespmem:s2+$0x1E0] =	vst v3  }
0x142: {  	v3 =	vld [tilespmem:s4+$0x190];
	_ =	sdelay $0x4  }
0x143: {  	v3 =	vmul.f32 v3, v59;
	_ =	sdelay $0x1  }
0x144: {  	[tilespmem:s2+$0x1F0] =	vst v3  }
0x145: {  	v3 =	vld [tilespmem:s4+$0x1A0];
	_ =	sdelay $0x4  }
0x146: {  	v3 =	vmul.f32 v3, v59;
	_ =	sdelay $0x1  }
0x147: {  	[tilespmem:s2+$0x200] =	vst v3  }
0x148: {  	v2 =	vbroadcast v2, $0xF;
	v3 =	vld [tilespmem:s4+$0x1B0];
	_ =	sdelay $0x1  }
0x149: {  	v62 =	vmul.f32 v0, v2;
	_ =	sdelay $0x1  }
0x14a: {  	v63 =	vadd.f32 v1, v62  }
0x14b: {  	v3 =	vmul.f32 v3, v59  }
0x14c: {  	[tilespmem:s2+$0x270] =	vst v63  }
0x14d: {  	[tilespmem:s2+$0x210] =	vst v3  }
0x14e: {  	v3 =	vld [tilespmem:s4+$0x1C0];
	_ =	sdelay $0x4  }
0x14f: {  	v3 =	vmul.f32 v3, v2;
	_ =	sdelay $0x1  }
0x150: {  	[tilespmem:s2+$0x230] =	vst v3  }
0x151: {  	v3 =	vld [tilespmem:s4+$0x1D0];
	_ =	sdelay $0x4  }
0x152: {  	v3 =	vmul.f32 v3, v2;
	_ =	sdelay $0x1  }
0x153: {  	[tilespmem:s2+$0x240] =	vst v3  }
0x154: {  	v3 =	vld [tilespmem:s4+$0x1E0];
	_ =	sdelay $0x4  }
0x155: {  	v3 =	vmul.f32 v3, v2;
	_ =	sdelay $0x1  }
0x156: {  	[tilespmem:s2+$0x250] =	vst v3  }
0x157: {  	v3 =	vld [tilespmem:s4+$0x1F0];
	_ =	sdelay $0x1  }
0x158: {  	p0 =	sne.s32 s1, $0x100  }
.Ltmp0:
0x159: {  	_ = 	snop;
	(pc) =	sbr.rel @p0 .LBB2_3-.Ltmp0, $3  }
0x15a: {  	_ = 	snop  }
0x15b: {  	v2 =	vmul.f32 v3, v2;
	_ =	sdelay $0x1  }
0x15c: {  	s1 =	sadd.s32 $0x40, s1;
	s4 =	sadd.s32 $0x400, s4;
	[tilespmem:s2+$0x260] =	vst v2;
	s2 =	sadd.s32 $0x500, s2  }
0x15d: {  	s0 =	sadd.s32 $0x1, s0  }
0x15e: {  	p0 =	sne.s32 s0, $0xFA  }
.Ltmp1:
0x15f: {  	s1 =	simm.s32 $0x0;
	(pc) =	sbr.rel @p0 .LBB2_2-.Ltmp1, $4  }
0x160: {  	[spmem:s9] =	stream.indirect.scatter.add.f32 [tilespmem:s20], [sflag:$0x4], $0x50, s1, s25, $0xb8;
	[tilespmem:$0x14840] =	vst v63  }
0x161: {  	_ =	swait.ge [sflag:s24], $0x1900  }
0x162: {  	[sflag:s24] =	ssyncset.done $0x0  }
0x163: {  	[sflag:s24] =	ssyncadd.s32 $0xFFFFE700  }
0x164: {  	s0 =	simm.s32 $0x0  }
.LBB2_6:
0x165: {  	s2 =	sshll.u32 s0, $0x3  }
0x166: {  	s4 =	rddreg [dreg:$0x5];
	s2 =	sadd.s32 s19, s2  }
0x167: {  	s4 =	sadd.s32 s4, s2  }
0x168: {  	[tilespmem:s21], [sflag:$0x4] =	stream.linear.gather [hbm4b:s4+s1], $0x40, $0x38;
	[tilespmem:$0x14840] =	vst v63  }
0x169: {  	_ =	swait.ge [sflag:s24], $0x40  }
0x16a: {  	[sflag:s24] =	ssyncset.done $0x0  }
0x16b: {  	[sflag:s24] =	ssyncadd.s32 $0xFFFFFFC0  }
0x16c: {  	s6 =	rddreg [dreg:$0x6]  }
0x16d: {  	s4 =	sadd.s32 s6, s2  }
0x16e: {  	[tilespmem:s22], [sflag:$0x4] =	stream.linear.gather [hbm4b:s4+s1], $0x40, $0x38;
	[tilespmem:$0x14840] =	vst v63  }
0x16f: {  	_ =	swait.ge [sflag:s24], $0x40  }
0x170: {  	[sflag:s24] =	ssyncset.done $0x0  }
0x171: {  	s2 =	sadd.s32 s7, s2;
	[sflag:s24] =	ssyncadd.s32 $0xFFFFFFC0  }
0x172: {  	[tilespmem:s23], [sflag:$0x4] =	stream.linear.gather [hbm4b:s2+s1], $0x40, $0x38;
	[tilespmem:$0x14840] =	vst v63  }
0x173: {  	_ =	swait.ge [sflag:s24], $0x40  }
0x174: {  	[sflag:s24] =	ssyncset.done $0x0  }
0x175: {  	[sflag:s24] =	ssyncadd.s32 $0xFFFFFFC0  }
0x176: {  	[tilespmem:s11], [sflag:$0x1] =	stream.indirect.gather [hbm4b:s13+s15], $0x40, s22, s15, $0xb8;
	[tilespmem:$0x14840] =	vst v63  }
0x177: {  	_ =	swait.ge [sflag:s14], $0x1000  }
0x178: {  	[sflag:s14] =	ssyncset.done $0x0  }
0x179: {  	s4 =	simm.s32 $0x0;
	s2 =	simm.s32 $0x3240;
	[sflag:s14] =	ssyncadd.s32 $0xFFFFF000  }
.LBB2_7:
0x17a: {  	s6 =	sshra.s32 s4, $0x2  }
0x17b: {  	v2 =	vld [tilespmem:s6+$0x3000];
	_ =	sdelay $0x1  }
0x17c: {  	v3 =	vld [tilespmem:s2+$0xFFFFFE00];
	_ =	sdelay $0x2  }
0x17d: {  	v4 =	vbroadcast v2, $0x0;
	_ =	sdelay $0x1  }
0x17e: {  	v3 =	vmul.f32 v4, v3;
	_ =	sdelay $0x1  }
0x17f: {  	[tilespmem:s2+$0xFFFFFE00] =	vst v3;
	v3 =	vld [tilespmem:s2+$0xFFFFFE10];
	_ =	sdelay $0x4  }
0x180: {  	v3 =	vmul.f32 v3, v4;
	_ =	sdelay $0x1  }
0x181: {  	[tilespmem:s2+$0xFFFFFE10] =	vst v3;
	v3 =	vld [tilespmem:s2+$0xFFFFFE20];
	_ =	sdelay $0x4  }
0x182: {  	v3 =	vmul.f32 v3, v4;
	_ =	sdelay $0x1  }
0x183: {  	[tilespmem:s2+$0xFFFFFE20] =	vst v3;
	v3 =	vld [tilespmem:s2+$0xFFFFFE30];
	_ =	sdelay $0x4  }
0x184: {  	v3 =	vmul.f32 v3, v4;
	_ =	sdelay $0x1  }
0x185: {  	[tilespmem:s2+$0xFFFFFE30] =	vst v3;
	v3 =	vld [tilespmem:s2+$0xFFFFFE40];
	_ =	sdelay $0x2  }
0x186: {  	v50 =	vbroadcast v2, $0x1;
	_ =	sdelay $0x1  }
0x187: {  	v3 =	vmul.f32 v3, v50;
	_ =	sdelay $0x1  }
0x188: {  	[tilespmem:s2+$0xFFFFFE40] =	vst v3;
	v3 =	vld [tilespmem:s2+$0xFFFFFE50];
	_ =	sdelay $0x4  }
0x189: {  	v3 =	vmul.f32 v3, v50;
	_ =	sdelay $0x1  }
0x18a: {  	[tilespmem:s2+$0xFFFFFE50] =	vst v3;
	v3 =	vld [tilespmem:s2+$0xFFFFFE60];
	_ =	sdelay $0x4  }
0x18b: {  	v3 =	vmul.f32 v3, v50;
	_ =	sdelay $0x1  }
0x18c: {  	[tilespmem:s2+$0xFFFFFE60] =	vst v3;
	v3 =	vld [tilespmem:s2+$0xFFFFFE70];
	_ =	sdelay $0x4  }
0x18d: {  	v3 =	vmul.f32 v3, v50;
	_ =	sdelay $0x1  }
0x18e: {  	[tilespmem:s2+$0xFFFFFE70] =	vst v3;
	v3 =	vld [tilespmem:s2+$0xFFFFFE80];
	_ =	sdelay $0x2  }
0x18f: {  	v51 =	vbroadcast v2, $0x2;
	_ =	sdelay $0x1  }
0x190: {  	v3 =	vmul.f32 v3, v51;
	_ =	sdelay $0x1  }
0x191: {  	[tilespmem:s2+$0xFFFFFE80] =	vst v3;
	v3 =	vld [tilespmem:s2+$0xFFFFFE90];
	_ =	sdelay $0x4  }
0x192: {  	v3 =	vmul.f32 v3, v51;
	_ =	sdelay $0x1  }
0x193: {  	[tilespmem:s2+$0xFFFFFE90] =	vst v3;
	v3 =	vld [tilespmem:s2+$0xFFFFFEA0];
	_ =	sdelay $0x4  }
0x194: {  	v3 =	vmul.f32 v3, v51;
	_ =	sdelay $0x1  }
0x195: {  	[tilespmem:s2+$0xFFFFFEA0] =	vst v3;
	v3 =	vld [tilespmem:s2+$0xFFFFFEB0];
	_ =	sdelay $0x4  }
0x196: {  	v3 =	vmul.f32 v3, v51;
	_ =	sdelay $0x1  }
0x197: {  	[tilespmem:s2+$0xFFFFFEB0] =	vst v3;
	v3 =	vld [tilespmem:s2+$0xFFFFFEC0];
	_ =	sdelay $0x2  }
0x198: {  	v52 =	vbroadcast v2, $0x3;
	_ =	sdelay $0x1  }
0x199: {  	v3 =	vmul.f32 v3, v52;
	_ =	sdelay $0x1  }
0x19a: {  	[tilespmem:s2+$0xFFFFFEC0] =	vst v3;
	v3 =	vld [tilespmem:s2+$0xFFFFFED0];
	_ =	sdelay $0x4  }
0x19b: {  	v3 =	vmul.f32 v3, v52;
	_ =	sdelay $0x1  }
0x19c: {  	[tilespmem:s2+$0xFFFFFED0] =	vst v3;
	v3 =	vld [tilespmem:s2+$0xFFFFFEE0];
	_ =	sdelay $0x4  }
0x19d: {  	v3 =	vmul.f32 v3, v52;
	_ =	sdelay $0x1  }
0x19e: {  	[tilespmem:s2+$0xFFFFFEE0] =	vst v3;
	v3 =	vld [tilespmem:s2+$0xFFFFFEF0];
	_ =	sdelay $0x4  }
0x19f: {  	v3 =	vmul.f32 v3, v52;
	_ =	sdelay $0x1  }
0x1a0: {  	[tilespmem:s2+$0xFFFFFEF0] =	vst v3;
	v3 =	vld [tilespmem:s2+$0xFFFFFF00];
	_ =	sdelay $0x2  }
0x1a1: {  	v53 =	vbroadcast v2, $0x4;
	_ =	sdelay $0x1  }
0x1a2: {  	v3 =	vmul.f32 v3, v53;
	_ =	sdelay $0x1  }
0x1a3: {  	[tilespmem:s2+$0xFFFFFF00] =	vst v3;
	v3 =	vld [tilespmem:s2+$0xFFFFFF10];
	_ =	sdelay $0x4  }
0x1a4: {  	v3 =	vmul.f32 v3, v53;
	_ =	sdelay $0x1  }
0x1a5: {  	[tilespmem:s2+$0xFFFFFF10] =	vst v3;
	v3 =	vld [tilespmem:s2+$0xFFFFFF20];
	_ =	sdelay $0x4  }
0x1a6: {  	v3 =	vmul.f32 v3, v53;
	_ =	sdelay $0x1  }
0x1a7: {  	[tilespmem:s2+$0xFFFFFF20] =	vst v3;
	v3 =	vld [tilespmem:s2+$0xFFFFFF30];
	_ =	sdelay $0x4  }
0x1a8: {  	v3 =	vmul.f32 v3, v53;
	_ =	sdelay $0x1  }
0x1a9: {  	[tilespmem:s2+$0xFFFFFF30] =	vst v3;
	v3 =	vld [tilespmem:s2+$0xFFFFFF40];
	_ =	sdelay $0x2  }
0x1aa: {  	v54 =	vbroadcast v2, $0x5;
	_ =	sdelay $0x1  }
0x1ab: {  	v3 =	vmul.f32 v3, v54;
	_ =	sdelay $0x1  }
0x1ac: {  	[tilespmem:s2+$0xFFFFFF40] =	vst v3;
	v3 =	vld [tilespmem:s2+$0xFFFFFF50];
	_ =	sdelay $0x4  }
0x1ad: {  	v3 =	vmul.f32 v3, v54;
	_ =	sdelay $0x1  }
0x1ae: {  	[tilespmem:s2+$0xFFFFFF50] =	vst v3;
	v3 =	vld [tilespmem:s2+$0xFFFFFF60];
	_ =	sdelay $0x4  }
0x1af: {  	v3 =	vmul.f32 v3, v54;
	_ =	sdelay $0x1  }
0x1b0: {  	[tilespmem:s2+$0xFFFFFF60] =	vst v3;
	v3 =	vld [tilespmem:s2+$0xFFFFFF70];
	_ =	sdelay $0x4  }
0x1b1: {  	v3 =	vmul.f32 v3, v54;
	_ =	sdelay $0x1  }
0x1b2: {  	[tilespmem:s2+$0xFFFFFF70] =	vst v3;
	v3 =	vld [tilespmem:s2+$0xFFFFFF80];
	_ =	sdelay $0x2  }
0x1b3: {  	v55 =	vbroadcast v2, $0x6;
	_ =	sdelay $0x1  }
0x1b4: {  	v3 =	vmul.f32 v3, v55;
	_ =	sdelay $0x1  }
0x1b5: {  	[tilespmem:s2+$0xFFFFFF80] =	vst v3;
	v3 =	vld [tilespmem:s2+$0xFFFFFF90];
	_ =	sdelay $0x4  }
0x1b6: {  	v3 =	vmul.f32 v3, v55;
	_ =	sdelay $0x1  }
0x1b7: {  	[tilespmem:s2+$0xFFFFFF90] =	vst v3;
	v3 =	vld [tilespmem:s2+$0xFFFFFFA0];
	_ =	sdelay $0x4  }
0x1b8: {  	v3 =	vmul.f32 v3, v55;
	_ =	sdelay $0x1  }
0x1b9: {  	[tilespmem:s2+$0xFFFFFFA0] =	vst v3;
	v3 =	vld [tilespmem:s2+$0xFFFFFFB0];
	_ =	sdelay $0x4  }
0x1ba: {  	v3 =	vmul.f32 v3, v55;
	_ =	sdelay $0x1  }
0x1bb: {  	[tilespmem:s2+$0xFFFFFFB0] =	vst v3;
	v3 =	vld [tilespmem:s2+$0xFFFFFFC0];
	_ =	sdelay $0x2  }
0x1bc: {  	v56 =	vbroadcast v2, $0x7;
	_ =	sdelay $0x1  }
0x1bd: {  	v3 =	vmul.f32 v3, v56;
	_ =	sdelay $0x1  }
0x1be: {  	[tilespmem:s2+$0xFFFFFFC0] =	vst v3;
	v3 =	vld [tilespmem:s2+$0xFFFFFFD0];
	_ =	sdelay $0x4  }
0x1bf: {  	v3 =	vmul.f32 v3, v56;
	_ =	sdelay $0x1  }
0x1c0: {  	[tilespmem:s2+$0xFFFFFFD0] =	vst v3;
	v3 =	vld [tilespmem:s2+$0xFFFFFFE0];
	_ =	sdelay $0x4  }
0x1c1: {  	v3 =	vmul.f32 v3, v56;
	_ =	sdelay $0x1  }
0x1c2: {  	[tilespmem:s2+$0xFFFFFFE0] =	vst v3;
	v3 =	vld [tilespmem:s2+$0xFFFFFFF0];
	_ =	sdelay $0x4  }
0x1c3: {  	v3 =	vmul.f32 v3, v56;
	_ =	sdelay $0x1  }
0x1c4: {  	[tilespmem:s2+$0xFFFFFFF0] =	vst v3;
	v3 =	vld [tilespmem:s2+$0x0];
	_ =	sdelay $0x2  }
0x1c5: {  	v57 =	vbroadcast v2, $0x8;
	_ =	sdelay $0x1  }
0x1c6: {  	v3 =	vmul.f32 v3, v57;
	_ =	sdelay $0x1  }
0x1c7: {  	[tilespmem:s2+$0x0] =	vst v3;
	v3 =	vld [tilespmem:s2+$0x10];
	_ =	sdelay $0x4  }
0x1c8: {  	v3 =	vmul.f32 v3, v57;
	_ =	sdelay $0x1  }
0x1c9: {  	[tilespmem:s2+$0x10] =	vst v3;
	v3 =	vld [tilespmem:s2+$0x20];
	_ =	sdelay $0x4  }
0x1ca: {  	v3 =	vmul.f32 v3, v57;
	_ =	sdelay $0x1  }
0x1cb: {  	[tilespmem:s2+$0x20] =	vst v3;
	v3 =	vld [tilespmem:s2+$0x30];
	_ =	sdelay $0x4  }
0x1cc: {  	v3 =	vmul.f32 v3, v57;
	_ =	sdelay $0x1  }
0x1cd: {  	[tilespmem:s2+$0x30] =	vst v3;
	v3 =	vld [tilespmem:s2+$0x40];
	_ =	sdelay $0x2  }
0x1ce: {  	v58 =	vbroadcast v2, $0x9;
	_ =	sdelay $0x1  }
0x1cf: {  	v3 =	vmul.f32 v3, v58;
	_ =	sdelay $0x1  }
0x1d0: {  	[tilespmem:s2+$0x40] =	vst v3;
	v3 =	vld [tilespmem:s2+$0x50];
	_ =	sdelay $0x4  }
0x1d1: {  	v3 =	vmul.f32 v3, v58;
	_ =	sdelay $0x1  }
0x1d2: {  	[tilespmem:s2+$0x50] =	vst v3;
	v3 =	vld [tilespmem:s2+$0x60];
	_ =	sdelay $0x4  }
0x1d3: {  	v3 =	vmul.f32 v3, v58;
	_ =	sdelay $0x1  }
0x1d4: {  	[tilespmem:s2+$0x60] =	vst v3;
	v3 =	vld [tilespmem:s2+$0x70];
	_ =	sdelay $0x4  }
0x1d5: {  	v3 =	vmul.f32 v3, v58;
	_ =	sdelay $0x1  }
0x1d6: {  	[tilespmem:s2+$0x70] =	vst v3;
	v3 =	vld [tilespmem:s2+$0x80];
	_ =	sdelay $0x2  }
0x1d7: {  	v59 =	vbroadcast v2, $0xA;
	_ =	sdelay $0x1  }
0x1d8: {  	v3 =	vmul.f32 v3, v59;
	_ =	sdelay $0x1  }
0x1d9: {  	[tilespmem:s2+$0x80] =	vst v3;
	v3 =	vld [tilespmem:s2+$0x90];
	_ =	sdelay $0x4  }
0x1da: {  	v3 =	vmul.f32 v3, v59;
	_ =	sdelay $0x1  }
0x1db: {  	[tilespmem:s2+$0x90] =	vst v3;
	v3 =	vld [tilespmem:s2+$0xA0];
	_ =	sdelay $0x4  }
0x1dc: {  	v3 =	vmul.f32 v3, v59;
	_ =	sdelay $0x1  }
0x1dd: {  	[tilespmem:s2+$0xA0] =	vst v3;
	v3 =	vld [tilespmem:s2+$0xB0];
	_ =	sdelay $0x4  }
0x1de: {  	v3 =	vmul.f32 v3, v59;
	_ =	sdelay $0x1  }
0x1df: {  	[tilespmem:s2+$0xB0] =	vst v3;
	v3 =	vld [tilespmem:s2+$0xC0];
	_ =	sdelay $0x2  }
0x1e0: {  	v60 =	vbroadcast v2, $0xB;
	_ =	sdelay $0x1  }
0x1e1: {  	v3 =	vmul.f32 v3, v60;
	_ =	sdelay $0x1  }
0x1e2: {  	[tilespmem:s2+$0xC0] =	vst v3;
	v3 =	vld [tilespmem:s2+$0xD0];
	_ =	sdelay $0x4  }
0x1e3: {  	v3 =	vmul.f32 v3, v60;
	_ =	sdelay $0x1  }
0x1e4: {  	[tilespmem:s2+$0xD0] =	vst v3;
	v3 =	vld [tilespmem:s2+$0xE0];
	_ =	sdelay $0x4  }
0x1e5: {  	v3 =	vmul.f32 v3, v60;
	_ =	sdelay $0x1  }
0x1e6: {  	[tilespmem:s2+$0xE0] =	vst v3;
	v3 =	vld [tilespmem:s2+$0xF0];
	_ =	sdelay $0x4  }
0x1e7: {  	v3 =	vmul.f32 v3, v60;
	_ =	sdelay $0x1  }
0x1e8: {  	[tilespmem:s2+$0xF0] =	vst v3;
	v3 =	vld [tilespmem:s2+$0x100];
	_ =	sdelay $0x2  }
0x1e9: {  	v61 =	vbroadcast v2, $0xC;
	_ =	sdelay $0x1  }
0x1ea: {  	v3 =	vmul.f32 v3, v61;
	_ =	sdelay $0x1  }
0x1eb: {  	[tilespmem:s2+$0x100] =	vst v3;
	v3 =	vld [tilespmem:s2+$0x110];
	_ =	sdelay $0x4  }
0x1ec: {  	v3 =	vmul.f32 v3, v61;
	_ =	sdelay $0x1  }
0x1ed: {  	[tilespmem:s2+$0x110] =	vst v3;
	v3 =	vld [tilespmem:s2+$0x120];
	_ =	sdelay $0x4  }
0x1ee: {  	v3 =	vmul.f32 v3, v61;
	_ =	sdelay $0x1  }
0x1ef: {  	[tilespmem:s2+$0x120] =	vst v3;
	v3 =	vld [tilespmem:s2+$0x130];
	_ =	sdelay $0x4  }
0x1f0: {  	v3 =	vmul.f32 v3, v61;
	_ =	sdelay $0x1  }
0x1f1: {  	[tilespmem:s2+$0x130] =	vst v3;
	v3 =	vld [tilespmem:s2+$0x140];
	_ =	sdelay $0x2  }
0x1f2: {  	v62 =	vbroadcast v2, $0xD;
	_ =	sdelay $0x1  }
0x1f3: {  	v3 =	vmul.f32 v3, v62;
	_ =	sdelay $0x1  }
0x1f4: {  	[tilespmem:s2+$0x140] =	vst v3;
	v3 =	vld [tilespmem:s2+$0x150];
	_ =	sdelay $0x4  }
0x1f5: {  	v3 =	vmul.f32 v3, v62;
	_ =	sdelay $0x1  }
0x1f6: {  	[tilespmem:s2+$0x150] =	vst v3;
	v3 =	vld [tilespmem:s2+$0x160];
	_ =	sdelay $0x4  }
0x1f7: {  	v3 =	vmul.f32 v3, v62;
	_ =	sdelay $0x1  }
0x1f8: {  	[tilespmem:s2+$0x160] =	vst v3;
	v3 =	vld [tilespmem:s2+$0x170];
	_ =	sdelay $0x4  }
0x1f9: {  	v3 =	vmul.f32 v3, v62;
	_ =	sdelay $0x1  }
0x1fa: {  	[tilespmem:s2+$0x170] =	vst v3;
	v3 =	vld [tilespmem:s2+$0x180];
	_ =	sdelay $0x2  }
0x1fb: {  	v63 =	vbroadcast v2, $0xE;
	_ =	sdelay $0x1  }
0x1fc: {  	v3 =	vmul.f32 v3, v63;
	_ =	sdelay $0x1  }
0x1fd: {  	[tilespmem:s2+$0x180] =	vst v3;
	v3 =	vld [tilespmem:s2+$0x190];
	_ =	sdelay $0x4  }
0x1fe: {  	v3 =	vmul.f32 v3, v63;
	_ =	sdelay $0x1  }
0x1ff: {  	[tilespmem:s2+$0x190] =	vst v3;
	v3 =	vld [tilespmem:s2+$0x1A0];
	_ =	sdelay $0x4  }
0x200: {  	v3 =	vmul.f32 v3, v63;
	_ =	sdelay $0x1  }
0x201: {  	[tilespmem:s2+$0x1A0] =	vst v3;
	v3 =	vld [tilespmem:s2+$0x1B0];
	_ =	sdelay $0x4  }
0x202: {  	v3 =	vmul.f32 v3, v63;
	_ =	sdelay $0x1  }
0x203: {  	[tilespmem:s2+$0x1B0] =	vst v3;
	v3 =	vld [tilespmem:s2+$0x1C0];
	_ =	sdelay $0x2  }
0x204: {  	v2 =	vbroadcast v2, $0xF;
	_ =	sdelay $0x1  }
0x205: {  	v3 =	vmul.f32 v3, v2;
	_ =	sdelay $0x1  }
0x206: {  	[tilespmem:s2+$0x1C0] =	vst v3;
	v3 =	vld [tilespmem:s2+$0x1D0];
	_ =	sdelay $0x4  }
0x207: {  	v3 =	vmul.f32 v3, v2;
	_ =	sdelay $0x1  }
0x208: {  	[tilespmem:s2+$0x1D0] =	vst v3;
	v3 =	vld [tilespmem:s2+$0x1E0];
	_ =	sdelay $0x4  }
0x209: {  	v3 =	vmul.f32 v3, v2;
	_ =	sdelay $0x1  }
0x20a: {  	[tilespmem:s2+$0x1E0] =	vst v3;
	v3 =	vld [tilespmem:s2+$0x1F0];
	_ =	sdelay $0x1  }
0x20b: {  	p0 =	sne.s32 s4, $0xC0  }
.Ltmp2:
0x20c: {  	_ = 	snop;
	(pc) =	sbr.rel @p0 .LBB2_7-.Ltmp2, $3  }
0x20d: {  	_ = 	snop  }
0x20e: {  	v2 =	vmul.f32 v3, v2;
	_ =	sdelay $0x1  }
0x20f: {  	s4 =	sadd.s32 $0x40, s4;
	[tilespmem:s2+$0x1F0] =	vst v2;
	s2 =	sadd.s32 $0x400, s2  }
0x210: {  	s0 =	sadd.s32 $0x1, s0  }
0x211: {  	p0 =	sne.s32 s0, $0x40  }
.Ltmp3:
0x212: {  	_ = 	snop;
	(pc) =	sbr.rel @p0 .LBB2_6-.Ltmp3, $4  }
0x213: {  	[spmem:s10] =	stream.indirect.scatter.add.f32 [tilespmem:s11], [sflag:$0x4], $0x40, s21, s15, $0xb8;
	[tilespmem:$0x14840] =	vst v63  }
0x214: {  	_ =	swait.ge [sflag:s24], $0x1000  }
0x215: {  	[sflag:s24] =	ssyncset.done $0x0  }
0x216: {  	[sflag:s24] =	ssyncadd.s32 $0xFFFFF000  }
0x217: {  	[bflag:$0x0] =	sbarrier.arrive $0xFFFF  }
0x218: {  	s1 =	rddreg [dreg:$0xf]  }
0x219: {  	s0 =	rddreg [dreg:$0x12]  }
0x21a: {  	s4 =	rddreg [dreg:$0x15]  }
0x21b: {  	[hbm:s0], [sflag:s1] =	dma.local [spmem:s4], $0x1900  }
0x21c: {  	_ =	swait.ge [sflag:s24], $0x1900  }
0x21d: {  	[sflag:s24] =	ssyncset.done $0x0;
	s6 =	rddreg [dreg:$0x13]  }
0x21e: {  	s2 =	rddreg [dreg:$0x16];
	[sflag:s24] =	ssyncadd.s32 $0xFFFFE700  }
0x21f: {  	[hbm:s6], [sflag:s1] =	dma.local [spmem:s2], $0x800  }
0x220: {  	_ =	swait.ge [sflag:s24], $0x800  }
0x221: {  	s2 =	rddreg [dreg:$0xd]  }
0x222: {  	s6 =	rddreg [dreg:$0x14];
	s0 =	sadd.s32 $0x1, s2  }
0x223: {  	p0 =	sne.s32 s0, s6  }
.Ltmp4:
0x224: {  	_ = 	snop;
	(pc) =	sbr.rel @p0 .LBB2_1-.Ltmp4, $3  }
0x225: {  	_ =	sdelay $0x1  }
0x226: {  	[sflag:s24] =	ssyncset.done $0x0  }
0x227: {  	[sflag:s24] =	ssyncadd.s32 $0xFFFFF800;
	[dreg:$0xd] =	wrdreg s0  }
0x228: {  	_ =	sfence.sel $0x180000  }
0x229: {  	[bflag:$0x0] =	sbarrier.arrive $0xFFFF  }
0x22a: {  	_ =	strace $0x90000047  }
0x22b: {  	s0 =	stileid.u32;
	[bflag:$0x2] =	sbarrier.arrive $0xFFFF  }
0x22c: {  	p0 =	sne.s32 s0, $0x0;
	s0 =	rddreg [dreg:$0xc]  }
0x22d: {  	s0 =	sadd.s32 @!p0 $0x100000, s0  }
0x22e: {  	[sflag:s0] =	ssyncadd.tile.s32 @!p0 $0x1;
	_ =	shalt  }
.Lfunc_end2:
_tile_overlayer_lowered:
.L_overlay_start_2:
0x22f: {  	(tag) =	ssettag $0x2  }
0x230: {  	s0 =	rddreg [dreg:$0x0];
	s2 =	stileid.u32  }
0x231: {  	s1 =	rddreg [dreg:$0x1];
	p0 =	sne.s32 s2, $0x0  }
0x232: {  	s3 =	rddreg [dreg:$0x2];
	[bflag:$0x3] =	sbarrier.arrive $0xFFFF;
	s2 =	simm.s32 @!p0 $0x1C04  }
0x233: {  	[timem:s3], [sflag:s2] =	dma.local @!p0 [hbm:s0], s1  }
0x234: {  	s0 =	simm.s32 @!p0 $0x4  }
0x235: {  	_ =	swait.ge @!p0 [sflag:s0], s1  }
0x236: {  	s1 =	ssub.s32 @!p0 $0x0, s1;
	[sflag:s0] =	ssyncset.done @!p0 $0x0  }
0x237: {  	[sflag:s0] =	ssyncadd.s32 @!p0 s1  }
0x238: {  	[bflag:$0x3] =	sbarrier.arrive $0xFFFF  }
0x239: {  	_ =	shalt  }

</sc_bundles>
